<compile_context>
chip_gen: v7x
topology: tpu7x:2x2x1
jax: 0.10.2.dev20260603
libtpu: 0.0.44.dev20260713+nightly
codegen_flags: <defaults>
</compile_context>

<pallas_src>
import functools
import math

import jax
import jax.numpy as jnp
from jax import lax
from jax.experimental import pallas as pl
from jax.experimental.pallas import tpu as pltpu
from jax.experimental.pallas import tpu_sc as plsc

N = 10000
E = 160000
C = 128
H = 4
DH = 32
R = 16

B = 128
NCH = E // B
B2 = 80
NCH2 = E // B2
NSUB = 32
NPAD = 10240
ROWS = NPAD // 16
DPAD = 40960
BN = 1000
INV_SQRT_DH = 1.0 / math.sqrt(DH)



def _score_body(qt, kt, src_h, dst_h, exo, outd,
                dst_i, src_i, qbuf, kbuf, exc, den, sem_q, sem_k):
    cid = lax.axis_index("c")
    sid = lax.axis_index("s")
    wid = sid * 2 + cid

    zeros16 = jnp.zeros((16,), jnp.float32)

    def zden(i, carry):
        den[pl.ds(i * 16, 16)] = zeros16
        return carry

    lax.fori_loop(0, DPAD // 16, zden, 0)

    iota16 = lax.iota(jnp.int32, 16)
    rem = NCH - (NCH // NSUB) * NSUB
    nch = jnp.where(wid < rem, NCH // NSUB + 1, NCH // NSUB)

    def chunk_body(i, carry):
        base = (wid + i * NSUB) * B
        pltpu.sync_copy(dst_h.at[pl.ds(base, B)], dst_i)
        pltpu.sync_copy(src_h.at[pl.ds(base, B)], src_i)
        cq = pltpu.async_copy(qt.at[dst_i], qbuf, sem_q)
        ck = pltpu.async_copy(kt.at[src_i], kbuf, sem_k)
        cq.wait()
        ck.wait()

        def score_group(g, carry2):
            rows = g * 16 + iota16
            dstv = dst_i[pl.ds(g * 16, 16)]
            for h in range(H):
                def dot_step(f, accv):
                    colv = jnp.full((16,), h * DH + f, jnp.int32)
                    qv = plsc.load_gather(qbuf, [rows, colv])
                    kv = plsc.load_gather(kbuf, [rows, colv])
                    return accv + qv * kv

                sc = lax.fori_loop(0, DH, dot_step,
                                   jnp.zeros((16,), jnp.float32), unroll=8)
                sc = jnp.clip(sc * INV_SQRT_DH, -10.0, 10.0)
                ex = jnp.exp(sc)
                plsc.store_scatter(exc, [rows * H + h], ex)
                plsc.addupdate_scatter(den, [dstv * H + h], ex)
            return carry2

        lax.fori_loop(0, B // 16, score_group, 0)
        pltpu.sync_copy(exc, exo.at[pl.ds(base * H, B * H)])
        return carry

    lax.fori_loop(0, nch, chunk_body, 0)
    pltpu.sync_copy(den, outd.at[wid])


def _msg_body(vw, efeat, exo, src_h, dst_h, typ_h, out,
              dst_i, src_i, typ_i, cidx, gbuf, ebuf, mbuf, exc, acc,
              sem_g, sem_e):
    cid = lax.axis_index("c")
    sid = lax.axis_index("s")
    wid = sid * 2 + cid

    zeros16 = jnp.zeros((16,), jnp.float32)

    def zrow(r, carry):
        def zcol(c2, carry2):
            mbuf[r, pl.ds(c2 * 16, 16)] = zeros16
            return carry2
        return lax.fori_loop(0, C // 16, zcol, carry)

    lax.fori_loop(0, B2, zrow, 0)

    row0 = sid * ROWS
    for j in range(ROWS // B2):
        pltpu.sync_copy(mbuf, acc.at[pl.ds(row0 + j * B2, B2)])
    plsc.subcore_barrier()

    rem = NCH2 - (NCH2 // NSUB) * NSUB
    nch = jnp.where(wid < rem, NCH2 // NSUB + 1, NCH2 // NSUB)

    def chunk_body(i, carry):
        base = (wid + i * NSUB) * B2
        pltpu.sync_copy(dst_h.at[pl.ds(base, B2)], dst_i)
        pltpu.sync_copy(src_h.at[pl.ds(base, B2)], src_i)
        pltpu.sync_copy(typ_h.at[pl.ds(base, B2)], typ_i)
        pltpu.sync_copy(exo.at[pl.ds(base * H, B2 * H)], exc)

        def mkidx(g, carry2):
            sl = pl.ds(g * 16, 16)
            cidx[sl] = typ_i[sl] * N + src_i[sl]
            return carry2

        lax.fori_loop(0, B2 // 16, mkidx, 0)

        cg = pltpu.async_copy(vw.at[cidx], gbuf, sem_g)
        ce = pltpu.async_copy(efeat.at[pl.ds(base, B2)], ebuf, sem_e)
        cg.wait()
        ce.wait()

        def msg_edge(e, carry2):
            for h in range(H):
                sv = plsc.load_gather(exc, [jnp.full((16,), e * H + h, jnp.int32)])
                for j2 in range(DH // 16):
                    sl = pl.ds(h * DH + j2 * 16, 16)
                    mbuf[e, sl] = (gbuf[e, sl] - ebuf[e, sl]) * sv
            return carry2

        lax.fori_loop(0, B2, msg_edge, 0)

        pltpu.sync_copy(mbuf, acc.at[dst_i], add=True)
        return carry

    lax.fori_loop(0, nch, chunk_body, 0)
    plsc.subcore_barrier()

    for j in range(ROWS // B2):
        r = row0 + j * B2
        pltpu.sync_copy(acc.at[pl.ds(r, B2)], mbuf)
        pltpu.sync_copy(mbuf, out.at[cid, pl.ds(r, B2)])


_SC_MESH_KW = dict(core_axis_name="c", subcore_axis_name="s",
                   num_cores=2, num_subcores=16)


@functools.lru_cache(maxsize=1)
def _score_kernel():
  return pl.kernel(
    _score_body,
    out_type=(jax.ShapeDtypeStruct((E * H,), jnp.float32),
              jax.ShapeDtypeStruct((NSUB, DPAD), jnp.float32)),
    mesh=plsc.VectorSubcoreMesh(**_SC_MESH_KW),
    compiler_params=pltpu.CompilerParams(needs_layout_passes=False),
    scratch_types=[
        pltpu.VMEM((B,), jnp.int32),
        pltpu.VMEM((B,), jnp.int32),
        pltpu.VMEM((B, C), jnp.float32),
        pltpu.VMEM((B, C), jnp.float32),
        pltpu.VMEM((B * H,), jnp.float32),
        pltpu.VMEM((DPAD,), jnp.float32),
        pltpu.SemaphoreType.DMA,
        pltpu.SemaphoreType.DMA,
    ],
  )


@functools.lru_cache(maxsize=1)
def _msg_kernel():
  return pl.kernel(
    _msg_body,
    out_type=jax.ShapeDtypeStruct((2, NPAD, C), jnp.float32),
    mesh=plsc.VectorSubcoreMesh(**_SC_MESH_KW),
    compiler_params=pltpu.CompilerParams(needs_layout_passes=False),
    scratch_types=[
        pltpu.VMEM((B2,), jnp.int32),
        pltpu.VMEM((B2,), jnp.int32),
        pltpu.VMEM((B2,), jnp.int32),
        pltpu.VMEM((B2,), jnp.int32),
        pltpu.VMEM((B2, C), jnp.float32),
        pltpu.VMEM((B2, C), jnp.float32),
        pltpu.VMEM((B2, C), jnp.float32),
        pltpu.VMEM((B2 * H,), jnp.float32),
        pltpu.VMEM_SHARED((NPAD, C), jnp.float32),
        pltpu.SemaphoreType.DMA,
        pltpu.SemaphoreType.DMA,
    ],
  )



def _qkv_body(x_ref, wq, bq, wk, bk, wv, bv, q_ref, k_ref, v_ref):
    x = x_ref[...]
    q_ref[...] = jnp.dot(x, wq[...], preferred_element_type=jnp.float32) + bq[...]
    k_ref[...] = jnp.dot(x, wk[...], preferred_element_type=jnp.float32) + bk[...]
    v_ref[...] = jnp.dot(x, wv[...], preferred_element_type=jnp.float32) + bv[...]


def _vw_body(v_ref, w_ref, o_ref):
    o_ref[0] = jnp.dot(v_ref[...], w_ref[0], preferred_element_type=jnp.float32)


def _linear_body(x_ref, w_ref, b_ref, o_ref):
    o_ref[...] = (jnp.dot(x_ref[...], w_ref[...],
                          preferred_element_type=jnp.float32) + b_ref[...])


def _dred_body(d_ref, o_ref):
    o_ref[...] = jnp.sum(d_ref[...], axis=0)


def _final_body(wd_ref, dn_ref, f_ref, wp, bp, g_ref, b_ref, w1, b1, w2, b2, o_ref):
    s = wd_ref[0] + wd_ref[1]
    recip = 1.0 / dn_ref[...]
    parts = [s[:, h * DH:(h + 1) * DH] * recip[:, h:h + 1] for h in range(H)]
    wvn = jnp.concatenate(parts, axis=1)
    y = jnp.dot(wvn, wp[...], preferred_element_type=jnp.float32) + bp[...]
    f = f_ref[...] + y
    mu = jnp.mean(f, axis=1, keepdims=True)
    d = f - mu
    var = jnp.mean(d * d, axis=1, keepdims=True)
    ln = d * lax.rsqrt(var + 1e-5) * g_ref[...] + b_ref[...]
    h1 = jnp.dot(ln, w1[...], preferred_element_type=jnp.float32) + b1[...]
    h1 = 0.5 * h1 * (1.0 + lax.erf(h1 * (1.0 / math.sqrt(2.0))))
    o_ref[...] = f + jnp.dot(h1, w2[...], preferred_element_type=jnp.float32) + b2[...]


def _row_spec(bn):
    return pl.BlockSpec((bn, C), lambda i: (i, 0))


def _full_spec(shape):
    return pl.BlockSpec(shape, lambda i: tuple(0 for _ in shape))


_qkv_call = pl.pallas_call(
    _qkv_body,
    grid=(N // BN,),
    in_specs=[_row_spec(BN)] + [_full_spec((C, C)), _full_spec((1, C))] * 3,
    out_specs=[_row_spec(BN)] * 3,
    out_shape=[jax.ShapeDtypeStruct((N, C), jnp.float32)] * 3,
)

_vw_call = pl.pallas_call(
    _vw_body,
    grid=(R, N // BN),
    in_specs=[
        pl.BlockSpec((BN, C), lambda r, i: (i, 0)),
        pl.BlockSpec((1, C, C), lambda r, i: (r, 0, 0)),
    ],
    out_specs=pl.BlockSpec((1, BN, C), lambda r, i: (r, i, 0)),
    out_shape=jax.ShapeDtypeStruct((R, N, C), jnp.float32),
)

_efeat_call = pl.pallas_call(
    _linear_body,
    grid=(E // BN,),
    in_specs=[_row_spec(BN), _full_spec((C, C)), _full_spec((1, C))],
    out_specs=_row_spec(BN),
    out_shape=jax.ShapeDtypeStruct((E, C), jnp.float32),
)

DRB = 200

_dred_call = pl.pallas_call(
    _dred_body,
    grid=(N // DRB,),
    in_specs=[pl.BlockSpec((NSUB, DRB, H), lambda i: (0, i, 0))],
    out_specs=pl.BlockSpec((DRB, H), lambda i: (i, 0)),
    out_shape=jax.ShapeDtypeStruct((N, H), jnp.float32),
)

_final_call = pl.pallas_call(
    _final_body,
    grid=(N // BN,),
    in_specs=[
        pl.BlockSpec((2, BN, C), lambda i: (0, i, 0)),
        pl.BlockSpec((BN, H), lambda i: (i, 0)),
        _row_spec(BN),
        _full_spec((C, C)), _full_spec((1, C)),
        _full_spec((1, C)), _full_spec((1, C)),
        _full_spec((C, 4 * C)), _full_spec((1, 4 * C)),
        _full_spec((4 * C, C)), _full_spec((1, C)),
    ],
    out_specs=_row_spec(BN),
    out_shape=jax.ShapeDtypeStruct((N, C), jnp.float32),
)


def kernel(feat, efeat, edge_index, edge_type, Wq, bq, Wk, bk, Wv, bv,
           Wp, bp, We, be, ln_g, ln_b, W1, b1, W2, b2, Wrel):
    src = edge_index[0]
    dst = edge_index[1]
    q, k, v = _qkv_call(feat, Wq.T, bq.reshape(1, C), Wk.T, bk.reshape(1, C),
                        Wv.T, bv.reshape(1, C))
    vw = _vw_call(v, Wrel).reshape(R * N, C)
    exo, wdn = _score_kernel()(q, k, src, dst)
    wd = _msg_kernel()(vw, efeat, exo, src, dst, edge_type)
    dens = _dred_call(wdn[:, :N * H].reshape(NSUB, N, H))
    efeat_out = _efeat_call(efeat, We.T, be.reshape(1, C))
    feat_out = _final_call(wd, dens, feat, Wp.T, bp.reshape(1, C),
                           ln_g.reshape(1, C), ln_b.reshape(1, C),
                           W1.T, b1.reshape(1, 4 * C),
                           W2.T, b2.reshape(1, C))
    return (feat_out, efeat_out)

# --- scband reference (transcript-rebuilt; emitter-appended) ---
"""Pipeline reference for scband-rgcnconv-42786464203340 (READ-ONLY COPY).

The authoritative reference and input builder live on the scoring server;
editing this copy changes nothing except your own understanding.
"""

import jax
import jax.numpy as jnp
import numpy as np
import math

N = 10000
E = 160000
C = 128
H = 4
R = 16
CHUNK = 2000

def _linear_params(key, out_d, in_d):
    k1, k2 = jax.random.split(key)
    bound = 1.0 / math.sqrt(in_d)
    W = jax.random.uniform(k1, (out_d, in_d), minval=-bound, maxval=bound, dtype=jnp.float32)
    b = jax.random.uniform(k2, (out_d,), minval=-bound, maxval=bound, dtype=jnp.float32)
    return W, b

def setup_inputs(seed: int = 0):
    key = jax.random.key(seed)
    ks = jax.random.split(key, 12)
    Wq, bq = _linear_params(ks[0], C, C)
    Wk, bk = _linear_params(ks[1], C, C)
    Wv, bv = _linear_params(ks[2], C, C)
    Wp, bp = _linear_params(ks[3], C, C)
    We, be = _linear_params(ks[4], C, C)
    W1, b1 = _linear_params(ks[5], 4 * C, C)
    W2, b2 = _linear_params(ks[6], C, 4 * C)
    ln_g = jnp.ones((C,), dtype=jnp.float32)
    ln_b = jnp.zeros((C,), dtype=jnp.float32)
    bound = 1.0 / math.sqrt(C)
    Wrel = jax.random.uniform(ks[7], (R, C, C), minval=-bound, maxval=bound, dtype=jnp.float32)
    feat = jax.random.normal(ks[8], (N, C), dtype=jnp.float32)
    efeat = jax.random.normal(ks[9], (E, C), dtype=jnp.float32)
    edge_index = jax.random.randint(ks[10], (2, E), 0, N, dtype=jnp.int32)
    edge_type = jax.random.randint(ks[11], (E,), 0, R, dtype=jnp.int32)
    return {"feat": feat, "efeat": efeat, "edge_index": edge_index, "edge_type": edge_type, "Wq": Wq, "bq": bq, "Wk": Wk, "bk": bk, "Wv": Wv, "bv": bv, "Wp": Wp, "bp": bp, "We": We, "be": be, "ln_g": ln_g, "ln_b": ln_b, "W1": W1, "b1": b1, "W2": W2, "b2": b2, "Wrel": Wrel}

def _gather_mm(vsrc, Wrel, etype):
    # per-edge matmul v[src_e] @ Wrel[type_e], chunked to avoid materializing [E, C, C]
    Ee, Cc = vsrc.shape
    vs = vsrc.reshape(-1, CHUNK, Cc)
    ts = etype.reshape(-1, CHUNK)
    out = jax.lax.map(lambda a: jnp.einsum('ec,ecd->ed', a[0], Wrel[a[1]]), (vs, ts))
    return out.reshape(Ee, Cc)

def reference(feat, efeat, edge_index, edge_type, Wq, bq, Wk, bk, Wv, bv, Wp, bp, We, be, ln_g, ln_b, W1, b1, W2, b2, Wrel):
    n, c = feat.shape
    dh = c // H
    src = edge_index[0]
    dst = edge_index[1]
    q = (feat @ Wq.T + bq).reshape(n, H, dh)
    k = (feat @ Wk.T + bk).reshape(n, H, dh)
    v = feat @ Wv.T + bv
    # edge attention scores [E, H, 1]
    score = (q[dst] * k[src]).sum(-1, keepdims=True)
    score = jnp.clip(score / math.sqrt(dh), -10.0, 10.0)
    # edge softmax over incoming edges of each dst node (per head)
    smax = jax.ops.segment_max(score, dst, num_segments=n)
    ex = jnp.exp(score - smax[dst])
    den = jax.ops.segment_sum(ex, dst, num_segments=n)
    score = ex / den[dst]
    # relation-typed message: gather_mm(v[src], W, idx_b=type)
    m = _gather_mm(v[src], Wrel, edge_type)
    m = (m - efeat).reshape(-1, H, dh)
    m = m * score
    # sum aggregation to dst nodes
    wv = jax.ops.segment_sum(m, dst, num_segments=n).reshape(n, c)
    y = wv @ Wp.T + bp
    efeat_out = efeat @ We.T + be
    feat = feat + y
    mu = feat.mean(-1, keepdims=True)
    var = feat.var(-1, keepdims=True)
    ln = (feat - mu) / jnp.sqrt(var + 1e-5) * ln_g + ln_b
    h = jax.nn.gelu(ln @ W1.T + b1, approximate=False)
    feat = feat + (h @ W2.T + b2)
    return (feat, efeat_out)

if __name__ == "__main__":
    import jax
    _d = setup_inputs()
    print(jax.jit(kernel)(*tuple(_d.values())))

</pallas_src>

<mosaic_0001>
#map = affine_map<(d0, d1) -> (0, 0)>
#map1 = affine_map<(d0, d1) -> (0)>
module attributes {stable_mosaic.version = 14 : i64} {
  func.func @_score_body(%arg0: i32, %arg1: i32, %arg2: memref<10000x128xf32, #tpu.memory_space<hbm>>, %arg3: memref<10000x128xf32, #tpu.memory_space<hbm>>, %arg4: memref<160000xi32, #tpu.memory_space<hbm>>, %arg5: memref<160000xi32, #tpu.memory_space<hbm>>, %arg6: memref<640000xf32, #tpu.memory_space<hbm>>, %arg7: memref<32x40960xf32, #tpu.memory_space<hbm>>, %arg8: memref<128xi32, #tpu.memory_space<vmem>>, %arg9: memref<128xi32, #tpu.memory_space<vmem>>, %arg10: memref<128x128xf32, #tpu.memory_space<vmem>>, %arg11: memref<128x128xf32, #tpu.memory_space<vmem>>, %arg12: memref<512xf32, #tpu.memory_space<vmem>>, %arg13: memref<40960xf32, #tpu.memory_space<vmem>>, %arg14: memref<!tpu.dma_semaphore, #tpu.memory_space<semaphore_mem>>, %arg15: memref<!tpu.dma_semaphore, #tpu.memory_space<semaphore_mem>>) attributes {dimension_semantics = [#tpu.dimension_semantics<core_parallel>, #tpu.dimension_semantics<subcore_parallel>], iteration_bounds = array<i64: 2, 16>, scalar_prefetch = 0 : i64, scratch_operands = 8 : i64, tpu.core_type = #tpu.core_type<sc_vector_subcore>, window_params = [{transform_indices = #map}, {transform_indices = #map}, {transform_indices = #map1}, {transform_indices = #map1}, {transform_indices = #map1}, {transform_indices = #map}]} {
    %mul3A = arith.constant 2 : i32
    %mul3A_0 = arith.muli %arg1, %mul3A : i32
    %add3A = arith.addi %mul3A_0, %arg0 : i32
    %broadcast_in_dim3A = arith.constant 0.000000e+00 : f32
    %broadcast_in_dim3A_1 = vector.broadcast %broadcast_in_dim3A : f32 to vector<16xf32>
    %scan3A = arith.constant 0 : i32
    %scan3A_2 = arith.constant 0 : i32
    %scan3A_3 = arith.constant 2560 : i32
    %scan3A_4 = arith.addi %scan3A_2, %scan3A_3 : i32
    %scan3A_5 = arith.constant 1 : i32
    scf.for %scan3A_18 = %scan3A_2 to %scan3A_4 step %scan3A_5  : i32 {
      %mul3A_19 = arith.constant 16 : i32
      %mul3A_20 = arith.muli %scan3A_18, %mul3A_19 : i32
      %swap3A = arith.index_cast %mul3A_20 : i32 to index
      %swap3A_21 = tpu.vector_load %arg13[%swap3A] {strides = array<i32>} : memref<40960xf32, #tpu.memory_space<vmem>>, vector<16xf32>,
      tpu.vector_store %arg13[%swap3A], %broadcast_in_dim3A_1 {strides = array<i32>} : memref<40960xf32, #tpu.memory_space<vmem>>, vector<16xf32>,
    }
    %scan3A_6 = arith.constant 2560 : i32
    %iota3A = tpu.iota {dimensions = array<i32: 0>} : vector<16xi32>
    %lt3A = arith.constant 2 : i32
    %lt3A_7 = arith.cmpi slt, %add3A, %lt3A : i32
    %jit3A = arith.constant 40 : i32
    %jit3A_8 = arith.constant 39 : i32
    %select_n3A = arith.select %lt3A_7, %jit3A, %jit3A_8 : i32
    %while3A = arith.constant 0 : i32
    %while3A_9 = arith.constant 0 : i32
    %while3A_10 = arith.subi %select_n3A, %while3A_9 : i32
    %while3A_11 = arith.addi %while3A_9, %while3A_10 : i32
    %while3A_12 = arith.constant 1 : i32
    %while3A_13 = arith.divsi %while3A_10, %while3A_12 : i32
    %while3A_14 = arith.muli %while3A_13, %while3A_12 : i32
    %while3A_15 = arith.addi %while3A_9, %while3A_14 : i32
    %while3A_16 = arith.constant 1 : i32
    scf.for %while3A_18 = %while3A_9 to %while3A_15 step %while3A_16  : i32 {
      %mul3A_19 = arith.constant 32 : i32
      %mul3A_20 = arith.muli %while3A_18, %mul3A_19 : i32
      %add3A_21 = arith.addi %add3A, %mul3A_20 : i32
      %mul3A_22 = arith.constant 128 : i32
      %mul3A_23 = arith.muli %add3A_21, %mul3A_22 : i32
      "tpu.region"() ({
        %run_scoped3A = tpu.sem_alloc : memref<!tpu.dma_semaphore, #tpu.memory_space<semaphore_mem>>
        %dma_start3A_42 = tpu.memref_slice %arg5[%mul3A_23] : memref<160000xi32, #tpu.memory_space<hbm>> -> memref<128xi32, #tpu.memory_space<hbm>>
        %dma_start3A_43 = tpu.memref_slice %arg5[%mul3A_23] : memref<160000xi32, #tpu.memory_space<hbm>> -> memref<128xi32, #tpu.memory_space<hbm>>
        tpu.enqueue_dma source(%dma_start3A_43 : memref<128xi32, #tpu.memory_space<hbm>>) target(%arg8 : memref<128xi32, #tpu.memory_space<vmem>>) target_semaphore(%run_scoped3A : memref<!tpu.dma_semaphore, #tpu.memory_space<semaphore_mem>>)
        %dma_wait3A_44 = tpu.memref_slice %arg5[%mul3A_23] : memref<160000xi32, #tpu.memory_space<hbm>> -> memref<128xi32, #tpu.memory_space<hbm>>
        %dma_wait3A_45 = tpu.memref_slice %arg5[%mul3A_23] : memref<160000xi32, #tpu.memory_space<hbm>> -> memref<128xi32, #tpu.memory_space<hbm>>
        tpu.wait_dma2 semaphore(%run_scoped3A : memref<!tpu.dma_semaphore, #tpu.memory_space<semaphore_mem>>) src(%dma_wait3A_45 : memref<128xi32, #tpu.memory_space<hbm>>) dst(%arg8 : memref<128xi32, #tpu.memory_space<vmem>>)
        tpu.yield
      }) : () -> ()
      "tpu.region"() ({
        %run_scoped3A = tpu.sem_alloc : memref<!tpu.dma_semaphore, #tpu.memory_space<semaphore_mem>>
        %dma_start3A_42 = tpu.memref_slice %arg4[%mul3A_23] : memref<160000xi32, #tpu.memory_space<hbm>> -> memref<128xi32, #tpu.memory_space<hbm>>
        %dma_start3A_43 = tpu.memref_slice %arg4[%mul3A_23] : memref<160000xi32, #tpu.memory_space<hbm>> -> memref<128xi32, #tpu.memory_space<hbm>>
        tpu.enqueue_dma source(%dma_start3A_43 : memref<128xi32, #tpu.memory_space<hbm>>) target(%arg9 : memref<128xi32, #tpu.memory_space<vmem>>) target_semaphore(%run_scoped3A : memref<!tpu.dma_semaphore, #tpu.memory_space<semaphore_mem>>)
        %dma_wait3A_44 = tpu.memref_slice %arg4[%mul3A_23] : memref<160000xi32, #tpu.memory_space<hbm>> -> memref<128xi32, #tpu.memory_space<hbm>>
        %dma_wait3A_45 = tpu.memref_slice %arg4[%mul3A_23] : memref<160000xi32, #tpu.memory_space<hbm>> -> memref<128xi32, #tpu.memory_space<hbm>>
        tpu.wait_dma2 semaphore(%run_scoped3A : memref<!tpu.dma_semaphore, #tpu.memory_space<semaphore_mem>>) src(%dma_wait3A_45 : memref<128xi32, #tpu.memory_space<hbm>>) dst(%arg9 : memref<128xi32, #tpu.memory_space<vmem>>)
        tpu.yield
      }) : () -> ()
      %dma_start3A = arith.constant 0 : i32
      %dma_start3A_24 = arith.constant 0 : i32
      %dma_start3A_25 = tpu.memref_slice %arg2[%dma_start3A, %dma_start3A_24] : memref<10000x128xf32, #tpu.memory_space<hbm>> -> memref<10000x128xf32, #tpu.memory_space<hbm>>
      tpu.enqueue_indirect_dma source(%dma_start3A_25 : memref<10000x128xf32, #tpu.memory_space<hbm>>) target(%arg10 : memref<128x128xf32, #tpu.memory_space<vmem>>) offsets(%arg8 : memref<128xi32, #tpu.memory_space<vmem>>) semaphore(%arg14 : memref<!tpu.dma_semaphore, #tpu.memory_space<semaphore_mem>>)
      %dma_start3A_26 = arith.constant 0 : i32
      %dma_start3A_27 = arith.constant 0 : i32
      %dma_start3A_28 = tpu.memref_slice %arg3[%dma_start3A_26, %dma_start3A_27] : memref<10000x128xf32, #tpu.memory_space<hbm>> -> memref<10000x128xf32, #tpu.memory_space<hbm>>
      tpu.enqueue_indirect_dma source(%dma_start3A_28 : memref<10000x128xf32, #tpu.memory_space<hbm>>) target(%arg11 : memref<128x128xf32, #tpu.memory_space<vmem>>) offsets(%arg9 : memref<128xi32, #tpu.memory_space<vmem>>) semaphore(%arg15 : memref<!tpu.dma_semaphore, #tpu.memory_space<semaphore_mem>>)
      %dma_wait3A = arith.constant 0 : i32
      %dma_wait3A_29 = arith.constant 0 : i32
      %dma_wait3A_30 = tpu.memref_slice %arg2[%dma_wait3A, %dma_wait3A_29] : memref<10000x128xf32, #tpu.memory_space<hbm>> -> memref<10000x128xf32, #tpu.memory_space<hbm>>
      tpu.wait_indirect_dma semaphore(%arg14 : memref<!tpu.dma_semaphore, #tpu.memory_space<semaphore_mem>>) src(%dma_wait3A_30 : memref<10000x128xf32, #tpu.memory_space<hbm>>) dst(%arg10 : memref<128x128xf32, #tpu.memory_space<vmem>>)
      %dma_wait3A_31 = arith.constant 0 : i32
      %dma_wait3A_32 = arith.constant 0 : i32
      %dma_wait3A_33 = tpu.memref_slice %arg3[%dma_wait3A_31, %dma_wait3A_32] : memref<10000x128xf32, #tpu.memory_space<hbm>> -> memref<10000x128xf32, #tpu.memory_space<hbm>>
      tpu.wait_indirect_dma semaphore(%arg15 : memref<!tpu.dma_semaphore, #tpu.memory_space<semaphore_mem>>) src(%dma_wait3A_33 : memref<10000x128xf32, #tpu.memory_space<hbm>>) dst(%arg11 : memref<128x128xf32, #tpu.memory_space<vmem>>)
      %scan3A_34 = arith.constant 0 : i32
      %scan3A_35 = arith.constant 0 : i32
      %scan3A_36 = arith.constant 8 : i32
      %scan3A_37 = arith.addi %scan3A_35, %scan3A_36 : i32
      %scan3A_38 = arith.constant 1 : i32
      scf.for %scan3A_42 = %scan3A_35 to %scan3A_37 step %scan3A_38  : i32 {
        %mul3A_43 = arith.constant 16 : i32
        %mul3A_44 = arith.muli %scan3A_42, %mul3A_43 : i32
        %add3A_45 = vector.broadcast %mul3A_44 : i32 to vector<16xi32>
        %add3A_46 = arith.addi %add3A_45, %iota3A : vector<16xi32>
        %mul3A_47 = arith.constant 16 : i32
        %mul3A_48 = arith.muli %scan3A_42, %mul3A_47 : i32
        %get3A = arith.index_cast %mul3A_48 : i32 to index
        %get3A_49 = tpu.vector_load %arg8[%get3A] {strides = array<i32>} : memref<128xi32, #tpu.memory_space<vmem>>, vector<16xi32>,
        %broadcast_in_dim3A_50 = arith.constant 0.000000e+00 : f32
        %broadcast_in_dim3A_51 = vector.broadcast %broadcast_in_dim3A_50 : f32 to vector<16xf32>
        %scan3A_52 = arith.constant 0 : i32
        %scan3A_53 = arith.constant 32 : i32
        %scan3A_54 = arith.addi %scan3A_52, %scan3A_53 : i32
        %scan3A_55 = arith.constant 8 : i32
        %scan3A_56 = scf.for %scan3A_167 = %scan3A_52 to %scan3A_54 step %scan3A_55 iter_args(%scan3A_168 = %broadcast_in_dim3A_51) -> (vector<16xf32>)  : i32 {
          %add3A_169 = arith.constant 0 : i32
          %add3A_170 = arith.addi %add3A_169, %scan3A_167 : i32
          %broadcast_in_dim3A_171 = vector.broadcast %add3A_170 : i32 to vector<16xi32>
          %gather3A = tpu.vector_load_idx %arg10[%add3A_46, %broadcast_in_dim3A_171] : memref<128x128xf32, #tpu.memory_space<vmem>>[vector<16xi32>, vector<16xi32>], vector<16xf32>,
          %gather3A_172 = tpu.vector_load_idx %arg11[%add3A_46, %broadcast_in_dim3A_171] : memref<128x128xf32, #tpu.memory_space<vmem>>[vector<16xi32>, vector<16xi32>], vector<16xf32>,
          %mul3A_173 = arith.mulf %gather3A, %gather3A_172 : vector<16xf32>
          %add3A_174 = arith.addf %scan3A_168, %mul3A_173 : vector<16xf32>
          %scan3A_175 = arith.constant 1 : i32
          %scan3A_176 = arith.addi %scan3A_167, %scan3A_175 : i32
          %add3A_177 = arith.constant 0 : i32
          %add3A_178 = arith.addi %add3A_177, %scan3A_176 : i32
          %broadcast_in_dim3A_179 = vector.broadcast %add3A_178 : i32 to vector<16xi32>
          %gather3A_180 = tpu.vector_load_idx %arg10[%add3A_46, %broadcast_in_dim3A_179] : memref<128x128xf32, #tpu.memory_space<vmem>>[vector<16xi32>, vector<16xi32>], vector<16xf32>,
          %gather3A_181 = tpu.vector_load_idx %arg11[%add3A_46, %broadcast_in_dim3A_179] : memref<128x128xf32, #tpu.memory_space<vmem>>[vector<16xi32>, vector<16xi32>], vector<16xf32>,
          %mul3A_182 = arith.mulf %gather3A_180, %gather3A_181 : vector<16xf32>
          %add3A_183 = arith.addf %add3A_174, %mul3A_182 : vector<16xf32>
          %scan3A_184 = arith.constant 2 : i32
          %scan3A_185 = arith.addi %scan3A_167, %scan3A_184 : i32
          %add3A_186 = arith.constant 0 : i32
          %add3A_187 = arith.addi %add3A_186, %scan3A_185 : i32
          %broadcast_in_dim3A_188 = vector.broadcast %add3A_187 : i32 to vector<16xi32>
          %gather3A_189 = tpu.vector_load_idx %arg10[%add3A_46, %broadcast_in_dim3A_188] : memref<128x128xf32, #tpu.memory_space<vmem>>[vector<16xi32>, vector<16xi32>], vector<16xf32>,
          %gather3A_190 = tpu.vector_load_idx %arg11[%add3A_46, %broadcast_in_dim3A_188] : memref<128x128xf32, #tpu.memory_space<vmem>>[vector<16xi32>, vector<16xi32>], vector<16xf32>,
          %mul3A_191 = arith.mulf %gather3A_189, %gather3A_190 : vector<16xf32>
          %add3A_192 = arith.addf %add3A_183, %mul3A_191 : vector<16xf32>
          %scan3A_193 = arith.constant 3 : i32
          %scan3A_194 = arith.addi %scan3A_167, %scan3A_193 : i32
          %add3A_195 = arith.constant 0 : i32
          %add3A_196 = arith.addi %add3A_195, %scan3A_194 : i32
          %broadcast_in_dim3A_197 = vector.broadcast %add3A_196 : i32 to vector<16xi32>
          %gather3A_198 = tpu.vector_load_idx %arg10[%add3A_46, %broadcast_in_dim3A_197] : memref<128x128xf32, #tpu.memory_space<vmem>>[vector<16xi32>, vector<16xi32>], vector<16xf32>,
          %gather3A_199 = tpu.vector_load_idx %arg11[%add3A_46, %broadcast_in_dim3A_197] : memref<128x128xf32, #tpu.memory_space<vmem>>[vector<16xi32>, vector<16xi32>], vector<16xf32>,
          %mul3A_200 = arith.mulf %gather3A_198, %gather3A_199 : vector<16xf32>
          %add3A_201 = arith.addf %add3A_192, %mul3A_200 : vector<16xf32>
          %scan3A_202 = arith.constant 4 : i32
          %scan3A_203 = arith.addi %scan3A_167, %scan3A_202 : i32
          %add3A_204 = arith.constant 0 : i32
          %add3A_205 = arith.addi %add3A_204, %scan3A_203 : i32
          %broadcast_in_dim3A_206 = vector.broadcast %add3A_205 : i32 to vector<16xi32>
          %gather3A_207 = tpu.vector_load_idx %arg10[%add3A_46, %broadcast_in_dim3A_206] : memref<128x128xf32, #tpu.memory_space<vmem>>[vector<16xi32>, vector<16xi32>], vector<16xf32>,
          %gather3A_208 = tpu.vector_load_idx %arg11[%add3A_46, %broadcast_in_dim3A_206] : memref<128x128xf32, #tpu.memory_space<vmem>>[vector<16xi32>, vector<16xi32>], vector<16xf32>,
          %mul3A_209 = arith.mulf %gather3A_207, %gather3A_208 : vector<16xf32>
          %add3A_210 = arith.addf %add3A_201, %mul3A_209 : vector<16xf32>
          %scan3A_211 = arith.constant 5 : i32
          %scan3A_212 = arith.addi %scan3A_167, %scan3A_211 : i32
          %add3A_213 = arith.constant 0 : i32
          %add3A_214 = arith.addi %add3A_213, %scan3A_212 : i32
          %broadcast_in_dim3A_215 = vector.broadcast %add3A_214 : i32 to vector<16xi32>
          %gather3A_216 = tpu.vector_load_idx %arg10[%add3A_46, %broadcast_in_dim3A_215] : memref<128x128xf32, #tpu.memory_space<vmem>>[vector<16xi32>, vector<16xi32>], vector<16xf32>,
          %gather3A_217 = tpu.vector_load_idx %arg11[%add3A_46, %broadcast_in_dim3A_215] : memref<128x128xf32, #tpu.memory_space<vmem>>[vector<16xi32>, vector<16xi32>], vector<16xf32>,
          %mul3A_218 = arith.mulf %gather3A_216, %gather3A_217 : vector<16xf32>
          %add3A_219 = arith.addf %add3A_210, %mul3A_218 : vector<16xf32>
          %scan3A_220 = arith.constant 6 : i32
          %scan3A_221 = arith.addi %scan3A_167, %scan3A_220 : i32
          %add3A_222 = arith.constant 0 : i32
          %add3A_223 = arith.addi %add3A_222, %scan3A_221 : i32
          %broadcast_in_dim3A_224 = vector.broadcast %add3A_223 : i32 to vector<16xi32>
          %gather3A_225 = tpu.vector_load_idx %arg10[%add3A_46, %broadcast_in_dim3A_224] : memref<128x128xf32, #tpu.memory_space<vmem>>[vector<16xi32>, vector<16xi32>], vector<16xf32>,
          %gather3A_226 = tpu.vector_load_idx %arg11[%add3A_46, %broadcast_in_dim3A_224] : memref<128x128xf32, #tpu.memory_space<vmem>>[vector<16xi32>, vector<16xi32>], vector<16xf32>,
          %mul3A_227 = arith.mulf %gather3A_225, %gather3A_226 : vector<16xf32>
          %add3A_228 = arith.addf %add3A_219, %mul3A_227 : vector<16xf32>
          %scan3A_229 = arith.constant 7 : i32
          %scan3A_230 = arith.addi %scan3A_167, %scan3A_229 : i32
          %add3A_231 = arith.constant 0 : i32
          %add3A_232 = arith.addi %add3A_231, %scan3A_230 : i32
          %broadcast_in_dim3A_233 = vector.broadcast %add3A_232 : i32 to vector<16xi32>
          %gather3A_234 = tpu.vector_load_idx %arg10[%add3A_46, %broadcast_in_dim3A_233] : memref<128x128xf32, #tpu.memory_space<vmem>>[vector<16xi32>, vector<16xi32>], vector<16xf32>,
          %gather3A_235 = tpu.vector_load_idx %arg11[%add3A_46, %broadcast_in_dim3A_233] : memref<128x128xf32, #tpu.memory_space<vmem>>[vector<16xi32>, vector<16xi32>], vector<16xf32>,
          %mul3A_236 = arith.mulf %gather3A_234, %gather3A_235 : vector<16xf32>
          %add3A_237 = arith.addf %add3A_228, %mul3A_236 : vector<16xf32>
          scf.yield %add3A_237 : vector<16xf32>
        }
        %scan3A_57 = arith.constant 32 : i32
        %mul3A_58 = arith.constant 0.176776692 : f32
        %mul3A_59 = vector.broadcast %mul3A_58 : f32 to vector<16xf32>
        %mul3A_60 = arith.mulf %scan3A_56, %mul3A_59 : vector<16xf32>
        %jit3A_61 = arith.constant -1.000000e+01 : f32
        %jit3A_62 = arith.constant 1.000000e+01 : f32
        %max3A = vector.broadcast %jit3A_61 : f32 to vector<16xf32>
        %max3A_63 = arith.maximumf %max3A, %mul3A_60 : vector<16xf32>
        %min3A = vector.broadcast %jit3A_62 : f32 to vector<16xf32>
        %min3A_64 = arith.minimumf %min3A, %max3A_63 : vector<16xf32>
        %exp3A = math.exp %min3A_64 : vector<16xf32>
        %mul3A_65 = arith.constant 4 : i32
        %mul3A_66 = vector.broadcast %mul3A_65 : i32 to vector<16xi32>
        %mul3A_67 = arith.muli %add3A_46, %mul3A_66 : vector<16xi32>
        %add3A_68 = arith.constant 0 : i32
        %add3A_69 = vector.broadcast %add3A_68 : i32 to vector<16xi32>
        %add3A_70 = arith.addi %mul3A_67, %add3A_69 : vector<16xi32>
        tpu.vector_store_idx %arg12[%add3A_70], %exp3A : memref<512xf32, #tpu.memory_space<vmem>>[vector<16xi32>], vector<16xf32>,
        %mul3A_71 = arith.constant 4 : i32
        %mul3A_72 = vector.broadcast %mul3A_71 : i32 to vector<16xi32>
        %mul3A_73 = arith.muli %get3A_49, %mul3A_72 : vector<16xi32>
        %add3A_74 = arith.constant 0 : i32
        %add3A_75 = vector.broadcast %add3A_74 : i32 to vector<16xi32>
        %add3A_76 = arith.addi %mul3A_73, %add3A_75 : vector<16xi32>
        tpu.vector_store_idx %arg13[%add3A_76], %exp3A {add = true} : memref<40960xf32, #tpu.memory_space<vmem>>[vector<16xi32>], vector<16xf32>,
        %broadcast_in_dim3A_77 = arith.constant 0.000000e+00 : f32
        %broadcast_in_dim3A_78 = vector.broadcast %broadcast_in_dim3A_77 : f32 to vector<16xf32>
        %scan3A_79 = arith.constant 0 : i32
        %scan3A_80 = arith.constant 32 : i32
        %scan3A_81 = arith.addi %scan3A_79, %scan3A_80 : i32
        %scan3A_82 = arith.constant 8 : i32
        %scan3A_83 = scf.for %scan3A_167 = %scan3A_79 to %scan3A_81 step %scan3A_82 iter_args(%scan3A_168 = %broadcast_in_dim3A_78) -> (vector<16xf32>)  : i32 {
          %add3A_169 = arith.constant 32 : i32
          %add3A_170 = arith.addi %add3A_169, %scan3A_167 : i32
          %broadcast_in_dim3A_171 = vector.broadcast %add3A_170 : i32 to vector<16xi32>
          %gather3A = tpu.vector_load_idx %arg10[%add3A_46, %broadcast_in_dim3A_171] : memref<128x128xf32, #tpu.memory_space<vmem>>[vector<16xi32>, vector<16xi32>], vector<16xf32>,
          %gather3A_172 = tpu.vector_load_idx %arg11[%add3A_46, %broadcast_in_dim3A_171] : memref<128x128xf32, #tpu.memory_space<vmem>>[vector<16xi32>, vector<16xi32>], vector<16xf32>,
          %mul3A_173 = arith.mulf %gather3A, %gather3A_172 : vector<16xf32>
          %add3A_174 = arith.addf %scan3A_168, %mul3A_173 : vector<16xf32>
          %scan3A_175 = arith.constant 1 : i32
          %scan3A_176 = arith.addi %scan3A_167, %scan3A_175 : i32
          %add3A_177 = arith.constant 32 : i32
          %add3A_178 = arith.addi %add3A_177, %scan3A_176 : i32
          %broadcast_in_dim3A_179 = vector.broadcast %add3A_178 : i32 to vector<16xi32>
          %gather3A_180 = tpu.vector_load_idx %arg10[%add3A_46, %broadcast_in_dim3A_179] : memref<128x128xf32, #tpu.memory_space<vmem>>[vector<16xi32>, vector<16xi32>], vector<16xf32>,
          %gather3A_181 = tpu.vector_load_idx %arg11[%add3A_46, %broadcast_in_dim3A_179] : memref<128x128xf32, #tpu.memory_space<vmem>>[vector<16xi32>, vector<16xi32>], vector<16xf32>,
          %mul3A_182 = arith.mulf %gather3A_180, %gather3A_181 : vector<16xf32>
          %add3A_183 = arith.addf %add3A_174, %mul3A_182 : vector<16xf32>
          %scan3A_184 = arith.constant 2 : i32
          %scan3A_185 = arith.addi %scan3A_167, %scan3A_184 : i32
          %add3A_186 = arith.constant 32 : i32
          %add3A_187 = arith.addi %add3A_186, %scan3A_185 : i32
          %broadcast_in_dim3A_188 = vector.broadcast %add3A_187 : i32 to vector<16xi32>
          %gather3A_189 = tpu.vector_load_idx %arg10[%add3A_46, %broadcast_in_dim3A_188] : memref<128x128xf32, #tpu.memory_space<vmem>>[vector<16xi32>, vector<16xi32>], vector<16xf32>,
          %gather3A_190 = tpu.vector_load_idx %arg11[%add3A_46, %broadcast_in_dim3A_188] : memref<128x128xf32, #tpu.memory_space<vmem>>[vector<16xi32>, vector<16xi32>], vector<16xf32>,
          %mul3A_191 = arith.mulf %gather3A_189, %gather3A_190 : vector<16xf32>
          %add3A_192 = arith.addf %add3A_183, %mul3A_191 : vector<16xf32>
          %scan3A_193 = arith.constant 3 : i32
          %scan3A_194 = arith.addi %scan3A_167, %scan3A_193 : i32
          %add3A_195 = arith.constant 32 : i32
          %add3A_196 = arith.addi %add3A_195, %scan3A_194 : i32
          %broadcast_in_dim3A_197 = vector.broadcast %add3A_196 : i32 to vector<16xi32>
          %gather3A_198 = tpu.vector_load_idx %arg10[%add3A_46, %broadcast_in_dim3A_197] : memref<128x128xf32, #tpu.memory_space<vmem>>[vector<16xi32>, vector<16xi32>], vector<16xf32>,
          %gather3A_199 = tpu.vector_load_idx %arg11[%add3A_46, %broadcast_in_dim3A_197] : memref<128x128xf32, #tpu.memory_space<vmem>>[vector<16xi32>, vector<16xi32>], vector<16xf32>,
          %mul3A_200 = arith.mulf %gather3A_198, %gather3A_199 : vector<16xf32>
          %add3A_201 = arith.addf %add3A_192, %mul3A_200 : vector<16xf32>
          %scan3A_202 = arith.constant 4 : i32
          %scan3A_203 = arith.addi %scan3A_167, %scan3A_202 : i32
          %add3A_204 = arith.constant 32 : i32
          %add3A_205 = arith.addi %add3A_204, %scan3A_203 : i32
          %broadcast_in_dim3A_206 = vector.broadcast %add3A_205 : i32 to vector<16xi32>
          %gather3A_207 = tpu.vector_load_idx %arg10[%add3A_46, %broadcast_in_dim3A_206] : memref<128x128xf32, #tpu.memory_space<vmem>>[vector<16xi32>, vector<16xi32>], vector<16xf32>,
          %gather3A_208 = tpu.vector_load_idx %arg11[%add3A_46, %broadcast_in_dim3A_206] : memref<128x128xf32, #tpu.memory_space<vmem>>[vector<16xi32>, vector<16xi32>], vector<16xf32>,
          %mul3A_209 = arith.mulf %gather3A_207, %gather3A_208 : vector<16xf32>
          %add3A_210 = arith.addf %add3A_201, %mul3A_209 : vector<16xf32>
          %scan3A_211 = arith.constant 5 : i32
          %scan3A_212 = arith.addi %scan3A_167, %scan3A_211 : i32
          %add3A_213 = arith.constant 32 : i32
          %add3A_214 = arith.addi %add3A_213, %scan3A_212 : i32
          %broadcast_in_dim3A_215 = vector.broadcast %add3A_214 : i32 to vector<16xi32>
          %gather3A_216 = tpu.vector_load_idx %arg10[%add3A_46, %broadcast_in_dim3A_215] : memref<128x128xf32, #tpu.memory_space<vmem>>[vector<16xi32>, vector<16xi32>], vector<16xf32>,
          %gather3A_217 = tpu.vector_load_idx %arg11[%add3A_46, %broadcast_in_dim3A_215] : memref<128x128xf32, #tpu.memory_space<vmem>>[vector<16xi32>, vector<16xi32>], vector<16xf32>,
          %mul3A_218 = arith.mulf %gather3A_216, %gather3A_217 : vector<16xf32>
          %add3A_219 = arith.addf %add3A_210, %mul3A_218 : vector<16xf32>
          %scan3A_220 = arith.constant 6 : i32
          %scan3A_221 = arith.addi %scan3A_167, %scan3A_220 : i32
          %add3A_222 = arith.constant 32 : i32
          %add3A_223 = arith.addi %add3A_222, %scan3A_221 : i32
          %broadcast_in_dim3A_224 = vector.broadcast %add3A_223 : i32 to vector<16xi32>
          %gather3A_225 = tpu.vector_load_idx %arg10[%add3A_46, %broadcast_in_dim3A_224] : memref<128x128xf32, #tpu.memory_space<vmem>>[vector<16xi32>, vector<16xi32>], vector<16xf32>,
          %gather3A_226 = tpu.vector_load_idx %arg11[%add3A_46, %broadcast_in_dim3A_224] : memref<128x128xf32, #tpu.memory_space<vmem>>[vector<16xi32>, vector<16xi32>], vector<16xf32>,
          %mul3A_227 = arith.mulf %gather3A_225, %gather3A_226 : vector<16xf32>
          %add3A_228 = arith.addf %add3A_219, %mul3A_227 : vector<16xf32>
          %scan3A_229 = arith.constant 7 : i32
          %scan3A_230 = arith.addi %scan3A_167, %scan3A_229 : i32
          %add3A_231 = arith.constant 32 : i32
          %add3A_232 = arith.addi %add3A_231, %scan3A_230 : i32
          %broadcast_in_dim3A_233 = vector.broadcast %add3A_232 : i32 to vector<16xi32>
          %gather3A_234 = tpu.vector_load_idx %arg10[%add3A_46, %broadcast_in_dim3A_233] : memref<128x128xf32, #tpu.memory_space<vmem>>[vector<16xi32>, vector<16xi32>], vector<16xf32>,
          %gather3A_235 = tpu.vector_load_idx %arg11[%add3A_46, %broadcast_in_dim3A_233] : memref<128x128xf32, #tpu.memory_space<vmem>>[vector<16xi32>, vector<16xi32>], vector<16xf32>,
          %mul3A_236 = arith.mulf %gather3A_234, %gather3A_235 : vector<16xf32>
          %add3A_237 = arith.addf %add3A_228, %mul3A_236 : vector<16xf32>
          scf.yield %add3A_237 : vector<16xf32>
        }
        %scan3A_84 = arith.constant 32 : i32
        %mul3A_85 = arith.constant 0.176776692 : f32
        %mul3A_86 = vector.broadcast %mul3A_85 : f32 to vector<16xf32>
        %mul3A_87 = arith.mulf %scan3A_83, %mul3A_86 : vector<16xf32>
        %jit3A_88 = arith.constant -1.000000e+01 : f32
        %jit3A_89 = arith.constant 1.000000e+01 : f32
        %max3A_90 = vector.broadcast %jit3A_88 : f32 to vector<16xf32>
        %max3A_91 = arith.maximumf %max3A_90, %mul3A_87 : vector<16xf32>
        %min3A_92 = vector.broadcast %jit3A_89 : f32 to vector<16xf32>
        %min3A_93 = arith.minimumf %min3A_92, %max3A_91 : vector<16xf32>
        %exp3A_94 = math.exp %min3A_93 : vector<16xf32>
        %mul3A_95 = arith.constant 4 : i32
        %mul3A_96 = vector.broadcast %mul3A_95 : i32 to vector<16xi32>
        %mul3A_97 = arith.muli %add3A_46, %mul3A_96 : vector<16xi32>
        %add3A_98 = arith.constant 1 : i32
        %add3A_99 = vector.broadcast %add3A_98 : i32 to vector<16xi32>
        %add3A_100 = arith.addi %mul3A_97, %add3A_99 : vector<16xi32>
        tpu.vector_store_idx %arg12[%add3A_100], %exp3A_94 : memref<512xf32, #tpu.memory_space<vmem>>[vector<16xi32>], vector<16xf32>,
        %mul3A_101 = arith.constant 4 : i32
        %mul3A_102 = vector.broadcast %mul3A_101 : i32 to vector<16xi32>
        %mul3A_103 = arith.muli %get3A_49, %mul3A_102 : vector<16xi32>
        %add3A_104 = arith.constant 1 : i32
        %add3A_105 = vector.broadcast %add3A_104 : i32 to vector<16xi32>
        %add3A_106 = arith.addi %mul3A_103, %add3A_105 : vector<16xi32>
        tpu.vector_store_idx %arg13[%add3A_106], %exp3A_94 {add = true} : memref<40960xf32, #tpu.memory_space<vmem>>[vector<16xi32>], vector<16xf32>,
        %broadcast_in_dim3A_107 = arith.constant 0.000000e+00 : f32
        %broadcast_in_dim3A_108 = vector.broadcast %broadcast_in_dim3A_107 : f32 to vector<16xf32>
        %scan3A_109 = arith.constant 0 : i32
        %scan3A_110 = arith.constant 32 : i32
        %scan3A_111 = arith.addi %scan3A_109, %scan3A_110 : i32
        %scan3A_112 = arith.constant 8 : i32
        %scan3A_113 = scf.for %scan3A_167 = %scan3A_109 to %scan3A_111 step %scan3A_112 iter_args(%scan3A_168 = %broadcast_in_dim3A_108) -> (vector<16xf32>)  : i32 {
          %add3A_169 = arith.constant 64 : i32
          %add3A_170 = arith.addi %add3A_169, %scan3A_167 : i32
          %broadcast_in_dim3A_171 = vector.broadcast %add3A_170 : i32 to vector<16xi32>
          %gather3A = tpu.vector_load_idx %arg10[%add3A_46, %broadcast_in_dim3A_171] : memref<128x128xf32, #tpu.memory_space<vmem>>[vector<16xi32>, vector<16xi32>], vector<16xf32>,
          %gather3A_172 = tpu.vector_load_idx %arg11[%add3A_46, %broadcast_in_dim3A_171] : memref<128x128xf32, #tpu.memory_space<vmem>>[vector<16xi32>, vector<16xi32>], vector<16xf32>,
          %mul3A_173 = arith.mulf %gather3A, %gather3A_172 : vector<16xf32>
          %add3A_174 = arith.addf %scan3A_168, %mul3A_173 : vector<16xf32>
          %scan3A_175 = arith.constant 1 : i32
          %scan3A_176 = arith.addi %scan3A_167, %scan3A_175 : i32
          %add3A_177 = arith.constant 64 : i32
          %add3A_178 = arith.addi %add3A_177, %scan3A_176 : i32
          %broadcast_in_dim3A_179 = vector.broadcast %add3A_178 : i32 to vector<16xi32>
          %gather3A_180 = tpu.vector_load_idx %arg10[%add3A_46, %broadcast_in_dim3A_179] : memref<128x128xf32, #tpu.memory_space<vmem>>[vector<16xi32>, vector<16xi32>], vector<16xf32>,
          %gather3A_181 = tpu.vector_load_idx %arg11[%add3A_46, %broadcast_in_dim3A_179] : memref<128x128xf32, #tpu.memory_space<vmem>>[vector<16xi32>, vector<16xi32>], vector<16xf32>,
          %mul3A_182 = arith.mulf %gather3A_180, %gather3A_181 : vector<16xf32>
          %add3A_183 = arith.addf %add3A_174, %mul3A_182 : vector<16xf32>
          %scan3A_184 = arith.constant 2 : i32
          %scan3A_185 = arith.addi %scan3A_167, %scan3A_184 : i32
          %add3A_186 = arith.constant 64 : i32
          %add3A_187 = arith.addi %add3A_186, %scan3A_185 : i32
          %broadcast_in_dim3A_188 = vector.broadcast %add3A_187 : i32 to vector<16xi32>
          %gather3A_189 = tpu.vector_load_idx %arg10[%add3A_46, %broadcast_in_dim3A_188] : memref<128x128xf32, #tpu.memory_space<vmem>>[vector<16xi32>, vector<16xi32>], vector<16xf32>,
          %gather3A_190 = tpu.vector_load_idx %arg11[%add3A_46, %broadcast_in_dim3A_188] : memref<128x128xf32, #tpu.memory_space<vmem>>[vector<16xi32>, vector<16xi32>], vector<16xf32>,
          %mul3A_191 = arith.mulf %gather3A_189, %gather3A_190 : vector<16xf32>
          %add3A_192 = arith.addf %add3A_183, %mul3A_191 : vector<16xf32>
          %scan3A_193 = arith.constant 3 : i32
          %scan3A_194 = arith.addi %scan3A_167, %scan3A_193 : i32
          %add3A_195 = arith.constant 64 : i32
          %add3A_196 = arith.addi %add3A_195, %scan3A_194 : i32
          %broadcast_in_dim3A_197 = vector.broadcast %add3A_196 : i32 to vector<16xi32>
          %gather3A_198 = tpu.vector_load_idx %arg10[%add3A_46, %broadcast_in_dim3A_197] : memref<128x128xf32, #tpu.memory_space<vmem>>[vector<16xi32>, vector<16xi32>], vector<16xf32>,
          %gather3A_199 = tpu.vector_load_idx %arg11[%add3A_46, %broadcast_in_dim3A_197] : memref<128x128xf32, #tpu.memory_space<vmem>>[vector<16xi32>, vector<16xi32>], vector<16xf32>,
          %mul3A_200 = arith.mulf %gather3A_198, %gather3A_199 : vector<16xf32>
          %add3A_201 = arith.addf %add3A_192, %mul3A_200 : vector<16xf32>
          %scan3A_202 = arith.constant 4 : i32
          %scan3A_203 = arith.addi %scan3A_167, %scan3A_202 : i32
          %add3A_204 = arith.constant 64 : i32
          %add3A_205 = arith.addi %add3A_204, %scan3A_203 : i32
          %broadcast_in_dim3A_206 = vector.broadcast %add3A_205 : i32 to vector<16xi32>
          %gather3A_207 = tpu.vector_load_idx %arg10[%add3A_46, %broadcast_in_dim3A_206] : memref<128x128xf32, #tpu.memory_space<vmem>>[vector<16xi32>, vector<16xi32>], vector<16xf32>,
          %gather3A_208 = tpu.vector_load_idx %arg11[%add3A_46, %broadcast_in_dim3A_206] : memref<128x128xf32, #tpu.memory_space<vmem>>[vector<16xi32>, vector<16xi32>], vector<16xf32>,
          %mul3A_209 = arith.mulf %gather3A_207, %gather3A_208 : vector<16xf32>
          %add3A_210 = arith.addf %add3A_201, %mul3A_209 : vector<16xf32>
          %scan3A_211 = arith.constant 5 : i32
          %scan3A_212 = arith.addi %scan3A_167, %scan3A_211 : i32
          %add3A_213 = arith.constant 64 : i32
          %add3A_214 = arith.addi %add3A_213, %scan3A_212 : i32
          %broadcast_in_dim3A_215 = vector.broadcast %add3A_214 : i32 to vector<16xi32>
          %gather3A_216 = tpu.vector_load_idx %arg10[%add3A_46, %broadcast_in_dim3A_215] : memref<128x128xf32, #tpu.memory_space<vmem>>[vector<16xi32>, vector<16xi32>], vector<16xf32>,
          %gather3A_217 = tpu.vector_load_idx %arg11[%add3A_46, %broadcast_in_dim3A_215] : memref<128x128xf32, #tpu.memory_space<vmem>>[vector<16xi32>, vector<16xi32>], vector<16xf32>,
          %mul3A_218 = arith.mulf %gather3A_216, %gather3A_217 : vector<16xf32>
          %add3A_219 = arith.addf %add3A_210, %mul3A_218 : vector<16xf32>
          %scan3A_220 = arith.constant 6 : i32
          %scan3A_221 = arith.addi %scan3A_167, %scan3A_220 : i32
          %add3A_222 = arith.constant 64 : i32
          %add3A_223 = arith.addi %add3A_222, %scan3A_221 : i32
          %broadcast_in_dim3A_224 = vector.broadcast %add3A_223 : i32 to vector<16xi32>
          %gather3A_225 = tpu.vector_load_idx %arg10[%add3A_46, %broadcast_in_dim3A_224] : memref<128x128xf32, #tpu.memory_space<vmem>>[vector<16xi32>, vector<16xi32>], vector<16xf32>,
          %gather3A_226 = tpu.vector_load_idx %arg11[%add3A_46, %broadcast_in_dim3A_224] : memref<128x128xf32, #tpu.memory_space<vmem>>[vector<16xi32>, vector<16xi32>], vector<16xf32>,
          %mul3A_227 = arith.mulf %gather3A_225, %gather3A_226 : vector<16xf32>
          %add3A_228 = arith.addf %add3A_219, %mul3A_227 : vector<16xf32>
          %scan3A_229 = arith.constant 7 : i32
          %scan3A_230 = arith.addi %scan3A_167, %scan3A_229 : i32
          %add3A_231 = arith.constant 64 : i32
          %add3A_232 = arith.addi %add3A_231, %scan3A_230 : i32
          %broadcast_in_dim3A_233 = vector.broadcast %add3A_232 : i32 to vector<16xi32>
          %gather3A_234 = tpu.vector_load_idx %arg10[%add3A_46, %broadcast_in_dim3A_233] : memref<128x128xf32, #tpu.memory_space<vmem>>[vector<16xi32>, vector<16xi32>], vector<16xf32>,
          %gather3A_235 = tpu.vector_load_idx %arg11[%add3A_46, %broadcast_in_dim3A_233] : memref<128x128xf32, #tpu.memory_space<vmem>>[vector<16xi32>, vector<16xi32>], vector<16xf32>,
          %mul3A_236 = arith.mulf %gather3A_234, %gather3A_235 : vector<16xf32>
          %add3A_237 = arith.addf %add3A_228, %mul3A_236 : vector<16xf32>
          scf.yield %add3A_237 : vector<16xf32>
        }
        %scan3A_114 = arith.constant 32 : i32
        %mul3A_115 = arith.constant 0.176776692 : f32
        %mul3A_116 = vector.broadcast %mul3A_115 : f32 to vector<16xf32>
        %mul3A_117 = arith.mulf %scan3A_113, %mul3A_116 : vector<16xf32>
        %jit3A_118 = arith.constant -1.000000e+01 : f32
        %jit3A_119 = arith.constant 1.000000e+01 : f32
        %max3A_120 = vector.broadcast %jit3A_118 : f32 to vector<16xf32>
        %max3A_121 = arith.maximumf %max3A_120, %mul3A_117 : vector<16xf32>
        %min3A_122 = vector.broadcast %jit3A_119 : f32 to vector<16xf32>
        %min3A_123 = arith.minimumf %min3A_122, %max3A_121 : vector<16xf32>
        %exp3A_124 = math.exp %min3A_123 : vector<16xf32>
        %mul3A_125 = arith.constant 4 : i32
        %mul3A_126 = vector.broadcast %mul3A_125 : i32 to vector<16xi32>
        %mul3A_127 = arith.muli %add3A_46, %mul3A_126 : vector<16xi32>
        %add3A_128 = arith.constant 2 : i32
        %add3A_129 = vector.broadcast %add3A_128 : i32 to vector<16xi32>
        %add3A_130 = arith.addi %mul3A_127, %add3A_129 : vector<16xi32>
        tpu.vector_store_idx %arg12[%add3A_130], %exp3A_124 : memref<512xf32, #tpu.memory_space<vmem>>[vector<16xi32>], vector<16xf32>,
        %mul3A_131 = arith.constant 4 : i32
        %mul3A_132 = vector.broadcast %mul3A_131 : i32 to vector<16xi32>
        %mul3A_133 = arith.muli %get3A_49, %mul3A_132 : vector<16xi32>
        %add3A_134 = arith.constant 2 : i32
        %add3A_135 = vector.broadcast %add3A_134 : i32 to vector<16xi32>
        %add3A_136 = arith.addi %mul3A_133, %add3A_135 : vector<16xi32>
        tpu.vector_store_idx %arg13[%add3A_136], %exp3A_124 {add = true} : memref<40960xf32, #tpu.memory_space<vmem>>[vector<16xi32>], vector<16xf32>,
        %broadcast_in_dim3A_137 = arith.constant 0.000000e+00 : f32
        %broadcast_in_dim3A_138 = vector.broadcast %broadcast_in_dim3A_137 : f32 to vector<16xf32>
        %scan3A_139 = arith.constant 0 : i32
        %scan3A_140 = arith.constant 32 : i32
        %scan3A_141 = arith.addi %scan3A_139, %scan3A_140 : i32
        %scan3A_142 = arith.constant 8 : i32
        %scan3A_143 = scf.for %scan3A_167 = %scan3A_139 to %scan3A_141 step %scan3A_142 iter_args(%scan3A_168 = %broadcast_in_dim3A_138) -> (vector<16xf32>)  : i32 {
          %add3A_169 = arith.constant 96 : i32
          %add3A_170 = arith.addi %add3A_169, %scan3A_167 : i32
          %broadcast_in_dim3A_171 = vector.broadcast %add3A_170 : i32 to vector<16xi32>
          %gather3A = tpu.vector_load_idx %arg10[%add3A_46, %broadcast_in_dim3A_171] : memref<128x128xf32, #tpu.memory_space<vmem>>[vector<16xi32>, vector<16xi32>], vector<16xf32>,
          %gather3A_172 = tpu.vector_load_idx %arg11[%add3A_46, %broadcast_in_dim3A_171] : memref<128x128xf32, #tpu.memory_space<vmem>>[vector<16xi32>, vector<16xi32>], vector<16xf32>,
          %mul3A_173 = arith.mulf %gather3A, %gather3A_172 : vector<16xf32>
          %add3A_174 = arith.addf %scan3A_168, %mul3A_173 : vector<16xf32>
          %scan3A_175 = arith.constant 1 : i32
          %scan3A_176 = arith.addi %scan3A_167, %scan3A_175 : i32
          %add3A_177 = arith.constant 96 : i32
          %add3A_178 = arith.addi %add3A_177, %scan3A_176 : i32
          %broadcast_in_dim3A_179 = vector.broadcast %add3A_178 : i32 to vector<16xi32>
          %gather3A_180 = tpu.vector_load_idx %arg10[%add3A_46, %broadcast_in_dim3A_179] : memref<128x128xf32, #tpu.memory_space<vmem>>[vector<16xi32>, vector<16xi32>], vector<16xf32>,
          %gather3A_181 = tpu.vector_load_idx %arg11[%add3A_46, %broadcast_in_dim3A_179] : memref<128x128xf32, #tpu.memory_space<vmem>>[vector<16xi32>, vector<16xi32>], vector<16xf32>,
          %mul3A_182 = arith.mulf %gather3A_180, %gather3A_181 : vector<16xf32>
          %add3A_183 = arith.addf %add3A_174, %mul3A_182 : vector<16xf32>
          %scan3A_184 = arith.constant 2 : i32
          %scan3A_185 = arith.addi %scan3A_167, %scan3A_184 : i32
          %add3A_186 = arith.constant 96 : i32
          %add3A_187 = arith.addi %add3A_186, %scan3A_185 : i32
          %broadcast_in_dim3A_188 = vector.broadcast %add3A_187 : i32 to vector<16xi32>
          %gather3A_189 = tpu.vector_load_idx %arg10[%add3A_46, %broadcast_in_dim3A_188] : memref<128x128xf32, #tpu.memory_space<vmem>>[vector<16xi32>, vector<16xi32>], vector<16xf32>,
          %gather3A_190 = tpu.vector_load_idx %arg11[%add3A_46, %broadcast_in_dim3A_188] : memref<128x128xf32, #tpu.memory_space<vmem>>[vector<16xi32>, vector<16xi32>], vector<16xf32>,
          %mul3A_191 = arith.mulf %gather3A_189, %gather3A_190 : vector<16xf32>
          %add3A_192 = arith.addf %add3A_183, %mul3A_191 : vector<16xf32>
          %scan3A_193 = arith.constant 3 : i32
          %scan3A_194 = arith.addi %scan3A_167, %scan3A_193 : i32
          %add3A_195 = arith.constant 96 : i32
          %add3A_196 = arith.addi %add3A_195, %scan3A_194 : i32
          %broadcast_in_dim3A_197 = vector.broadcast %add3A_196 : i32 to vector<16xi32>
          %gather3A_198 = tpu.vector_load_idx %arg10[%add3A_46, %broadcast_in_dim3A_197] : memref<128x128xf32, #tpu.memory_space<vmem>>[vector<16xi32>, vector<16xi32>], vector<16xf32>,
          %gather3A_199 = tpu.vector_load_idx %arg11[%add3A_46, %broadcast_in_dim3A_197] : memref<128x128xf32, #tpu.memory_space<vmem>>[vector<16xi32>, vector<16xi32>], vector<16xf32>,
          %mul3A_200 = arith.mulf %gather3A_198, %gather3A_199 : vector<16xf32>
          %add3A_201 = arith.addf %add3A_192, %mul3A_200 : vector<16xf32>
          %scan3A_202 = arith.constant 4 : i32
          %scan3A_203 = arith.addi %scan3A_167, %scan3A_202 : i32
          %add3A_204 = arith.constant 96 : i32
          %add3A_205 = arith.addi %add3A_204, %scan3A_203 : i32
          %broadcast_in_dim3A_206 = vector.broadcast %add3A_205 : i32 to vector<16xi32>
          %gather3A_207 = tpu.vector_load_idx %arg10[%add3A_46, %broadcast_in_dim3A_206] : memref<128x128xf32, #tpu.memory_space<vmem>>[vector<16xi32>, vector<16xi32>], vector<16xf32>,
          %gather3A_208 = tpu.vector_load_idx %arg11[%add3A_46, %broadcast_in_dim3A_206] : memref<128x128xf32, #tpu.memory_space<vmem>>[vector<16xi32>, vector<16xi32>], vector<16xf32>,
          %mul3A_209 = arith.mulf %gather3A_207, %gather3A_208 : vector<16xf32>
          %add3A_210 = arith.addf %add3A_201, %mul3A_209 : vector<16xf32>
          %scan3A_211 = arith.constant 5 : i32
          %scan3A_212 = arith.addi %scan3A_167, %scan3A_211 : i32
          %add3A_213 = arith.constant 96 : i32
          %add3A_214 = arith.addi %add3A_213, %scan3A_212 : i32
          %broadcast_in_dim3A_215 = vector.broadcast %add3A_214 : i32 to vector<16xi32>
          %gather3A_216 = tpu.vector_load_idx %arg10[%add3A_46, %broadcast_in_dim3A_215] : memref<128x128xf32, #tpu.memory_space<vmem>>[vector<16xi32>, vector<16xi32>], vector<16xf32>,
          %gather3A_217 = tpu.vector_load_idx %arg11[%add3A_46, %broadcast_in_dim3A_215] : memref<128x128xf32, #tpu.memory_space<vmem>>[vector<16xi32>, vector<16xi32>], vector<16xf32>,
          %mul3A_218 = arith.mulf %gather3A_216, %gather3A_217 : vector<16xf32>
          %add3A_219 = arith.addf %add3A_210, %mul3A_218 : vector<16xf32>
          %scan3A_220 = arith.constant 6 : i32
          %scan3A_221 = arith.addi %scan3A_167, %scan3A_220 : i32
          %add3A_222 = arith.constant 96 : i32
          %add3A_223 = arith.addi %add3A_222, %scan3A_221 : i32
          %broadcast_in_dim3A_224 = vector.broadcast %add3A_223 : i32 to vector<16xi32>
          %gather3A_225 = tpu.vector_load_idx %arg10[%add3A_46, %broadcast_in_dim3A_224] : memref<128x128xf32, #tpu.memory_space<vmem>>[vector<16xi32>, vector<16xi32>], vector<16xf32>,
          %gather3A_226 = tpu.vector_load_idx %arg11[%add3A_46, %broadcast_in_dim3A_224] : memref<128x128xf32, #tpu.memory_space<vmem>>[vector<16xi32>, vector<16xi32>], vector<16xf32>,
          %mul3A_227 = arith.mulf %gather3A_225, %gather3A_226 : vector<16xf32>
          %add3A_228 = arith.addf %add3A_219, %mul3A_227 : vector<16xf32>
          %scan3A_229 = arith.constant 7 : i32
          %scan3A_230 = arith.addi %scan3A_167, %scan3A_229 : i32
          %add3A_231 = arith.constant 96 : i32
          %add3A_232 = arith.addi %add3A_231, %scan3A_230 : i32
          %broadcast_in_dim3A_233 = vector.broadcast %add3A_232 : i32 to vector<16xi32>
          %gather3A_234 = tpu.vector_load_idx %arg10[%add3A_46, %broadcast_in_dim3A_233] : memref<128x128xf32, #tpu.memory_space<vmem>>[vector<16xi32>, vector<16xi32>], vector<16xf32>,
          %gather3A_235 = tpu.vector_load_idx %arg11[%add3A_46, %broadcast_in_dim3A_233] : memref<128x128xf32, #tpu.memory_space<vmem>>[vector<16xi32>, vector<16xi32>], vector<16xf32>,
          %mul3A_236 = arith.mulf %gather3A_234, %gather3A_235 : vector<16xf32>
          %add3A_237 = arith.addf %add3A_228, %mul3A_236 : vector<16xf32>
          scf.yield %add3A_237 : vector<16xf32>
        }
        %scan3A_144 = arith.constant 32 : i32
        %mul3A_145 = arith.constant 0.176776692 : f32
        %mul3A_146 = vector.broadcast %mul3A_145 : f32 to vector<16xf32>
        %mul3A_147 = arith.mulf %scan3A_143, %mul3A_146 : vector<16xf32>
        %jit3A_148 = arith.constant -1.000000e+01 : f32
        %jit3A_149 = arith.constant 1.000000e+01 : f32
        %max3A_150 = vector.broadcast %jit3A_148 : f32 to vector<16xf32>
        %max3A_151 = arith.maximumf %max3A_150, %mul3A_147 : vector<16xf32>
        %min3A_152 = vector.broadcast %jit3A_149 : f32 to vector<16xf32>
        %min3A_153 = arith.minimumf %min3A_152, %max3A_151 : vector<16xf32>
        %exp3A_154 = math.exp %min3A_153 : vector<16xf32>
        %mul3A_155 = arith.constant 4 : i32
        %mul3A_156 = vector.broadcast %mul3A_155 : i32 to vector<16xi32>
        %mul3A_157 = arith.muli %add3A_46, %mul3A_156 : vector<16xi32>
        %add3A_158 = arith.constant 3 : i32
        %add3A_159 = vector.broadcast %add3A_158 : i32 to vector<16xi32>
        %add3A_160 = arith.addi %mul3A_157, %add3A_159 : vector<16xi32>
        tpu.vector_store_idx %arg12[%add3A_160], %exp3A_154 : memref<512xf32, #tpu.memory_space<vmem>>[vector<16xi32>], vector<16xf32>,
        %mul3A_161 = arith.constant 4 : i32
        %mul3A_162 = vector.broadcast %mul3A_161 : i32 to vector<16xi32>
        %mul3A_163 = arith.muli %get3A_49, %mul3A_162 : vector<16xi32>
        %add3A_164 = arith.constant 3 : i32
        %add3A_165 = vector.broadcast %add3A_164 : i32 to vector<16xi32>
        %add3A_166 = arith.addi %mul3A_163, %add3A_165 : vector<16xi32>
        tpu.vector_store_idx %arg13[%add3A_166], %exp3A_154 {add = true} : memref<40960xf32, #tpu.memory_space<vmem>>[vector<16xi32>], vector<16xf32>,
      }
      %scan3A_39 = arith.constant 8 : i32
      %mul3A_40 = arith.constant 4 : i32
      %mul3A_41 = arith.muli %mul3A_23, %mul3A_40 : i32
      "tpu.region"() ({
        %run_scoped3A = tpu.sem_alloc : memref<!tpu.dma_semaphore, #tpu.memory_space<semaphore_mem>>
        %dma_start3A_42 = tpu.memref_slice %arg6[%mul3A_41] : memref<640000xf32, #tpu.memory_space<hbm>> -> memref<512xf32, #tpu.memory_space<hbm>>
        %dma_start3A_43 = tpu.memref_slice %arg6[%mul3A_41] : memref<640000xf32, #tpu.memory_space<hbm>> -> memref<512xf32, #tpu.memory_space<hbm>>
        tpu.enqueue_dma source(%arg12 : memref<512xf32, #tpu.memory_space<vmem>>) target(%dma_start3A_43 : memref<512xf32, #tpu.memory_space<hbm>>) target_semaphore(%run_scoped3A : memref<!tpu.dma_semaphore, #tpu.memory_space<semaphore_mem>>)
        %dma_wait3A_44 = tpu.memref_slice %arg6[%mul3A_41] : memref<640000xf32, #tpu.memory_space<hbm>> -> memref<512xf32, #tpu.memory_space<hbm>>
        %dma_wait3A_45 = tpu.memref_slice %arg6[%mul3A_41] : memref<640000xf32, #tpu.memory_space<hbm>> -> memref<512xf32, #tpu.memory_space<hbm>>
        tpu.wait_dma2 semaphore(%run_scoped3A : memref<!tpu.dma_semaphore, #tpu.memory_space<semaphore_mem>>) src(%arg12 : memref<512xf32, #tpu.memory_space<vmem>>) dst(%dma_wait3A_45 : memref<512xf32, #tpu.memory_space<hbm>>)
        tpu.yield
      }) : () -> ()
    }
    %while3A_17 = arith.constant 1 : i32
    scf.for %while3A_18 = %while3A_15 to %while3A_11 step %while3A_17  : i32 {
      %mul3A_19 = arith.constant 32 : i32
      %mul3A_20 = arith.muli %while3A_18, %mul3A_19 : i32
      %add3A_21 = arith.addi %add3A, %mul3A_20 : i32
      %mul3A_22 = arith.constant 128 : i32
      %mul3A_23 = arith.muli %add3A_21, %mul3A_22 : i32
      "tpu.region"() ({
        %run_scoped3A = tpu.sem_alloc : memref<!tpu.dma_semaphore, #tpu.memory_space<semaphore_mem>>
        %dma_start3A_42 = tpu.memref_slice %arg5[%mul3A_23] : memref<160000xi32, #tpu.memory_space<hbm>> -> memref<128xi32, #tpu.memory_space<hbm>>
        %dma_start3A_43 = tpu.memref_slice %arg5[%mul3A_23] : memref<160000xi32, #tpu.memory_space<hbm>> -> memref<128xi32, #tpu.memory_space<hbm>>
        tpu.enqueue_dma source(%dma_start3A_43 : memref<128xi32, #tpu.memory_space<hbm>>) target(%arg8 : memref<128xi32, #tpu.memory_space<vmem>>) target_semaphore(%run_scoped3A : memref<!tpu.dma_semaphore, #tpu.memory_space<semaphore_mem>>)
        %dma_wait3A_44 = tpu.memref_slice %arg5[%mul3A_23] : memref<160000xi32, #tpu.memory_space<hbm>> -> memref<128xi32, #tpu.memory_space<hbm>>
        %dma_wait3A_45 = tpu.memref_slice %arg5[%mul3A_23] : memref<160000xi32, #tpu.memory_space<hbm>> -> memref<128xi32, #tpu.memory_space<hbm>>
        tpu.wait_dma2 semaphore(%run_scoped3A : memref<!tpu.dma_semaphore, #tpu.memory_space<semaphore_mem>>) src(%dma_wait3A_45 : memref<128xi32, #tpu.memory_space<hbm>>) dst(%arg8 : memref<128xi32, #tpu.memory_space<vmem>>)
        tpu.yield
      }) : () -> ()
      "tpu.region"() ({
        %run_scoped3A = tpu.sem_alloc : memref<!tpu.dma_semaphore, #tpu.memory_space<semaphore_mem>>
        %dma_start3A_42 = tpu.memref_slice %arg4[%mul3A_23] : memref<160000xi32, #tpu.memory_space<hbm>> -> memref<128xi32, #tpu.memory_space<hbm>>
        %dma_start3A_43 = tpu.memref_slice %arg4[%mul3A_23] : memref<160000xi32, #tpu.memory_space<hbm>> -> memref<128xi32, #tpu.memory_space<hbm>>
        tpu.enqueue_dma source(%dma_start3A_43 : memref<128xi32, #tpu.memory_space<hbm>>) target(%arg9 : memref<128xi32, #tpu.memory_space<vmem>>) target_semaphore(%run_scoped3A : memref<!tpu.dma_semaphore, #tpu.memory_space<semaphore_mem>>)
        %dma_wait3A_44 = tpu.memref_slice %arg4[%mul3A_23] : memref<160000xi32, #tpu.memory_space<hbm>> -> memref<128xi32, #tpu.memory_space<hbm>>
        %dma_wait3A_45 = tpu.memref_slice %arg4[%mul3A_23] : memref<160000xi32, #tpu.memory_space<hbm>> -> memref<128xi32, #tpu.memory_space<hbm>>
        tpu.wait_dma2 semaphore(%run_scoped3A : memref<!tpu.dma_semaphore, #tpu.memory_space<semaphore_mem>>) src(%dma_wait3A_45 : memref<128xi32, #tpu.memory_space<hbm>>) dst(%arg9 : memref<128xi32, #tpu.memory_space<vmem>>)
        tpu.yield
      }) : () -> ()
      %dma_start3A = arith.constant 0 : i32
      %dma_start3A_24 = arith.constant 0 : i32
      %dma_start3A_25 = tpu.memref_slice %arg2[%dma_start3A, %dma_start3A_24] : memref<10000x128xf32, #tpu.memory_space<hbm>> -> memref<10000x128xf32, #tpu.memory_space<hbm>>
      tpu.enqueue_indirect_dma source(%dma_start3A_25 : memref<10000x128xf32, #tpu.memory_space<hbm>>) target(%arg10 : memref<128x128xf32, #tpu.memory_space<vmem>>) offsets(%arg8 : memref<128xi32, #tpu.memory_space<vmem>>) semaphore(%arg14 : memref<!tpu.dma_semaphore, #tpu.memory_space<semaphore_mem>>)
      %dma_start3A_26 = arith.constant 0 : i32
      %dma_start3A_27 = arith.constant 0 : i32
      %dma_start3A_28 = tpu.memref_slice %arg3[%dma_start3A_26, %dma_start3A_27] : memref<10000x128xf32, #tpu.memory_space<hbm>> -> memref<10000x128xf32, #tpu.memory_space<hbm>>
      tpu.enqueue_indirect_dma source(%dma_start3A_28 : memref<10000x128xf32, #tpu.memory_space<hbm>>) target(%arg11 : memref<128x128xf32, #tpu.memory_space<vmem>>) offsets(%arg9 : memref<128xi32, #tpu.memory_space<vmem>>) semaphore(%arg15 : memref<!tpu.dma_semaphore, #tpu.memory_space<semaphore_mem>>)
      %dma_wait3A = arith.constant 0 : i32
      %dma_wait3A_29 = arith.constant 0 : i32
      %dma_wait3A_30 = tpu.memref_slice %arg2[%dma_wait3A, %dma_wait3A_29] : memref<10000x128xf32, #tpu.memory_space<hbm>> -> memref<10000x128xf32, #tpu.memory_space<hbm>>
      tpu.wait_indirect_dma semaphore(%arg14 : memref<!tpu.dma_semaphore, #tpu.memory_space<semaphore_mem>>) src(%dma_wait3A_30 : memref<10000x128xf32, #tpu.memory_space<hbm>>) dst(%arg10 : memref<128x128xf32, #tpu.memory_space<vmem>>)
      %dma_wait3A_31 = arith.constant 0 : i32
      %dma_wait3A_32 = arith.constant 0 : i32
      %dma_wait3A_33 = tpu.memref_slice %arg3[%dma_wait3A_31, %dma_wait3A_32] : memref<10000x128xf32, #tpu.memory_space<hbm>> -> memref<10000x128xf32, #tpu.memory_space<hbm>>
      tpu.wait_indirect_dma semaphore(%arg15 : memref<!tpu.dma_semaphore, #tpu.memory_space<semaphore_mem>>) src(%dma_wait3A_33 : memref<10000x128xf32, #tpu.memory_space<hbm>>) dst(%arg11 : memref<128x128xf32, #tpu.memory_space<vmem>>)
      %scan3A_34 = arith.constant 0 : i32
      %scan3A_35 = arith.constant 0 : i32
      %scan3A_36 = arith.constant 8 : i32
      %scan3A_37 = arith.addi %scan3A_35, %scan3A_36 : i32
      %scan3A_38 = arith.constant 1 : i32
      scf.for %scan3A_42 = %scan3A_35 to %scan3A_37 step %scan3A_38  : i32 {
        %mul3A_43 = arith.constant 16 : i32
        %mul3A_44 = arith.muli %scan3A_42, %mul3A_43 : i32
        %add3A_45 = vector.broadcast %mul3A_44 : i32 to vector<16xi32>
        %add3A_46 = arith.addi %add3A_45, %iota3A : vector<16xi32>
        %mul3A_47 = arith.constant 16 : i32
        %mul3A_48 = arith.muli %scan3A_42, %mul3A_47 : i32
        %get3A = arith.index_cast %mul3A_48 : i32 to index
        %get3A_49 = tpu.vector_load %arg8[%get3A] {strides = array<i32>} : memref<128xi32, #tpu.memory_space<vmem>>, vector<16xi32>,
        %broadcast_in_dim3A_50 = arith.constant 0.000000e+00 : f32
        %broadcast_in_dim3A_51 = vector.broadcast %broadcast_in_dim3A_50 : f32 to vector<16xf32>
        %scan3A_52 = arith.constant 0 : i32
        %scan3A_53 = arith.constant 32 : i32
        %scan3A_54 = arith.addi %scan3A_52, %scan3A_53 : i32
        %scan3A_55 = arith.constant 8 : i32
        %scan3A_56 = scf.for %scan3A_167 = %scan3A_52 to %scan3A_54 step %scan3A_55 iter_args(%scan3A_168 = %broadcast_in_dim3A_51) -> (vector<16xf32>)  : i32 {
          %add3A_169 = arith.constant 0 : i32
          %add3A_170 = arith.addi %add3A_169, %scan3A_167 : i32
          %broadcast_in_dim3A_171 = vector.broadcast %add3A_170 : i32 to vector<16xi32>
          %gather3A = tpu.vector_load_idx %arg10[%add3A_46, %broadcast_in_dim3A_171] : memref<128x128xf32, #tpu.memory_space<vmem>>[vector<16xi32>, vector<16xi32>], vector<16xf32>,
          %gather3A_172 = tpu.vector_load_idx %arg11[%add3A_46, %broadcast_in_dim3A_171] : memref<128x128xf32, #tpu.memory_space<vmem>>[vector<16xi32>, vector<16xi32>], vector<16xf32>,
          %mul3A_173 = arith.mulf %gather3A, %gather3A_172 : vector<16xf32>
          %add3A_174 = arith.addf %scan3A_168, %mul3A_173 : vector<16xf32>
          %scan3A_175 = arith.constant 1 : i32
          %scan3A_176 = arith.addi %scan3A_167, %scan3A_175 : i32
          %add3A_177 = arith.constant 0 : i32
          %add3A_178 = arith.addi %add3A_177, %scan3A_176 : i32
          %broadcast_in_dim3A_179 = vector.broadcast %add3A_178 : i32 to vector<16xi32>
          %gather3A_180 = tpu.vector_load_idx %arg10[%add3A_46, %broadcast_in_dim3A_179] : memref<128x128xf32, #tpu.memory_space<vmem>>[vector<16xi32>, vector<16xi32>], vector<16xf32>,
          %gather3A_181 = tpu.vector_load_idx %arg11[%add3A_46, %broadcast_in_dim3A_179] : memref<128x128xf32, #tpu.memory_space<vmem>>[vector<16xi32>, vector<16xi32>], vector<16xf32>,
          %mul3A_182 = arith.mulf %gather3A_180, %gather3A_181 : vector<16xf32>
          %add3A_183 = arith.addf %add3A_174, %mul3A_182 : vector<16xf32>
          %scan3A_184 = arith.constant 2 : i32
          %scan3A_185 = arith.addi %scan3A_167, %scan3A_184 : i32
          %add3A_186 = arith.constant 0 : i32
          %add3A_187 = arith.addi %add3A_186, %scan3A_185 : i32
          %broadcast_in_dim3A_188 = vector.broadcast %add3A_187 : i32 to vector<16xi32>
          %gather3A_189 = tpu.vector_load_idx %arg10[%add3A_46, %broadcast_in_dim3A_188] : memref<128x128xf32, #tpu.memory_space<vmem>>[vector<16xi32>, vector<16xi32>], vector<16xf32>,
          %gather3A_190 = tpu.vector_load_idx %arg11[%add3A_46, %broadcast_in_dim3A_188] : memref<128x128xf32, #tpu.memory_space<vmem>>[vector<16xi32>, vector<16xi32>], vector<16xf32>,
          %mul3A_191 = arith.mulf %gather3A_189, %gather3A_190 : vector<16xf32>
          %add3A_192 = arith.addf %add3A_183, %mul3A_191 : vector<16xf32>
          %scan3A_193 = arith.constant 3 : i32
          %scan3A_194 = arith.addi %scan3A_167, %scan3A_193 : i32
          %add3A_195 = arith.constant 0 : i32
          %add3A_196 = arith.addi %add3A_195, %scan3A_194 : i32
          %broadcast_in_dim3A_197 = vector.broadcast %add3A_196 : i32 to vector<16xi32>
          %gather3A_198 = tpu.vector_load_idx %arg10[%add3A_46, %broadcast_in_dim3A_197] : memref<128x128xf32, #tpu.memory_space<vmem>>[vector<16xi32>, vector<16xi32>], vector<16xf32>,
          %gather3A_199 = tpu.vector_load_idx %arg11[%add3A_46, %broadcast_in_dim3A_197] : memref<128x128xf32, #tpu.memory_space<vmem>>[vector<16xi32>, vector<16xi32>], vector<16xf32>,
          %mul3A_200 = arith.mulf %gather3A_198, %gather3A_199 : vector<16xf32>
          %add3A_201 = arith.addf %add3A_192, %mul3A_200 : vector<16xf32>
          %scan3A_202 = arith.constant 4 : i32
          %scan3A_203 = arith.addi %scan3A_167, %scan3A_202 : i32
          %add3A_204 = arith.constant 0 : i32
          %add3A_205 = arith.addi %add3A_204, %scan3A_203 : i32
          %broadcast_in_dim3A_206 = vector.broadcast %add3A_205 : i32 to vector<16xi32>
          %gather3A_207 = tpu.vector_load_idx %arg10[%add3A_46, %broadcast_in_dim3A_206] : memref<128x128xf32, #tpu.memory_space<vmem>>[vector<16xi32>, vector<16xi32>], vector<16xf32>,
          %gather3A_208 = tpu.vector_load_idx %arg11[%add3A_46, %broadcast_in_dim3A_206] : memref<128x128xf32, #tpu.memory_space<vmem>>[vector<16xi32>, vector<16xi32>], vector<16xf32>,
          %mul3A_209 = arith.mulf %gather3A_207, %gather3A_208 : vector<16xf32>
          %add3A_210 = arith.addf %add3A_201, %mul3A_209 : vector<16xf32>
          %scan3A_211 = arith.constant 5 : i32
          %scan3A_212 = arith.addi %scan3A_167, %scan3A_211 : i32
          %add3A_213 = arith.constant 0 : i32
          %add3A_214 = arith.addi %add3A_213, %scan3A_212 : i32
          %broadcast_in_dim3A_215 = vector.broadcast %add3A_214 : i32 to vector<16xi32>
          %gather3A_216 = tpu.vector_load_idx %arg10[%add3A_46, %broadcast_in_dim3A_215] : memref<128x128xf32, #tpu.memory_space<vmem>>[vector<16xi32>, vector<16xi32>], vector<16xf32>,
          %gather3A_217 = tpu.vector_load_idx %arg11[%add3A_46, %broadcast_in_dim3A_215] : memref<128x128xf32, #tpu.memory_space<vmem>>[vector<16xi32>, vector<16xi32>], vector<16xf32>,
          %mul3A_218 = arith.mulf %gather3A_216, %gather3A_217 : vector<16xf32>
          %add3A_219 = arith.addf %add3A_210, %mul3A_218 : vector<16xf32>
          %scan3A_220 = arith.constant 6 : i32
          %scan3A_221 = arith.addi %scan3A_167, %scan3A_220 : i32
          %add3A_222 = arith.constant 0 : i32
          %add3A_223 = arith.addi %add3A_222, %scan3A_221 : i32
          %broadcast_in_dim3A_224 = vector.broadcast %add3A_223 : i32 to vector<16xi32>
          %gather3A_225 = tpu.vector_load_idx %arg10[%add3A_46, %broadcast_in_dim3A_224] : memref<128x128xf32, #tpu.memory_space<vmem>>[vector<16xi32>, vector<16xi32>], vector<16xf32>,
          %gather3A_226 = tpu.vector_load_idx %arg11[%add3A_46, %broadcast_in_dim3A_224] : memref<128x128xf32, #tpu.memory_space<vmem>>[vector<16xi32>, vector<16xi32>], vector<16xf32>,
          %mul3A_227 = arith.mulf %gather3A_225, %gather3A_226 : vector<16xf32>
          %add3A_228 = arith.addf %add3A_219, %mul3A_227 : vector<16xf32>
          %scan3A_229 = arith.constant 7 : i32
          %scan3A_230 = arith.addi %scan3A_167, %scan3A_229 : i32
          %add3A_231 = arith.constant 0 : i32
          %add3A_232 = arith.addi %add3A_231, %scan3A_230 : i32
          %broadcast_in_dim3A_233 = vector.broadcast %add3A_232 : i32 to vector<16xi32>
          %gather3A_234 = tpu.vector_load_idx %arg10[%add3A_46, %broadcast_in_dim3A_233] : memref<128x128xf32, #tpu.memory_space<vmem>>[vector<16xi32>, vector<16xi32>], vector<16xf32>,
          %gather3A_235 = tpu.vector_load_idx %arg11[%add3A_46, %broadcast_in_dim3A_233] : memref<128x128xf32, #tpu.memory_space<vmem>>[vector<16xi32>, vector<16xi32>], vector<16xf32>,
          %mul3A_236 = arith.mulf %gather3A_234, %gather3A_235 : vector<16xf32>
          %add3A_237 = arith.addf %add3A_228, %mul3A_236 : vector<16xf32>
          scf.yield %add3A_237 : vector<16xf32>
        }
        %scan3A_57 = arith.constant 32 : i32
        %mul3A_58 = arith.constant 0.176776692 : f32
        %mul3A_59 = vector.broadcast %mul3A_58 : f32 to vector<16xf32>
        %mul3A_60 = arith.mulf %scan3A_56, %mul3A_59 : vector<16xf32>
        %jit3A_61 = arith.constant -1.000000e+01 : f32
        %jit3A_62 = arith.constant 1.000000e+01 : f32
        %max3A = vector.broadcast %jit3A_61 : f32 to vector<16xf32>
        %max3A_63 = arith.maximumf %max3A, %mul3A_60 : vector<16xf32>
        %min3A = vector.broadcast %jit3A_62 : f32 to vector<16xf32>
        %min3A_64 = arith.minimumf %min3A, %max3A_63 : vector<16xf32>
        %exp3A = math.exp %min3A_64 : vector<16xf32>
        %mul3A_65 = arith.constant 4 : i32
        %mul3A_66 = vector.broadcast %mul3A_65 : i32 to vector<16xi32>
        %mul3A_67 = arith.muli %add3A_46, %mul3A_66 : vector<16xi32>
        %add3A_68 = arith.constant 0 : i32
        %add3A_69 = vector.broadcast %add3A_68 : i32 to vector<16xi32>
        %add3A_70 = arith.addi %mul3A_67, %add3A_69 : vector<16xi32>
        tpu.vector_store_idx %arg12[%add3A_70], %exp3A : memref<512xf32, #tpu.memory_space<vmem>>[vector<16xi32>], vector<16xf32>,
        %mul3A_71 = arith.constant 4 : i32
        %mul3A_72 = vector.broadcast %mul3A_71 : i32 to vector<16xi32>
        %mul3A_73 = arith.muli %get3A_49, %mul3A_72 : vector<16xi32>
        %add3A_74 = arith.constant 0 : i32
        %add3A_75 = vector.broadcast %add3A_74 : i32 to vector<16xi32>
        %add3A_76 = arith.addi %mul3A_73, %add3A_75 : vector<16xi32>
        tpu.vector_store_idx %arg13[%add3A_76], %exp3A {add = true} : memref<40960xf32, #tpu.memory_space<vmem>>[vector<16xi32>], vector<16xf32>,
        %broadcast_in_dim3A_77 = arith.constant 0.000000e+00 : f32
        %broadcast_in_dim3A_78 = vector.broadcast %broadcast_in_dim3A_77 : f32 to vector<16xf32>
        %scan3A_79 = arith.constant 0 : i32
        %scan3A_80 = arith.constant 32 : i32
        %scan3A_81 = arith.addi %scan3A_79, %scan3A_80 : i32
        %scan3A_82 = arith.constant 8 : i32
        %scan3A_83 = scf.for %scan3A_167 = %scan3A_79 to %scan3A_81 step %scan3A_82 iter_args(%scan3A_168 = %broadcast_in_dim3A_78) -> (vector<16xf32>)  : i32 {
          %add3A_169 = arith.constant 32 : i32
          %add3A_170 = arith.addi %add3A_169, %scan3A_167 : i32
          %broadcast_in_dim3A_171 = vector.broadcast %add3A_170 : i32 to vector<16xi32>
          %gather3A = tpu.vector_load_idx %arg10[%add3A_46, %broadcast_in_dim3A_171] : memref<128x128xf32, #tpu.memory_space<vmem>>[vector<16xi32>, vector<16xi32>], vector<16xf32>,
          %gather3A_172 = tpu.vector_load_idx %arg11[%add3A_46, %broadcast_in_dim3A_171] : memref<128x128xf32, #tpu.memory_space<vmem>>[vector<16xi32>, vector<16xi32>], vector<16xf32>,
          %mul3A_173 = arith.mulf %gather3A, %gather3A_172 : vector<16xf32>
          %add3A_174 = arith.addf %scan3A_168, %mul3A_173 : vector<16xf32>
          %scan3A_175 = arith.constant 1 : i32
          %scan3A_176 = arith.addi %scan3A_167, %scan3A_175 : i32
          %add3A_177 = arith.constant 32 : i32
          %add3A_178 = arith.addi %add3A_177, %scan3A_176 : i32
          %broadcast_in_dim3A_179 = vector.broadcast %add3A_178 : i32 to vector<16xi32>
          %gather3A_180 = tpu.vector_load_idx %arg10[%add3A_46, %broadcast_in_dim3A_179] : memref<128x128xf32, #tpu.memory_space<vmem>>[vector<16xi32>, vector<16xi32>], vector<16xf32>,
          %gather3A_181 = tpu.vector_load_idx %arg11[%add3A_46, %broadcast_in_dim3A_179] : memref<128x128xf32, #tpu.memory_space<vmem>>[vector<16xi32>, vector<16xi32>], vector<16xf32>,
          %mul3A_182 = arith.mulf %gather3A_180, %gather3A_181 : vector<16xf32>
          %add3A_183 = arith.addf %add3A_174, %mul3A_182 : vector<16xf32>
          %scan3A_184 = arith.constant 2 : i32
          %scan3A_185 = arith.addi %scan3A_167, %scan3A_184 : i32
          %add3A_186 = arith.constant 32 : i32
          %add3A_187 = arith.addi %add3A_186, %scan3A_185 : i32
          %broadcast_in_dim3A_188 = vector.broadcast %add3A_187 : i32 to vector<16xi32>
          %gather3A_189 = tpu.vector_load_idx %arg10[%add3A_46, %broadcast_in_dim3A_188] : memref<128x128xf32, #tpu.memory_space<vmem>>[vector<16xi32>, vector<16xi32>], vector<16xf32>,
          %gather3A_190 = tpu.vector_load_idx %arg11[%add3A_46, %broadcast_in_dim3A_188] : memref<128x128xf32, #tpu.memory_space<vmem>>[vector<16xi32>, vector<16xi32>], vector<16xf32>,
          %mul3A_191 = arith.mulf %gather3A_189, %gather3A_190 : vector<16xf32>
          %add3A_192 = arith.addf %add3A_183, %mul3A_191 : vector<16xf32>
          %scan3A_193 = arith.constant 3 : i32
          %scan3A_194 = arith.addi %scan3A_167, %scan3A_193 : i32
          %add3A_195 = arith.constant 32 : i32
          %add3A_196 = arith.addi %add3A_195, %scan3A_194 : i32
          %broadcast_in_dim3A_197 = vector.broadcast %add3A_196 : i32 to vector<16xi32>
          %gather3A_198 = tpu.vector_load_idx %arg10[%add3A_46, %broadcast_in_dim3A_197] : memref<128x128xf32, #tpu.memory_space<vmem>>[vector<16xi32>, vector<16xi32>], vector<16xf32>,
          %gather3A_199 = tpu.vector_load_idx %arg11[%add3A_46, %broadcast_in_dim3A_197] : memref<128x128xf32, #tpu.memory_space<vmem>>[vector<16xi32>, vector<16xi32>], vector<16xf32>,
          %mul3A_200 = arith.mulf %gather3A_198, %gather3A_199 : vector<16xf32>
          %add3A_201 = arith.addf %add3A_192, %mul3A_200 : vector<16xf32>
          %scan3A_202 = arith.constant 4 : i32
          %scan3A_203 = arith.addi %scan3A_167, %scan3A_202 : i32
          %add3A_204 = arith.constant 32 : i32
          %add3A_205 = arith.addi %add3A_204, %scan3A_203 : i32
          %broadcast_in_dim3A_206 = vector.broadcast %add3A_205 : i32 to vector<16xi32>
          %gather3A_207 = tpu.vector_load_idx %arg10[%add3A_46, %broadcast_in_dim3A_206] : memref<128x128xf32, #tpu.memory_space<vmem>>[vector<16xi32>, vector<16xi32>], vector<16xf32>,
          %gather3A_208 = tpu.vector_load_idx %arg11[%add3A_46, %broadcast_in_dim3A_206] : memref<128x128xf32, #tpu.memory_space<vmem>>[vector<16xi32>, vector<16xi32>], vector<16xf32>,
          %mul3A_209 = arith.mulf %gather3A_207, %gather3A_208 : vector<16xf32>
          %add3A_210 = arith.addf %add3A_201, %mul3A_209 : vector<16xf32>
          %scan3A_211 = arith.constant 5 : i32
          %scan3A_212 = arith.addi %scan3A_167, %scan3A_211 : i32
          %add3A_213 = arith.constant 32 : i32
          %add3A_214 = arith.addi %add3A_213, %scan3A_212 : i32
          %broadcast_in_dim3A_215 = vector.broadcast %add3A_214 : i32 to vector<16xi32>
          %gather3A_216 = tpu.vector_load_idx %arg10[%add3A_46, %broadcast_in_dim3A_215] : memref<128x128xf32, #tpu.memory_space<vmem>>[vector<16xi32>, vector<16xi32>], vector<16xf32>,
          %gather3A_217 = tpu.vector_load_idx %arg11[%add3A_46, %broadcast_in_dim3A_215] : memref<128x128xf32, #tpu.memory_space<vmem>>[vector<16xi32>, vector<16xi32>], vector<16xf32>,
          %mul3A_218 = arith.mulf %gather3A_216, %gather3A_217 : vector<16xf32>
          %add3A_219 = arith.addf %add3A_210, %mul3A_218 : vector<16xf32>
          %scan3A_220 = arith.constant 6 : i32
          %scan3A_221 = arith.addi %scan3A_167, %scan3A_220 : i32
          %add3A_222 = arith.constant 32 : i32
          %add3A_223 = arith.addi %add3A_222, %scan3A_221 : i32
          %broadcast_in_dim3A_224 = vector.broadcast %add3A_223 : i32 to vector<16xi32>
          %gather3A_225 = tpu.vector_load_idx %arg10[%add3A_46, %broadcast_in_dim3A_224] : memref<128x128xf32, #tpu.memory_space<vmem>>[vector<16xi32>, vector<16xi32>], vector<16xf32>,
          %gather3A_226 = tpu.vector_load_idx %arg11[%add3A_46, %broadcast_in_dim3A_224] : memref<128x128xf32, #tpu.memory_space<vmem>>[vector<16xi32>, vector<16xi32>], vector<16xf32>,
          %mul3A_227 = arith.mulf %gather3A_225, %gather3A_226 : vector<16xf32>
          %add3A_228 = arith.addf %add3A_219, %mul3A_227 : vector<16xf32>
          %scan3A_229 = arith.constant 7 : i32
          %scan3A_230 = arith.addi %scan3A_167, %scan3A_229 : i32
          %add3A_231 = arith.constant 32 : i32
          %add3A_232 = arith.addi %add3A_231, %scan3A_230 : i32
          %broadcast_in_dim3A_233 = vector.broadcast %add3A_232 : i32 to vector<16xi32>
          %gather3A_234 = tpu.vector_load_idx %arg10[%add3A_46, %broadcast_in_dim3A_233] : memref<128x128xf32, #tpu.memory_space<vmem>>[vector<16xi32>, vector<16xi32>], vector<16xf32>,
          %gather3A_235 = tpu.vector_load_idx %arg11[%add3A_46, %broadcast_in_dim3A_233] : memref<128x128xf32, #tpu.memory_space<vmem>>[vector<16xi32>, vector<16xi32>], vector<16xf32>,
          %mul3A_236 = arith.mulf %gather3A_234, %gather3A_235 : vector<16xf32>
          %add3A_237 = arith.addf %add3A_228, %mul3A_236 : vector<16xf32>
          scf.yield %add3A_237 : vector<16xf32>
        }
        %scan3A_84 = arith.constant 32 : i32
        %mul3A_85 = arith.constant 0.176776692 : f32
        %mul3A_86 = vector.broadcast %mul3A_85 : f32 to vector<16xf32>
        %mul3A_87 = arith.mulf %scan3A_83, %mul3A_86 : vector<16xf32>
        %jit3A_88 = arith.constant -1.000000e+01 : f32
        %jit3A_89 = arith.constant 1.000000e+01 : f32
        %max3A_90 = vector.broadcast %jit3A_88 : f32 to vector<16xf32>
        %max3A_91 = arith.maximumf %max3A_90, %mul3A_87 : vector<16xf32>
        %min3A_92 = vector.broadcast %jit3A_89 : f32 to vector<16xf32>
        %min3A_93 = arith.minimumf %min3A_92, %max3A_91 : vector<16xf32>
        %exp3A_94 = math.exp %min3A_93 : vector<16xf32>
        %mul3A_95 = arith.constant 4 : i32
        %mul3A_96 = vector.broadcast %mul3A_95 : i32 to vector<16xi32>
        %mul3A_97 = arith.muli %add3A_46, %mul3A_96 : vector<16xi32>
        %add3A_98 = arith.constant 1 : i32
        %add3A_99 = vector.broadcast %add3A_98 : i32 to vector<16xi32>
        %add3A_100 = arith.addi %mul3A_97, %add3A_99 : vector<16xi32>
        tpu.vector_store_idx %arg12[%add3A_100], %exp3A_94 : memref<512xf32, #tpu.memory_space<vmem>>[vector<16xi32>], vector<16xf32>,
        %mul3A_101 = arith.constant 4 : i32
        %mul3A_102 = vector.broadcast %mul3A_101 : i32 to vector<16xi32>
        %mul3A_103 = arith.muli %get3A_49, %mul3A_102 : vector<16xi32>
        %add3A_104 = arith.constant 1 : i32
        %add3A_105 = vector.broadcast %add3A_104 : i32 to vector<16xi32>
        %add3A_106 = arith.addi %mul3A_103, %add3A_105 : vector<16xi32>
        tpu.vector_store_idx %arg13[%add3A_106], %exp3A_94 {add = true} : memref<40960xf32, #tpu.memory_space<vmem>>[vector<16xi32>], vector<16xf32>,
        %broadcast_in_dim3A_107 = arith.constant 0.000000e+00 : f32
        %broadcast_in_dim3A_108 = vector.broadcast %broadcast_in_dim3A_107 : f32 to vector<16xf32>
        %scan3A_109 = arith.constant 0 : i32
        %scan3A_110 = arith.constant 32 : i32
        %scan3A_111 = arith.addi %scan3A_109, %scan3A_110 : i32
        %scan3A_112 = arith.constant 8 : i32
        %scan3A_113 = scf.for %scan3A_167 = %scan3A_109 to %scan3A_111 step %scan3A_112 iter_args(%scan3A_168 = %broadcast_in_dim3A_108) -> (vector<16xf32>)  : i32 {
          %add3A_169 = arith.constant 64 : i32
          %add3A_170 = arith.addi %add3A_169, %scan3A_167 : i32
          %broadcast_in_dim3A_171 = vector.broadcast %add3A_170 : i32 to vector<16xi32>
          %gather3A = tpu.vector_load_idx %arg10[%add3A_46, %broadcast_in_dim3A_171] : memref<128x128xf32, #tpu.memory_space<vmem>>[vector<16xi32>, vector<16xi32>], vector<16xf32>,
          %gather3A_172 = tpu.vector_load_idx %arg11[%add3A_46, %broadcast_in_dim3A_171] : memref<128x128xf32, #tpu.memory_space<vmem>>[vector<16xi32>, vector<16xi32>], vector<16xf32>,
          %mul3A_173 = arith.mulf %gather3A, %gather3A_172 : vector<16xf32>
          %add3A_174 = arith.addf %scan3A_168, %mul3A_173 : vector<16xf32>
          %scan3A_175 = arith.constant 1 : i32
          %scan3A_176 = arith.addi %scan3A_167, %scan3A_175 : i32
          %add3A_177 = arith.constant 64 : i32
          %add3A_178 = arith.addi %add3A_177, %scan3A_176 : i32
          %broadcast_in_dim3A_179 = vector.broadcast %add3A_178 : i32 to vector<16xi32>
          %gather3A_180 = tpu.vector_load_idx %arg10[%add3A_46, %broadcast_in_dim3A_179] : memref<128x128xf32, #tpu.memory_space<vmem>>[vector<16xi32>, vector<16xi32>], vector<16xf32>,
          %gather3A_181 = tpu.vector_load_idx %arg11[%add3A_46, %broadcast_in_dim3A_179] : memref<128x128xf32, #tpu.memory_space<vmem>>[vector<16xi32>, vector<16xi32>], vector<16xf32>,
          %mul3A_182 = arith.mulf %gather3A_180, %gather3A_181 : vector<16xf32>
          %add3A_183 = arith.addf %add3A_174, %mul3A_182 : vector<16xf32>
          %scan3A_184 = arith.constant 2 : i32
          %scan3A_185 = arith.addi %scan3A_167, %scan3A_184 : i32
          %add3A_186 = arith.constant 64 : i32
          %add3A_187 = arith.addi %add3A_186, %scan3A_185 : i32
          %broadcast_in_dim3A_188 = vector.broadcast %add3A_187 : i32 to vector<16xi32>
          %gather3A_189 = tpu.vector_load_idx %arg10[%add3A_46, %broadcast_in_dim3A_188] : memref<128x128xf32, #tpu.memory_space<vmem>>[vector<16xi32>, vector<16xi32>], vector<16xf32>,
          %gather3A_190 = tpu.vector_load_idx %arg11[%add3A_46, %broadcast_in_dim3A_188] : memref<128x128xf32, #tpu.memory_space<vmem>>[vector<16xi32>, vector<16xi32>], vector<16xf32>,
          %mul3A_191 = arith.mulf %gather3A_189, %gather3A_190 : vector<16xf32>
          %add3A_192 = arith.addf %add3A_183, %mul3A_191 : vector<16xf32>
          %scan3A_193 = arith.constant 3 : i32
          %scan3A_194 = arith.addi %scan3A_167, %scan3A_193 : i32
          %add3A_195 = arith.constant 64 : i32
          %add3A_196 = arith.addi %add3A_195, %scan3A_194 : i32
          %broadcast_in_dim3A_197 = vector.broadcast %add3A_196 : i32 to vector<16xi32>
          %gather3A_198 = tpu.vector_load_idx %arg10[%add3A_46, %broadcast_in_dim3A_197] : memref<128x128xf32, #tpu.memory_space<vmem>>[vector<16xi32>, vector<16xi32>], vector<16xf32>,
          %gather3A_199 = tpu.vector_load_idx %arg11[%add3A_46, %broadcast_in_dim3A_197] : memref<128x128xf32, #tpu.memory_space<vmem>>[vector<16xi32>, vector<16xi32>], vector<16xf32>,
          %mul3A_200 = arith.mulf %gather3A_198, %gather3A_199 : vector<16xf32>
          %add3A_201 = arith.addf %add3A_192, %mul3A_200 : vector<16xf32>
          %scan3A_202 = arith.constant 4 : i32
          %scan3A_203 = arith.addi %scan3A_167, %scan3A_202 : i32
          %add3A_204 = arith.constant 64 : i32
          %add3A_205 = arith.addi %add3A_204, %scan3A_203 : i32
          %broadcast_in_dim3A_206 = vector.broadcast %add3A_205 : i32 to vector<16xi32>
          %gather3A_207 = tpu.vector_load_idx %arg10[%add3A_46, %broadcast_in_dim3A_206] : memref<128x128xf32, #tpu.memory_space<vmem>>[vector<16xi32>, vector<16xi32>], vector<16xf32>,
          %gather3A_208 = tpu.vector_load_idx %arg11[%add3A_46, %broadcast_in_dim3A_206] : memref<128x128xf32, #tpu.memory_space<vmem>>[vector<16xi32>, vector<16xi32>], vector<16xf32>,
          %mul3A_209 = arith.mulf %gather3A_207, %gather3A_208 : vector<16xf32>
          %add3A_210 = arith.addf %add3A_201, %mul3A_209 : vector<16xf32>
          %scan3A_211 = arith.constant 5 : i32
          %scan3A_212 = arith.addi %scan3A_167, %scan3A_211 : i32
          %add3A_213 = arith.constant 64 : i32
          %add3A_214 = arith.addi %add3A_213, %scan3A_212 : i32
          %broadcast_in_dim3A_215 = vector.broadcast %add3A_214 : i32 to vector<16xi32>
          %gather3A_216 = tpu.vector_load_idx %arg10[%add3A_46, %broadcast_in_dim3A_215] : memref<128x128xf32, #tpu.memory_space<vmem>>[vector<16xi32>, vector<16xi32>], vector<16xf32>,
          %gather3A_217 = tpu.vector_load_idx %arg11[%add3A_46, %broadcast_in_dim3A_215] : memref<128x128xf32, #tpu.memory_space<vmem>>[vector<16xi32>, vector<16xi32>], vector<16xf32>,
          %mul3A_218 = arith.mulf %gather3A_216, %gather3A_217 : vector<16xf32>
          %add3A_219 = arith.addf %add3A_210, %mul3A_218 : vector<16xf32>
          %scan3A_220 = arith.constant 6 : i32
          %scan3A_221 = arith.addi %scan3A_167, %scan3A_220 : i32
          %add3A_222 = arith.constant 64 : i32
          %add3A_223 = arith.addi %add3A_222, %scan3A_221 : i32
          %broadcast_in_dim3A_224 = vector.broadcast %add3A_223 : i32 to vector<16xi32>
          %gather3A_225 = tpu.vector_load_idx %arg10[%add3A_46, %broadcast_in_dim3A_224] : memref<128x128xf32, #tpu.memory_space<vmem>>[vector<16xi32>, vector<16xi32>], vector<16xf32>,
          %gather3A_226 = tpu.vector_load_idx %arg11[%add3A_46, %broadcast_in_dim3A_224] : memref<128x128xf32, #tpu.memory_space<vmem>>[vector<16xi32>, vector<16xi32>], vector<16xf32>,
          %mul3A_227 = arith.mulf %gather3A_225, %gather3A_226 : vector<16xf32>
          %add3A_228 = arith.addf %add3A_219, %mul3A_227 : vector<16xf32>
          %scan3A_229 = arith.constant 7 : i32
          %scan3A_230 = arith.addi %scan3A_167, %scan3A_229 : i32
          %add3A_231 = arith.constant 64 : i32
          %add3A_232 = arith.addi %add3A_231, %scan3A_230 : i32
          %broadcast_in_dim3A_233 = vector.broadcast %add3A_232 : i32 to vector<16xi32>
          %gather3A_234 = tpu.vector_load_idx %arg10[%add3A_46, %broadcast_in_dim3A_233] : memref<128x128xf32, #tpu.memory_space<vmem>>[vector<16xi32>, vector<16xi32>], vector<16xf32>,
          %gather3A_235 = tpu.vector_load_idx %arg11[%add3A_46, %broadcast_in_dim3A_233] : memref<128x128xf32, #tpu.memory_space<vmem>>[vector<16xi32>, vector<16xi32>], vector<16xf32>,
          %mul3A_236 = arith.mulf %gather3A_234, %gather3A_235 : vector<16xf32>
          %add3A_237 = arith.addf %add3A_228, %mul3A_236 : vector<16xf32>
          scf.yield %add3A_237 : vector<16xf32>
        }
        %scan3A_114 = arith.constant 32 : i32
        %mul3A_115 = arith.constant 0.176776692 : f32
        %mul3A_116 = vector.broadcast %mul3A_115 : f32 to vector<16xf32>
        %mul3A_117 = arith.mulf %scan3A_113, %mul3A_116 : vector<16xf32>
        %jit3A_118 = arith.constant -1.000000e+01 : f32
        %jit3A_119 = arith.constant 1.000000e+01 : f32
        %max3A_120 = vector.broadcast %jit3A_118 : f32 to vector<16xf32>
        %max3A_121 = arith.maximumf %max3A_120, %mul3A_117 : vector<16xf32>
        %min3A_122 = vector.broadcast %jit3A_119 : f32 to vector<16xf32>
        %min3A_123 = arith.minimumf %min3A_122, %max3A_121 : vector<16xf32>
        %exp3A_124 = math.exp %min3A_123 : vector<16xf32>
        %mul3A_125 = arith.constant 4 : i32
        %mul3A_126 = vector.broadcast %mul3A_125 : i32 to vector<16xi32>
        %mul3A_127 = arith.muli %add3A_46, %mul3A_126 : vector<16xi32>
        %add3A_128 = arith.constant 2 : i32
        %add3A_129 = vector.broadcast %add3A_128 : i32 to vector<16xi32>
        %add3A_130 = arith.addi %mul3A_127, %add3A_129 : vector<16xi32>
        tpu.vector_store_idx %arg12[%add3A_130], %exp3A_124 : memref<512xf32, #tpu.memory_space<vmem>>[vector<16xi32>], vector<16xf32>,
        %mul3A_131 = arith.constant 4 : i32
        %mul3A_132 = vector.broadcast %mul3A_131 : i32 to vector<16xi32>
        %mul3A_133 = arith.muli %get3A_49, %mul3A_132 : vector<16xi32>
        %add3A_134 = arith.constant 2 : i32
        %add3A_135 = vector.broadcast %add3A_134 : i32 to vector<16xi32>
        %add3A_136 = arith.addi %mul3A_133, %add3A_135 : vector<16xi32>
        tpu.vector_store_idx %arg13[%add3A_136], %exp3A_124 {add = true} : memref<40960xf32, #tpu.memory_space<vmem>>[vector<16xi32>], vector<16xf32>,
        %broadcast_in_dim3A_137 = arith.constant 0.000000e+00 : f32
        %broadcast_in_dim3A_138 = vector.broadcast %broadcast_in_dim3A_137 : f32 to vector<16xf32>
        %scan3A_139 = arith.constant 0 : i32
        %scan3A_140 = arith.constant 32 : i32
        %scan3A_141 = arith.addi %scan3A_139, %scan3A_140 : i32
        %scan3A_142 = arith.constant 8 : i32
        %scan3A_143 = scf.for %scan3A_167 = %scan3A_139 to %scan3A_141 step %scan3A_142 iter_args(%scan3A_168 = %broadcast_in_dim3A_138) -> (vector<16xf32>)  : i32 {
          %add3A_169 = arith.constant 96 : i32
          %add3A_170 = arith.addi %add3A_169, %scan3A_167 : i32
          %broadcast_in_dim3A_171 = vector.broadcast %add3A_170 : i32 to vector<16xi32>
          %gather3A = tpu.vector_load_idx %arg10[%add3A_46, %broadcast_in_dim3A_171] : memref<128x128xf32, #tpu.memory_space<vmem>>[vector<16xi32>, vector<16xi32>], vector<16xf32>,
          %gather3A_172 = tpu.vector_load_idx %arg11[%add3A_46, %broadcast_in_dim3A_171] : memref<128x128xf32, #tpu.memory_space<vmem>>[vector<16xi32>, vector<16xi32>], vector<16xf32>,
          %mul3A_173 = arith.mulf %gather3A, %gather3A_172 : vector<16xf32>
          %add3A_174 = arith.addf %scan3A_168, %mul3A_173 : vector<16xf32>
          %scan3A_175 = arith.constant 1 : i32
          %scan3A_176 = arith.addi %scan3A_167, %scan3A_175 : i32
          %add3A_177 = arith.constant 96 : i32
          %add3A_178 = arith.addi %add3A_177, %scan3A_176 : i32
          %broadcast_in_dim3A_179 = vector.broadcast %add3A_178 : i32 to vector<16xi32>
          %gather3A_180 = tpu.vector_load_idx %arg10[%add3A_46, %broadcast_in_dim3A_179] : memref<128x128xf32, #tpu.memory_space<vmem>>[vector<16xi32>, vector<16xi32>], vector<16xf32>,
          %gather3A_181 = tpu.vector_load_idx %arg11[%add3A_46, %broadcast_in_dim3A_179] : memref<128x128xf32, #tpu.memory_space<vmem>>[vector<16xi32>, vector<16xi32>], vector<16xf32>,
          %mul3A_182 = arith.mulf %gather3A_180, %gather3A_181 : vector<16xf32>
          %add3A_183 = arith.addf %add3A_174, %mul3A_182 : vector<16xf32>
          %scan3A_184 = arith.constant 2 : i32
          %scan3A_185 = arith.addi %scan3A_167, %scan3A_184 : i32
          %add3A_186 = arith.constant 96 : i32
          %add3A_187 = arith.addi %add3A_186, %scan3A_185 : i32
          %broadcast_in_dim3A_188 = vector.broadcast %add3A_187 : i32 to vector<16xi32>
          %gather3A_189 = tpu.vector_load_idx %arg10[%add3A_46, %broadcast_in_dim3A_188] : memref<128x128xf32, #tpu.memory_space<vmem>>[vector<16xi32>, vector<16xi32>], vector<16xf32>,
          %gather3A_190 = tpu.vector_load_idx %arg11[%add3A_46, %broadcast_in_dim3A_188] : memref<128x128xf32, #tpu.memory_space<vmem>>[vector<16xi32>, vector<16xi32>], vector<16xf32>,
          %mul3A_191 = arith.mulf %gather3A_189, %gather3A_190 : vector<16xf32>
          %add3A_192 = arith.addf %add3A_183, %mul3A_191 : vector<16xf32>
          %scan3A_193 = arith.constant 3 : i32
          %scan3A_194 = arith.addi %scan3A_167, %scan3A_193 : i32
          %add3A_195 = arith.constant 96 : i32
          %add3A_196 = arith.addi %add3A_195, %scan3A_194 : i32
          %broadcast_in_dim3A_197 = vector.broadcast %add3A_196 : i32 to vector<16xi32>
          %gather3A_198 = tpu.vector_load_idx %arg10[%add3A_46, %broadcast_in_dim3A_197] : memref<128x128xf32, #tpu.memory_space<vmem>>[vector<16xi32>, vector<16xi32>], vector<16xf32>,
          %gather3A_199 = tpu.vector_load_idx %arg11[%add3A_46, %broadcast_in_dim3A_197] : memref<128x128xf32, #tpu.memory_space<vmem>>[vector<16xi32>, vector<16xi32>], vector<16xf32>,
          %mul3A_200 = arith.mulf %gather3A_198, %gather3A_199 : vector<16xf32>
          %add3A_201 = arith.addf %add3A_192, %mul3A_200 : vector<16xf32>
          %scan3A_202 = arith.constant 4 : i32
          %scan3A_203 = arith.addi %scan3A_167, %scan3A_202 : i32
          %add3A_204 = arith.constant 96 : i32
          %add3A_205 = arith.addi %add3A_204, %scan3A_203 : i32
          %broadcast_in_dim3A_206 = vector.broadcast %add3A_205 : i32 to vector<16xi32>
          %gather3A_207 = tpu.vector_load_idx %arg10[%add3A_46, %broadcast_in_dim3A_206] : memref<128x128xf32, #tpu.memory_space<vmem>>[vector<16xi32>, vector<16xi32>], vector<16xf32>,
          %gather3A_208 = tpu.vector_load_idx %arg11[%add3A_46, %broadcast_in_dim3A_206] : memref<128x128xf32, #tpu.memory_space<vmem>>[vector<16xi32>, vector<16xi32>], vector<16xf32>,
          %mul3A_209 = arith.mulf %gather3A_207, %gather3A_208 : vector<16xf32>
          %add3A_210 = arith.addf %add3A_201, %mul3A_209 : vector<16xf32>
          %scan3A_211 = arith.constant 5 : i32
          %scan3A_212 = arith.addi %scan3A_167, %scan3A_211 : i32
          %add3A_213 = arith.constant 96 : i32
          %add3A_214 = arith.addi %add3A_213, %scan3A_212 : i32
          %broadcast_in_dim3A_215 = vector.broadcast %add3A_214 : i32 to vector<16xi32>
          %gather3A_216 = tpu.vector_load_idx %arg10[%add3A_46, %broadcast_in_dim3A_215] : memref<128x128xf32, #tpu.memory_space<vmem>>[vector<16xi32>, vector<16xi32>], vector<16xf32>,
          %gather3A_217 = tpu.vector_load_idx %arg11[%add3A_46, %broadcast_in_dim3A_215] : memref<128x128xf32, #tpu.memory_space<vmem>>[vector<16xi32>, vector<16xi32>], vector<16xf32>,
          %mul3A_218 = arith.mulf %gather3A_216, %gather3A_217 : vector<16xf32>
          %add3A_219 = arith.addf %add3A_210, %mul3A_218 : vector<16xf32>
          %scan3A_220 = arith.constant 6 : i32
          %scan3A_221 = arith.addi %scan3A_167, %scan3A_220 : i32
          %add3A_222 = arith.constant 96 : i32
          %add3A_223 = arith.addi %add3A_222, %scan3A_221 : i32
          %broadcast_in_dim3A_224 = vector.broadcast %add3A_223 : i32 to vector<16xi32>
          %gather3A_225 = tpu.vector_load_idx %arg10[%add3A_46, %broadcast_in_dim3A_224] : memref<128x128xf32, #tpu.memory_space<vmem>>[vector<16xi32>, vector<16xi32>], vector<16xf32>,
          %gather3A_226 = tpu.vector_load_idx %arg11[%add3A_46, %broadcast_in_dim3A_224] : memref<128x128xf32, #tpu.memory_space<vmem>>[vector<16xi32>, vector<16xi32>], vector<16xf32>,
          %mul3A_227 = arith.mulf %gather3A_225, %gather3A_226 : vector<16xf32>
          %add3A_228 = arith.addf %add3A_219, %mul3A_227 : vector<16xf32>
          %scan3A_229 = arith.constant 7 : i32
          %scan3A_230 = arith.addi %scan3A_167, %scan3A_229 : i32
          %add3A_231 = arith.constant 96 : i32
          %add3A_232 = arith.addi %add3A_231, %scan3A_230 : i32
          %broadcast_in_dim3A_233 = vector.broadcast %add3A_232 : i32 to vector<16xi32>
          %gather3A_234 = tpu.vector_load_idx %arg10[%add3A_46, %broadcast_in_dim3A_233] : memref<128x128xf32, #tpu.memory_space<vmem>>[vector<16xi32>, vector<16xi32>], vector<16xf32>,
          %gather3A_235 = tpu.vector_load_idx %arg11[%add3A_46, %broadcast_in_dim3A_233] : memref<128x128xf32, #tpu.memory_space<vmem>>[vector<16xi32>, vector<16xi32>], vector<16xf32>,
          %mul3A_236 = arith.mulf %gather3A_234, %gather3A_235 : vector<16xf32>
          %add3A_237 = arith.addf %add3A_228, %mul3A_236 : vector<16xf32>
          scf.yield %add3A_237 : vector<16xf32>
        }
        %scan3A_144 = arith.constant 32 : i32
        %mul3A_145 = arith.constant 0.176776692 : f32
        %mul3A_146 = vector.broadcast %mul3A_145 : f32 to vector<16xf32>
        %mul3A_147 = arith.mulf %scan3A_143, %mul3A_146 : vector<16xf32>
        %jit3A_148 = arith.constant -1.000000e+01 : f32
        %jit3A_149 = arith.constant 1.000000e+01 : f32
        %max3A_150 = vector.broadcast %jit3A_148 : f32 to vector<16xf32>
        %max3A_151 = arith.maximumf %max3A_150, %mul3A_147 : vector<16xf32>
        %min3A_152 = vector.broadcast %jit3A_149 : f32 to vector<16xf32>
        %min3A_153 = arith.minimumf %min3A_152, %max3A_151 : vector<16xf32>
        %exp3A_154 = math.exp %min3A_153 : vector<16xf32>
        %mul3A_155 = arith.constant 4 : i32
        %mul3A_156 = vector.broadcast %mul3A_155 : i32 to vector<16xi32>
        %mul3A_157 = arith.muli %add3A_46, %mul3A_156 : vector<16xi32>
        %add3A_158 = arith.constant 3 : i32
        %add3A_159 = vector.broadcast %add3A_158 : i32 to vector<16xi32>
        %add3A_160 = arith.addi %mul3A_157, %add3A_159 : vector<16xi32>
        tpu.vector_store_idx %arg12[%add3A_160], %exp3A_154 : memref<512xf32, #tpu.memory_space<vmem>>[vector<16xi32>], vector<16xf32>,
        %mul3A_161 = arith.constant 4 : i32
        %mul3A_162 = vector.broadcast %mul3A_161 : i32 to vector<16xi32>
        %mul3A_163 = arith.muli %get3A_49, %mul3A_162 : vector<16xi32>
        %add3A_164 = arith.constant 3 : i32
        %add3A_165 = vector.broadcast %add3A_164 : i32 to vector<16xi32>
        %add3A_166 = arith.addi %mul3A_163, %add3A_165 : vector<16xi32>
        tpu.vector_store_idx %arg13[%add3A_166], %exp3A_154 {add = true} : memref<40960xf32, #tpu.memory_space<vmem>>[vector<16xi32>], vector<16xf32>,
      }
      %scan3A_39 = arith.constant 8 : i32
      %mul3A_40 = arith.constant 4 : i32
      %mul3A_41 = arith.muli %mul3A_23, %mul3A_40 : i32
      "tpu.region"() ({
        %run_scoped3A = tpu.sem_alloc : memref<!tpu.dma_semaphore, #tpu.memory_space<semaphore_mem>>
        %dma_start3A_42 = tpu.memref_slice %arg6[%mul3A_41] : memref<640000xf32, #tpu.memory_space<hbm>> -> memref<512xf32, #tpu.memory_space<hbm>>
        %dma_start3A_43 = tpu.memref_slice %arg6[%mul3A_41] : memref<640000xf32, #tpu.memory_space<hbm>> -> memref<512xf32, #tpu.memory_space<hbm>>
        tpu.enqueue_dma source(%arg12 : memref<512xf32, #tpu.memory_space<vmem>>) target(%dma_start3A_43 : memref<512xf32, #tpu.memory_space<hbm>>) target_semaphore(%run_scoped3A : memref<!tpu.dma_semaphore, #tpu.memory_space<semaphore_mem>>)
        %dma_wait3A_44 = tpu.memref_slice %arg6[%mul3A_41] : memref<640000xf32, #tpu.memory_space<hbm>> -> memref<512xf32, #tpu.memory_space<hbm>>
        %dma_wait3A_45 = tpu.memref_slice %arg6[%mul3A_41] : memref<640000xf32, #tpu.memory_space<hbm>> -> memref<512xf32, #tpu.memory_space<hbm>>
        tpu.wait_dma2 semaphore(%run_scoped3A : memref<!tpu.dma_semaphore, #tpu.memory_space<semaphore_mem>>) src(%arg12 : memref<512xf32, #tpu.memory_space<vmem>>) dst(%dma_wait3A_45 : memref<512xf32, #tpu.memory_space<hbm>>)
        tpu.yield
      }) : () -> ()
    }
    "tpu.region"() ({
      %run_scoped3A = tpu.sem_alloc : memref<!tpu.dma_semaphore, #tpu.memory_space<semaphore_mem>>
      %dma_start3A = arith.constant 0 : i32
      %dma_start3A_18 = tpu.memref_slice %arg7[%add3A, %dma_start3A] : memref<32x40960xf32, #tpu.memory_space<hbm>> -> memref<1x40960xf32, #tpu.memory_space<hbm>>
      %dma_start3A_19 = tpu.memref_squeeze %dma_start3A_18 : memref<1x40960xf32, #tpu.memory_space<hbm>> -> memref<40960xf32, #tpu.memory_space<hbm>>
      %dma_start3A_20 = arith.constant 0 : i32
      %dma_start3A_21 = tpu.memref_slice %arg7[%add3A, %dma_start3A_20] : memref<32x40960xf32, #tpu.memory_space<hbm>> -> memref<1x40960xf32, #tpu.memory_space<hbm>>
      %dma_start3A_22 = tpu.memref_squeeze %dma_start3A_21 : memref<1x40960xf32, #tpu.memory_space<hbm>> -> memref<40960xf32, #tpu.memory_space<hbm>>
      tpu.enqueue_dma source(%arg13 : memref<40960xf32, #tpu.memory_space<vmem>>) target(%dma_start3A_22 : memref<40960xf32, #tpu.memory_space<hbm>>) target_semaphore(%run_scoped3A : memref<!tpu.dma_semaphore, #tpu.memory_space<semaphore_mem>>)
      %dma_wait3A = arith.constant 0 : i32
      %dma_wait3A_23 = tpu.memref_slice %arg7[%add3A, %dma_wait3A] : memref<32x40960xf32, #tpu.memory_space<hbm>> -> memref<1x40960xf32, #tpu.memory_space<hbm>>
      %dma_wait3A_24 = tpu.memref_squeeze %dma_wait3A_23 : memref<1x40960xf32, #tpu.memory_space<hbm>> -> memref<40960xf32, #tpu.memory_space<hbm>>
      %dma_wait3A_25 = arith.constant 0 : i32
      %dma_wait3A_26 = tpu.memref_slice %arg7[%add3A, %dma_wait3A_25] : memref<32x40960xf32, #tpu.memory_space<hbm>> -> memref<1x40960xf32, #tpu.memory_space<hbm>>
      %dma_wait3A_27 = tpu.memref_squeeze %dma_wait3A_26 : memref<1x40960xf32, #tpu.memory_space<hbm>> -> memref<40960xf32, #tpu.memory_space<hbm>>
      tpu.wait_dma2 semaphore(%run_scoped3A : memref<!tpu.dma_semaphore, #tpu.memory_space<semaphore_mem>>) src(%arg13 : memref<40960xf32, #tpu.memory_space<vmem>>) dst(%dma_wait3A_27 : memref<40960xf32, #tpu.memory_space<hbm>>)
      tpu.yield
    }) : () -> ()
    return
  }
}

#map = affine_map<(d0, d1) -> (0, 0)>
#map1 = affine_map<(d0, d1) -> (0)>
#map2 = affine_map<(d0, d1) -> (0, 0, 0)>
module attributes {stable_mosaic.version = 14 : i64} {
  func.func @_msg_body(%arg0: i32, %arg1: i32, %arg2: memref<160000x128xf32, #tpu.memory_space<hbm>>, %arg3: memref<160000x128xf32, #tpu.memory_space<hbm>>, %arg4: memref<640000xf32, #tpu.memory_space<hbm>>, %arg5: memref<160000xi32, #tpu.memory_space<hbm>>, %arg6: memref<160000xi32, #tpu.memory_space<hbm>>, %arg7: memref<160000xi32, #tpu.memory_space<hbm>>, %arg8: memref<2x10240x128xf32, #tpu.memory_space<hbm>>, %arg9: memref<80xi32, #tpu.memory_space<vmem>>, %arg10: memref<80xi32, #tpu.memory_space<vmem>>, %arg11: memref<80xi32, #tpu.memory_space<vmem>>, %arg12: memref<80xi32, #tpu.memory_space<vmem>>, %arg13: memref<80x128xf32, #tpu.memory_space<vmem>>, %arg14: memref<80x128xf32, #tpu.memory_space<vmem>>, %arg15: memref<80x128xf32, #tpu.memory_space<vmem>>, %arg16: memref<320xf32, #tpu.memory_space<vmem>>, %arg17: memref<10240x128xf32, #tpu.memory_space<vmem_shared>>, %arg18: memref<!tpu.dma_semaphore, #tpu.memory_space<semaphore_mem>>, %arg19: memref<!tpu.dma_semaphore, #tpu.memory_space<semaphore_mem>>) attributes {dimension_semantics = [#tpu.dimension_semantics<core_parallel>, #tpu.dimension_semantics<subcore_parallel>], iteration_bounds = array<i64: 2, 16>, scalar_prefetch = 0 : i64, scratch_operands = 11 : i64, tpu.core_type = #tpu.core_type<sc_vector_subcore>, window_params = [{transform_indices = #map}, {transform_indices = #map}, {transform_indices = #map1}, {transform_indices = #map1}, {transform_indices = #map1}, {transform_indices = #map1}, {transform_indices = #map2}]} {
    %mul3A = arith.constant 2 : i32
    %mul3A_0 = arith.muli %arg1, %mul3A : i32
    %add3A = arith.addi %mul3A_0, %arg0 : i32
    %broadcast_in_dim3A = arith.constant 0.000000e+00 : f32
    %broadcast_in_dim3A_1 = vector.broadcast %broadcast_in_dim3A : f32 to vector<16xf32>
    %scan3A = arith.constant 0 : i32
    %scan3A_2 = arith.constant 0 : i32
    %scan3A_3 = arith.constant 80 : i32
    %scan3A_4 = arith.addi %scan3A_2, %scan3A_3 : i32
    %scan3A_5 = arith.constant 1 : i32
    scf.for %scan3A_53 = %scan3A_2 to %scan3A_4 step %scan3A_5  : i32 {
      %scan3A_54 = arith.constant 0 : i32
      %scan3A_55 = arith.constant 8 : i32
      %scan3A_56 = arith.addi %scan3A_54, %scan3A_55 : i32
      %scan3A_57 = arith.constant 1 : i32
      scf.for %scan3A_59 = %scan3A_54 to %scan3A_56 step %scan3A_57  : i32 {
        %mul3A_60 = arith.constant 16 : i32
        %mul3A_61 = arith.muli %scan3A_59, %mul3A_60 : i32
        %swap3A = arith.index_cast %scan3A_53 : i32 to index
        %swap3A_62 = arith.index_cast %mul3A_61 : i32 to index
        %swap3A_63 = tpu.vector_load %arg15[%swap3A, %swap3A_62] {strides = array<i32>} : memref<80x128xf32, #tpu.memory_space<vmem>>, vector<16xf32>,
        tpu.vector_store %arg15[%swap3A, %swap3A_62], %broadcast_in_dim3A_1 {strides = array<i32>} : memref<80x128xf32, #tpu.memory_space<vmem>>, vector<16xf32>,
      }
      %scan3A_58 = arith.constant 8 : i32
    }
    %scan3A_6 = arith.constant 80 : i32
    %mul3A_7 = arith.constant 640 : i32
    %mul3A_8 = arith.muli %arg1, %mul3A_7 : i32
    %add3A_9 = arith.constant 0 : i32
    %add3A_10 = arith.addi %mul3A_8, %add3A_9 : i32
    "tpu.region"() ({
      %run_scoped3A = tpu.sem_alloc : memref<!tpu.dma_semaphore, #tpu.memory_space<semaphore_mem>>
      %dma_start3A = arith.constant 0 : i32
      %dma_start3A_53 = tpu.memref_slice %arg17[%add3A_10, %dma_start3A] : memref<10240x128xf32, #tpu.memory_space<vmem_shared>> -> memref<80x128xf32, #tpu.memory_space<vmem_shared>>
      %dma_start3A_54 = arith.constant 0 : i32
      %dma_start3A_55 = tpu.memref_slice %arg17[%add3A_10, %dma_start3A_54] : memref<10240x128xf32, #tpu.memory_space<vmem_shared>> -> memref<80x128xf32, #tpu.memory_space<vmem_shared>>
      tpu.enqueue_dma source(%arg15 : memref<80x128xf32, #tpu.memory_space<vmem>>) target(%dma_start3A_55 : memref<80x128xf32, #tpu.memory_space<vmem_shared>>) target_semaphore(%run_scoped3A : memref<!tpu.dma_semaphore, #tpu.memory_space<semaphore_mem>>)
      %dma_wait3A = arith.constant 0 : i32
      %dma_wait3A_56 = tpu.memref_slice %arg17[%add3A_10, %dma_wait3A] : memref<10240x128xf32, #tpu.memory_space<vmem_shared>> -> memref<80x128xf32, #tpu.memory_space<vmem_shared>>
      %dma_wait3A_57 = arith.constant 0 : i32
      %dma_wait3A_58 = tpu.memref_slice %arg17[%add3A_10, %dma_wait3A_57] : memref<10240x128xf32, #tpu.memory_space<vmem_shared>> -> memref<80x128xf32, #tpu.memory_space<vmem_shared>>
      tpu.wait_dma2 semaphore(%run_scoped3A : memref<!tpu.dma_semaphore, #tpu.memory_space<semaphore_mem>>) src(%arg15 : memref<80x128xf32, #tpu.memory_space<vmem>>) dst(%dma_wait3A_58 : memref<80x128xf32, #tpu.memory_space<vmem_shared>>)
      tpu.yield
    }) : () -> ()
    %add3A_11 = arith.constant 80 : i32
    %add3A_12 = arith.addi %mul3A_8, %add3A_11 : i32
    "tpu.region"() ({
      %run_scoped3A = tpu.sem_alloc : memref<!tpu.dma_semaphore, #tpu.memory_space<semaphore_mem>>
      %dma_start3A = arith.constant 0 : i32
      %dma_start3A_53 = tpu.memref_slice %arg17[%add3A_12, %dma_start3A] : memref<10240x128xf32, #tpu.memory_space<vmem_shared>> -> memref<80x128xf32, #tpu.memory_space<vmem_shared>>
      %dma_start3A_54 = arith.constant 0 : i32
      %dma_start3A_55 = tpu.memref_slice %arg17[%add3A_12, %dma_start3A_54] : memref<10240x128xf32, #tpu.memory_space<vmem_shared>> -> memref<80x128xf32, #tpu.memory_space<vmem_shared>>
      tpu.enqueue_dma source(%arg15 : memref<80x128xf32, #tpu.memory_space<vmem>>) target(%dma_start3A_55 : memref<80x128xf32, #tpu.memory_space<vmem_shared>>) target_semaphore(%run_scoped3A : memref<!tpu.dma_semaphore, #tpu.memory_space<semaphore_mem>>)
      %dma_wait3A = arith.constant 0 : i32
      %dma_wait3A_56 = tpu.memref_slice %arg17[%add3A_12, %dma_wait3A] : memref<10240x128xf32, #tpu.memory_space<vmem_shared>> -> memref<80x128xf32, #tpu.memory_space<vmem_shared>>
      %dma_wait3A_57 = arith.constant 0 : i32
      %dma_wait3A_58 = tpu.memref_slice %arg17[%add3A_12, %dma_wait3A_57] : memref<10240x128xf32, #tpu.memory_space<vmem_shared>> -> memref<80x128xf32, #tpu.memory_space<vmem_shared>>
      tpu.wait_dma2 semaphore(%run_scoped3A : memref<!tpu.dma_semaphore, #tpu.memory_space<semaphore_mem>>) src(%arg15 : memref<80x128xf32, #tpu.memory_space<vmem>>) dst(%dma_wait3A_58 : memref<80x128xf32, #tpu.memory_space<vmem_shared>>)
      tpu.yield
    }) : () -> ()
    %add3A_13 = arith.constant 160 : i32
    %add3A_14 = arith.addi %mul3A_8, %add3A_13 : i32
    "tpu.region"() ({
      %run_scoped3A = tpu.sem_alloc : memref<!tpu.dma_semaphore, #tpu.memory_space<semaphore_mem>>
      %dma_start3A = arith.constant 0 : i32
      %dma_start3A_53 = tpu.memref_slice %arg17[%add3A_14, %dma_start3A] : memref<10240x128xf32, #tpu.memory_space<vmem_shared>> -> memref<80x128xf32, #tpu.memory_space<vmem_shared>>
      %dma_start3A_54 = arith.constant 0 : i32
      %dma_start3A_55 = tpu.memref_slice %arg17[%add3A_14, %dma_start3A_54] : memref<10240x128xf32, #tpu.memory_space<vmem_shared>> -> memref<80x128xf32, #tpu.memory_space<vmem_shared>>
      tpu.enqueue_dma source(%arg15 : memref<80x128xf32, #tpu.memory_space<vmem>>) target(%dma_start3A_55 : memref<80x128xf32, #tpu.memory_space<vmem_shared>>) target_semaphore(%run_scoped3A : memref<!tpu.dma_semaphore, #tpu.memory_space<semaphore_mem>>)
      %dma_wait3A = arith.constant 0 : i32
      %dma_wait3A_56 = tpu.memref_slice %arg17[%add3A_14, %dma_wait3A] : memref<10240x128xf32, #tpu.memory_space<vmem_shared>> -> memref<80x128xf32, #tpu.memory_space<vmem_shared>>
      %dma_wait3A_57 = arith.constant 0 : i32
      %dma_wait3A_58 = tpu.memref_slice %arg17[%add3A_14, %dma_wait3A_57] : memref<10240x128xf32, #tpu.memory_space<vmem_shared>> -> memref<80x128xf32, #tpu.memory_space<vmem_shared>>
      tpu.wait_dma2 semaphore(%run_scoped3A : memref<!tpu.dma_semaphore, #tpu.memory_space<semaphore_mem>>) src(%arg15 : memref<80x128xf32, #tpu.memory_space<vmem>>) dst(%dma_wait3A_58 : memref<80x128xf32, #tpu.memory_space<vmem_shared>>)
      tpu.yield
    }) : () -> ()
    %add3A_15 = arith.constant 240 : i32
    %add3A_16 = arith.addi %mul3A_8, %add3A_15 : i32
    "tpu.region"() ({
      %run_scoped3A = tpu.sem_alloc : memref<!tpu.dma_semaphore, #tpu.memory_space<semaphore_mem>>
      %dma_start3A = arith.constant 0 : i32
      %dma_start3A_53 = tpu.memref_slice %arg17[%add3A_16, %dma_start3A] : memref<10240x128xf32, #tpu.memory_space<vmem_shared>> -> memref<80x128xf32, #tpu.memory_space<vmem_shared>>
      %dma_start3A_54 = arith.constant 0 : i32
      %dma_start3A_55 = tpu.memref_slice %arg17[%add3A_16, %dma_start3A_54] : memref<10240x128xf32, #tpu.memory_space<vmem_shared>> -> memref<80x128xf32, #tpu.memory_space<vmem_shared>>
      tpu.enqueue_dma source(%arg15 : memref<80x128xf32, #tpu.memory_space<vmem>>) target(%dma_start3A_55 : memref<80x128xf32, #tpu.memory_space<vmem_shared>>) target_semaphore(%run_scoped3A : memref<!tpu.dma_semaphore, #tpu.memory_space<semaphore_mem>>)
      %dma_wait3A = arith.constant 0 : i32
      %dma_wait3A_56 = tpu.memref_slice %arg17[%add3A_16, %dma_wait3A] : memref<10240x128xf32, #tpu.memory_space<vmem_shared>> -> memref<80x128xf32, #tpu.memory_space<vmem_shared>>
      %dma_wait3A_57 = arith.constant 0 : i32
      %dma_wait3A_58 = tpu.memref_slice %arg17[%add3A_16, %dma_wait3A_57] : memref<10240x128xf32, #tpu.memory_space<vmem_shared>> -> memref<80x128xf32, #tpu.memory_space<vmem_shared>>
      tpu.wait_dma2 semaphore(%run_scoped3A : memref<!tpu.dma_semaphore, #tpu.memory_space<semaphore_mem>>) src(%arg15 : memref<80x128xf32, #tpu.memory_space<vmem>>) dst(%dma_wait3A_58 : memref<80x128xf32, #tpu.memory_space<vmem_shared>>)
      tpu.yield
    }) : () -> ()
    %add3A_17 = arith.constant 320 : i32
    %add3A_18 = arith.addi %mul3A_8, %add3A_17 : i32
    "tpu.region"() ({
      %run_scoped3A = tpu.sem_alloc : memref<!tpu.dma_semaphore, #tpu.memory_space<semaphore_mem>>
      %dma_start3A = arith.constant 0 : i32
      %dma_start3A_53 = tpu.memref_slice %arg17[%add3A_18, %dma_start3A] : memref<10240x128xf32, #tpu.memory_space<vmem_shared>> -> memref<80x128xf32, #tpu.memory_space<vmem_shared>>
      %dma_start3A_54 = arith.constant 0 : i32
      %dma_start3A_55 = tpu.memref_slice %arg17[%add3A_18, %dma_start3A_54] : memref<10240x128xf32, #tpu.memory_space<vmem_shared>> -> memref<80x128xf32, #tpu.memory_space<vmem_shared>>
      tpu.enqueue_dma source(%arg15 : memref<80x128xf32, #tpu.memory_space<vmem>>) target(%dma_start3A_55 : memref<80x128xf32, #tpu.memory_space<vmem_shared>>) target_semaphore(%run_scoped3A : memref<!tpu.dma_semaphore, #tpu.memory_space<semaphore_mem>>)
      %dma_wait3A = arith.constant 0 : i32
      %dma_wait3A_56 = tpu.memref_slice %arg17[%add3A_18, %dma_wait3A] : memref<10240x128xf32, #tpu.memory_space<vmem_shared>> -> memref<80x128xf32, #tpu.memory_space<vmem_shared>>
      %dma_wait3A_57 = arith.constant 0 : i32
      %dma_wait3A_58 = tpu.memref_slice %arg17[%add3A_18, %dma_wait3A_57] : memref<10240x128xf32, #tpu.memory_space<vmem_shared>> -> memref<80x128xf32, #tpu.memory_space<vmem_shared>>
      tpu.wait_dma2 semaphore(%run_scoped3A : memref<!tpu.dma_semaphore, #tpu.memory_space<semaphore_mem>>) src(%arg15 : memref<80x128xf32, #tpu.memory_space<vmem>>) dst(%dma_wait3A_58 : memref<80x128xf32, #tpu.memory_space<vmem_shared>>)
      tpu.yield
    }) : () -> ()
    %add3A_19 = arith.constant 400 : i32
    %add3A_20 = arith.addi %mul3A_8, %add3A_19 : i32
    "tpu.region"() ({
      %run_scoped3A = tpu.sem_alloc : memref<!tpu.dma_semaphore, #tpu.memory_space<semaphore_mem>>
      %dma_start3A = arith.constant 0 : i32
      %dma_start3A_53 = tpu.memref_slice %arg17[%add3A_20, %dma_start3A] : memref<10240x128xf32, #tpu.memory_space<vmem_shared>> -> memref<80x128xf32, #tpu.memory_space<vmem_shared>>
      %dma_start3A_54 = arith.constant 0 : i32
      %dma_start3A_55 = tpu.memref_slice %arg17[%add3A_20, %dma_start3A_54] : memref<10240x128xf32, #tpu.memory_space<vmem_shared>> -> memref<80x128xf32, #tpu.memory_space<vmem_shared>>
      tpu.enqueue_dma source(%arg15 : memref<80x128xf32, #tpu.memory_space<vmem>>) target(%dma_start3A_55 : memref<80x128xf32, #tpu.memory_space<vmem_shared>>) target_semaphore(%run_scoped3A : memref<!tpu.dma_semaphore, #tpu.memory_space<semaphore_mem>>)
      %dma_wait3A = arith.constant 0 : i32
      %dma_wait3A_56 = tpu.memref_slice %arg17[%add3A_20, %dma_wait3A] : memref<10240x128xf32, #tpu.memory_space<vmem_shared>> -> memref<80x128xf32, #tpu.memory_space<vmem_shared>>
      %dma_wait3A_57 = arith.constant 0 : i32
      %dma_wait3A_58 = tpu.memref_slice %arg17[%add3A_20, %dma_wait3A_57] : memref<10240x128xf32, #tpu.memory_space<vmem_shared>> -> memref<80x128xf32, #tpu.memory_space<vmem_shared>>
      tpu.wait_dma2 semaphore(%run_scoped3A : memref<!tpu.dma_semaphore, #tpu.memory_space<semaphore_mem>>) src(%arg15 : memref<80x128xf32, #tpu.memory_space<vmem>>) dst(%dma_wait3A_58 : memref<80x128xf32, #tpu.memory_space<vmem_shared>>)
      tpu.yield
    }) : () -> ()
    %add3A_21 = arith.constant 480 : i32
    %add3A_22 = arith.addi %mul3A_8, %add3A_21 : i32
    "tpu.region"() ({
      %run_scoped3A = tpu.sem_alloc : memref<!tpu.dma_semaphore, #tpu.memory_space<semaphore_mem>>
      %dma_start3A = arith.constant 0 : i32
      %dma_start3A_53 = tpu.memref_slice %arg17[%add3A_22, %dma_start3A] : memref<10240x128xf32, #tpu.memory_space<vmem_shared>> -> memref<80x128xf32, #tpu.memory_space<vmem_shared>>
      %dma_start3A_54 = arith.constant 0 : i32
      %dma_start3A_55 = tpu.memref_slice %arg17[%add3A_22, %dma_start3A_54] : memref<10240x128xf32, #tpu.memory_space<vmem_shared>> -> memref<80x128xf32, #tpu.memory_space<vmem_shared>>
      tpu.enqueue_dma source(%arg15 : memref<80x128xf32, #tpu.memory_space<vmem>>) target(%dma_start3A_55 : memref<80x128xf32, #tpu.memory_space<vmem_shared>>) target_semaphore(%run_scoped3A : memref<!tpu.dma_semaphore, #tpu.memory_space<semaphore_mem>>)
      %dma_wait3A = arith.constant 0 : i32
      %dma_wait3A_56 = tpu.memref_slice %arg17[%add3A_22, %dma_wait3A] : memref<10240x128xf32, #tpu.memory_space<vmem_shared>> -> memref<80x128xf32, #tpu.memory_space<vmem_shared>>
      %dma_wait3A_57 = arith.constant 0 : i32
      %dma_wait3A_58 = tpu.memref_slice %arg17[%add3A_22, %dma_wait3A_57] : memref<10240x128xf32, #tpu.memory_space<vmem_shared>> -> memref<80x128xf32, #tpu.memory_space<vmem_shared>>
      tpu.wait_dma2 semaphore(%run_scoped3A : memref<!tpu.dma_semaphore, #tpu.memory_space<semaphore_mem>>) src(%arg15 : memref<80x128xf32, #tpu.memory_space<vmem>>) dst(%dma_wait3A_58 : memref<80x128xf32, #tpu.memory_space<vmem_shared>>)
      tpu.yield
    }) : () -> ()
    %add3A_23 = arith.constant 560 : i32
    %add3A_24 = arith.addi %mul3A_8, %add3A_23 : i32
    "tpu.region"() ({
      %run_scoped3A = tpu.sem_alloc : memref<!tpu.dma_semaphore, #tpu.memory_space<semaphore_mem>>
      %dma_start3A = arith.constant 0 : i32
      %dma_start3A_53 = tpu.memref_slice %arg17[%add3A_24, %dma_start3A] : memref<10240x128xf32, #tpu.memory_space<vmem_shared>> -> memref<80x128xf32, #tpu.memory_space<vmem_shared>>
      %dma_start3A_54 = arith.constant 0 : i32
      %dma_start3A_55 = tpu.memref_slice %arg17[%add3A_24, %dma_start3A_54] : memref<10240x128xf32, #tpu.memory_space<vmem_shared>> -> memref<80x128xf32, #tpu.memory_space<vmem_shared>>
      tpu.enqueue_dma source(%arg15 : memref<80x128xf32, #tpu.memory_space<vmem>>) target(%dma_start3A_55 : memref<80x128xf32, #tpu.memory_space<vmem_shared>>) target_semaphore(%run_scoped3A : memref<!tpu.dma_semaphore, #tpu.memory_space<semaphore_mem>>)
      %dma_wait3A = arith.constant 0 : i32
      %dma_wait3A_56 = tpu.memref_slice %arg17[%add3A_24, %dma_wait3A] : memref<10240x128xf32, #tpu.memory_space<vmem_shared>> -> memref<80x128xf32, #tpu.memory_space<vmem_shared>>
      %dma_wait3A_57 = arith.constant 0 : i32
      %dma_wait3A_58 = tpu.memref_slice %arg17[%add3A_24, %dma_wait3A_57] : memref<10240x128xf32, #tpu.memory_space<vmem_shared>> -> memref<80x128xf32, #tpu.memory_space<vmem_shared>>
      tpu.wait_dma2 semaphore(%run_scoped3A : memref<!tpu.dma_semaphore, #tpu.memory_space<semaphore_mem>>) src(%arg15 : memref<80x128xf32, #tpu.memory_space<vmem>>) dst(%dma_wait3A_58 : memref<80x128xf32, #tpu.memory_space<vmem_shared>>)
      tpu.yield
    }) : () -> ()
    %barrier3A = arith.constant 0 : index
    tpu.barrier barrier_id(%barrier3A)
    %lt3A = arith.constant 16 : i32
    %lt3A_25 = arith.cmpi slt, %add3A, %lt3A : i32
    %jit3A = arith.constant 63 : i32
    %jit3A_26 = arith.constant 62 : i32
    %select_n3A = arith.select %lt3A_25, %jit3A, %jit3A_26 : i32
    %while3A = arith.constant 0 : i32
    %while3A_27 = arith.constant 0 : i32
    %while3A_28 = arith.subi %select_n3A, %while3A_27 : i32
    %while3A_29 = arith.addi %while3A_27, %while3A_28 : i32
    %while3A_30 = arith.constant 1 : i32
    %while3A_31 = arith.divsi %while3A_28, %while3A_30 : i32
    %while3A_32 = arith.muli %while3A_31, %while3A_30 : i32
    %while3A_33 = arith.addi %while3A_27, %while3A_32 : i32
    %while3A_34 = arith.constant 1 : i32
    scf.for %while3A_53 = %while3A_27 to %while3A_33 step %while3A_34  : i32 {
      %mul3A_54 = arith.constant 32 : i32
      %mul3A_55 = arith.muli %while3A_53, %mul3A_54 : i32
      %add3A_56 = arith.addi %add3A, %mul3A_55 : i32
      %mul3A_57 = arith.constant 80 : i32
      %mul3A_58 = arith.muli %add3A_56, %mul3A_57 : i32
      "tpu.region"() ({
        %run_scoped3A = tpu.sem_alloc : memref<!tpu.dma_semaphore, #tpu.memory_space<semaphore_mem>>
        %dma_start3A_85 = tpu.memref_slice %arg6[%mul3A_58] : memref<160000xi32, #tpu.memory_space<hbm>> -> memref<80xi32, #tpu.memory_space<hbm>>
        %dma_start3A_86 = tpu.memref_slice %arg6[%mul3A_58] : memref<160000xi32, #tpu.memory_space<hbm>> -> memref<80xi32, #tpu.memory_space<hbm>>
        tpu.enqueue_dma source(%dma_start3A_86 : memref<80xi32, #tpu.memory_space<hbm>>) target(%arg9 : memref<80xi32, #tpu.memory_space<vmem>>) target_semaphore(%run_scoped3A : memref<!tpu.dma_semaphore, #tpu.memory_space<semaphore_mem>>)
        %dma_wait3A_87 = tpu.memref_slice %arg6[%mul3A_58] : memref<160000xi32, #tpu.memory_space<hbm>> -> memref<80xi32, #tpu.memory_space<hbm>>
        %dma_wait3A_88 = tpu.memref_slice %arg6[%mul3A_58] : memref<160000xi32, #tpu.memory_space<hbm>> -> memref<80xi32, #tpu.memory_space<hbm>>
        tpu.wait_dma2 semaphore(%run_scoped3A : memref<!tpu.dma_semaphore, #tpu.memory_space<semaphore_mem>>) src(%dma_wait3A_88 : memref<80xi32, #tpu.memory_space<hbm>>) dst(%arg9 : memref<80xi32, #tpu.memory_space<vmem>>)
        tpu.yield
      }) : () -> ()
      "tpu.region"() ({
        %run_scoped3A = tpu.sem_alloc : memref<!tpu.dma_semaphore, #tpu.memory_space<semaphore_mem>>
        %dma_start3A_85 = tpu.memref_slice %arg5[%mul3A_58] : memref<160000xi32, #tpu.memory_space<hbm>> -> memref<80xi32, #tpu.memory_space<hbm>>
        %dma_start3A_86 = tpu.memref_slice %arg5[%mul3A_58] : memref<160000xi32, #tpu.memory_space<hbm>> -> memref<80xi32, #tpu.memory_space<hbm>>
        tpu.enqueue_dma source(%dma_start3A_86 : memref<80xi32, #tpu.memory_space<hbm>>) target(%arg10 : memref<80xi32, #tpu.memory_space<vmem>>) target_semaphore(%run_scoped3A : memref<!tpu.dma_semaphore, #tpu.memory_space<semaphore_mem>>)
        %dma_wait3A_87 = tpu.memref_slice %arg5[%mul3A_58] : memref<160000xi32, #tpu.memory_space<hbm>> -> memref<80xi32, #tpu.memory_space<hbm>>
        %dma_wait3A_88 = tpu.memref_slice %arg5[%mul3A_58] : memref<160000xi32, #tpu.memory_space<hbm>> -> memref<80xi32, #tpu.memory_space<hbm>>
        tpu.wait_dma2 semaphore(%run_scoped3A : memref<!tpu.dma_semaphore, #tpu.memory_space<semaphore_mem>>) src(%dma_wait3A_88 : memref<80xi32, #tpu.memory_space<hbm>>) dst(%arg10 : memref<80xi32, #tpu.memory_space<vmem>>)
        tpu.yield
      }) : () -> ()
      "tpu.region"() ({
        %run_scoped3A = tpu.sem_alloc : memref<!tpu.dma_semaphore, #tpu.memory_space<semaphore_mem>>
        %dma_start3A_85 = tpu.memref_slice %arg7[%mul3A_58] : memref<160000xi32, #tpu.memory_space<hbm>> -> memref<80xi32, #tpu.memory_space<hbm>>
        %dma_start3A_86 = tpu.memref_slice %arg7[%mul3A_58] : memref<160000xi32, #tpu.memory_space<hbm>> -> memref<80xi32, #tpu.memory_space<hbm>>
        tpu.enqueue_dma source(%dma_start3A_86 : memref<80xi32, #tpu.memory_space<hbm>>) target(%arg11 : memref<80xi32, #tpu.memory_space<vmem>>) target_semaphore(%run_scoped3A : memref<!tpu.dma_semaphore, #tpu.memory_space<semaphore_mem>>)
        %dma_wait3A_87 = tpu.memref_slice %arg7[%mul3A_58] : memref<160000xi32, #tpu.memory_space<hbm>> -> memref<80xi32, #tpu.memory_space<hbm>>
        %dma_wait3A_88 = tpu.memref_slice %arg7[%mul3A_58] : memref<160000xi32, #tpu.memory_space<hbm>> -> memref<80xi32, #tpu.memory_space<hbm>>
        tpu.wait_dma2 semaphore(%run_scoped3A : memref<!tpu.dma_semaphore, #tpu.memory_space<semaphore_mem>>) src(%dma_wait3A_88 : memref<80xi32, #tpu.memory_space<hbm>>) dst(%arg11 : memref<80xi32, #tpu.memory_space<vmem>>)
        tpu.yield
      }) : () -> ()
      %mul3A_59 = arith.constant 4 : i32
      %mul3A_60 = arith.muli %mul3A_58, %mul3A_59 : i32
      "tpu.region"() ({
        %run_scoped3A = tpu.sem_alloc : memref<!tpu.dma_semaphore, #tpu.memory_space<semaphore_mem>>
        %dma_start3A_85 = tpu.memref_slice %arg4[%mul3A_60] : memref<640000xf32, #tpu.memory_space<hbm>> -> memref<320xf32, #tpu.memory_space<hbm>>
        %dma_start3A_86 = tpu.memref_slice %arg4[%mul3A_60] : memref<640000xf32, #tpu.memory_space<hbm>> -> memref<320xf32, #tpu.memory_space<hbm>>
        tpu.enqueue_dma source(%dma_start3A_86 : memref<320xf32, #tpu.memory_space<hbm>>) target(%arg16 : memref<320xf32, #tpu.memory_space<vmem>>) target_semaphore(%run_scoped3A : memref<!tpu.dma_semaphore, #tpu.memory_space<semaphore_mem>>)
        %dma_wait3A_87 = tpu.memref_slice %arg4[%mul3A_60] : memref<640000xf32, #tpu.memory_space<hbm>> -> memref<320xf32, #tpu.memory_space<hbm>>
        %dma_wait3A_88 = tpu.memref_slice %arg4[%mul3A_60] : memref<640000xf32, #tpu.memory_space<hbm>> -> memref<320xf32, #tpu.memory_space<hbm>>
        tpu.wait_dma2 semaphore(%run_scoped3A : memref<!tpu.dma_semaphore, #tpu.memory_space<semaphore_mem>>) src(%dma_wait3A_88 : memref<320xf32, #tpu.memory_space<hbm>>) dst(%arg16 : memref<320xf32, #tpu.memory_space<vmem>>)
        tpu.yield
      }) : () -> ()
      %scan3A_61 = arith.constant 0 : i32
      %scan3A_62 = arith.constant 0 : i32
      %scan3A_63 = arith.constant 5 : i32
      %scan3A_64 = arith.addi %scan3A_62, %scan3A_63 : i32
      %scan3A_65 = arith.constant 1 : i32
      scf.for %scan3A_85 = %scan3A_62 to %scan3A_64 step %scan3A_65  : i32 {
        %mul3A_86 = arith.constant 16 : i32
        %mul3A_87 = arith.muli %scan3A_85, %mul3A_86 : i32
        %get3A = arith.index_cast %mul3A_87 : i32 to index
        %get3A_88 = tpu.vector_load %arg11[%get3A] {strides = array<i32>} : memref<80xi32, #tpu.memory_space<vmem>>, vector<16xi32>,
        %mul3A_89 = arith.constant 10000 : i32
        %mul3A_90 = vector.broadcast %mul3A_89 : i32 to vector<16xi32>
        %mul3A_91 = arith.muli %get3A_88, %mul3A_90 : vector<16xi32>
        %get3A_92 = arith.index_cast %mul3A_87 : i32 to index
        %get3A_93 = tpu.vector_load %arg10[%get3A_92] {strides = array<i32>} : memref<80xi32, #tpu.memory_space<vmem>>, vector<16xi32>,
        %add3A_94 = arith.addi %mul3A_91, %get3A_93 : vector<16xi32>
        %swap3A = arith.index_cast %mul3A_87 : i32 to index
        %swap3A_95 = tpu.vector_load %arg12[%swap3A] {strides = array<i32>} : memref<80xi32, #tpu.memory_space<vmem>>, vector<16xi32>,
        tpu.vector_store %arg12[%swap3A], %add3A_94 {strides = array<i32>} : memref<80xi32, #tpu.memory_space<vmem>>, vector<16xi32>,
      }
      %scan3A_66 = arith.constant 5 : i32
      %dma_start3A = arith.constant 0 : i32
      %dma_start3A_67 = arith.constant 0 : i32
      %dma_start3A_68 = tpu.memref_slice %arg2[%dma_start3A, %dma_start3A_67] : memref<160000x128xf32, #tpu.memory_space<hbm>> -> memref<160000x128xf32, #tpu.memory_space<hbm>>
      tpu.enqueue_indirect_dma source(%dma_start3A_68 : memref<160000x128xf32, #tpu.memory_space<hbm>>) target(%arg13 : memref<80x128xf32, #tpu.memory_space<vmem>>) offsets(%arg12 : memref<80xi32, #tpu.memory_space<vmem>>) semaphore(%arg18 : memref<!tpu.dma_semaphore, #tpu.memory_space<semaphore_mem>>)
      %dma_start3A_69 = arith.constant 0 : i32
      %dma_start3A_70 = tpu.memref_slice %arg3[%mul3A_58, %dma_start3A_69] : memref<160000x128xf32, #tpu.memory_space<hbm>> -> memref<80x128xf32, #tpu.memory_space<hbm>>
      %dma_start3A_71 = arith.constant 0 : i32
      %dma_start3A_72 = tpu.memref_slice %arg3[%mul3A_58, %dma_start3A_71] : memref<160000x128xf32, #tpu.memory_space<hbm>> -> memref<80x128xf32, #tpu.memory_space<hbm>>
      tpu.enqueue_dma source(%dma_start3A_72 : memref<80x128xf32, #tpu.memory_space<hbm>>) target(%arg14 : memref<80x128xf32, #tpu.memory_space<vmem>>) target_semaphore(%arg19 : memref<!tpu.dma_semaphore, #tpu.memory_space<semaphore_mem>>)
      %dma_wait3A = arith.constant 0 : i32
      %dma_wait3A_73 = arith.constant 0 : i32
      %dma_wait3A_74 = tpu.memref_slice %arg2[%dma_wait3A, %dma_wait3A_73] : memref<160000x128xf32, #tpu.memory_space<hbm>> -> memref<160000x128xf32, #tpu.memory_space<hbm>>
      tpu.wait_indirect_dma semaphore(%arg18 : memref<!tpu.dma_semaphore, #tpu.memory_space<semaphore_mem>>) src(%dma_wait3A_74 : memref<160000x128xf32, #tpu.memory_space<hbm>>) dst(%arg13 : memref<80x128xf32, #tpu.memory_space<vmem>>)
      %dma_wait3A_75 = arith.constant 0 : i32
      %dma_wait3A_76 = tpu.memref_slice %arg3[%mul3A_58, %dma_wait3A_75] : memref<160000x128xf32, #tpu.memory_space<hbm>> -> memref<80x128xf32, #tpu.memory_space<hbm>>
      %dma_wait3A_77 = arith.constant 0 : i32
      %dma_wait3A_78 = tpu.memref_slice %arg3[%mul3A_58, %dma_wait3A_77] : memref<160000x128xf32, #tpu.memory_space<hbm>> -> memref<80x128xf32, #tpu.memory_space<hbm>>
      tpu.wait_dma2 semaphore(%arg19 : memref<!tpu.dma_semaphore, #tpu.memory_space<semaphore_mem>>) src(%dma_wait3A_78 : memref<80x128xf32, #tpu.memory_space<hbm>>) dst(%arg14 : memref<80x128xf32, #tpu.memory_space<vmem>>)
      %scan3A_79 = arith.constant 0 : i32
      %scan3A_80 = arith.constant 0 : i32
      %scan3A_81 = arith.constant 80 : i32
      %scan3A_82 = arith.addi %scan3A_80, %scan3A_81 : i32
      %scan3A_83 = arith.constant 1 : i32
      scf.for %scan3A_85 = %scan3A_80 to %scan3A_82 step %scan3A_83  : i32 {
        %mul3A_86 = arith.constant 4 : i32
        %mul3A_87 = arith.muli %scan3A_85, %mul3A_86 : i32
        %add3A_88 = arith.constant 0 : i32
        %add3A_89 = arith.addi %mul3A_87, %add3A_88 : i32
        %broadcast_in_dim3A_90 = vector.broadcast %add3A_89 : i32 to vector<16xi32>
        %gather3A = tpu.vector_load_idx %arg16[%broadcast_in_dim3A_90] : memref<320xf32, #tpu.memory_space<vmem>>[vector<16xi32>], vector<16xf32>,
        %get3A = arith.index_cast %scan3A_85 : i32 to index
        %get3A_91 = arith.constant 0 : index
        %get3A_92 = tpu.vector_load %arg13[%get3A, %get3A_91] {strides = array<i32>} : memref<80x128xf32, #tpu.memory_space<vmem>>, vector<16xf32>,
        %get3A_93 = arith.index_cast %scan3A_85 : i32 to index
        %get3A_94 = arith.constant 0 : index
        %get3A_95 = tpu.vector_load %arg14[%get3A_93, %get3A_94] {strides = array<i32>} : memref<80x128xf32, #tpu.memory_space<vmem>>, vector<16xf32>,
        %sub3A = arith.subf %get3A_92, %get3A_95 : vector<16xf32>
        %mul3A_96 = arith.mulf %sub3A, %gather3A : vector<16xf32>
        %swap3A = arith.index_cast %scan3A_85 : i32 to index
        %swap3A_97 = arith.constant 0 : index
        %swap3A_98 = tpu.vector_load %arg15[%swap3A, %swap3A_97] {strides = array<i32>} : memref<80x128xf32, #tpu.memory_space<vmem>>, vector<16xf32>,
        tpu.vector_store %arg15[%swap3A, %swap3A_97], %mul3A_96 {strides = array<i32>} : memref<80x128xf32, #tpu.memory_space<vmem>>, vector<16xf32>,
        %get3A_99 = arith.index_cast %scan3A_85 : i32 to index
        %get3A_100 = arith.constant 16 : index
        %get3A_101 = tpu.vector_load %arg13[%get3A_99, %get3A_100] {strides = array<i32>} : memref<80x128xf32, #tpu.memory_space<vmem>>, vector<16xf32>,
        %get3A_102 = arith.index_cast %scan3A_85 : i32 to index
        %get3A_103 = arith.constant 16 : index
        %get3A_104 = tpu.vector_load %arg14[%get3A_102, %get3A_103] {strides = array<i32>} : memref<80x128xf32, #tpu.memory_space<vmem>>, vector<16xf32>,
        %sub3A_105 = arith.subf %get3A_101, %get3A_104 : vector<16xf32>
        %mul3A_106 = arith.mulf %sub3A_105, %gather3A : vector<16xf32>
        %swap3A_107 = arith.index_cast %scan3A_85 : i32 to index
        %swap3A_108 = arith.constant 16 : index
        %swap3A_109 = tpu.vector_load %arg15[%swap3A_107, %swap3A_108] {strides = array<i32>} : memref<80x128xf32, #tpu.memory_space<vmem>>, vector<16xf32>,
        tpu.vector_store %arg15[%swap3A_107, %swap3A_108], %mul3A_106 {strides = array<i32>} : memref<80x128xf32, #tpu.memory_space<vmem>>, vector<16xf32>,
        %mul3A_110 = arith.constant 4 : i32
        %mul3A_111 = arith.muli %scan3A_85, %mul3A_110 : i32
        %add3A_112 = arith.constant 1 : i32
        %add3A_113 = arith.addi %mul3A_111, %add3A_112 : i32
        %broadcast_in_dim3A_114 = vector.broadcast %add3A_113 : i32 to vector<16xi32>
        %gather3A_115 = tpu.vector_load_idx %arg16[%broadcast_in_dim3A_114] : memref<320xf32, #tpu.memory_space<vmem>>[vector<16xi32>], vector<16xf32>,
        %get3A_116 = arith.index_cast %scan3A_85 : i32 to index
        %get3A_117 = arith.constant 32 : index
        %get3A_118 = tpu.vector_load %arg13[%get3A_116, %get3A_117] {strides = array<i32>} : memref<80x128xf32, #tpu.memory_space<vmem>>, vector<16xf32>,
        %get3A_119 = arith.index_cast %scan3A_85 : i32 to index
        %get3A_120 = arith.constant 32 : index
        %get3A_121 = tpu.vector_load %arg14[%get3A_119, %get3A_120] {strides = array<i32>} : memref<80x128xf32, #tpu.memory_space<vmem>>, vector<16xf32>,
        %sub3A_122 = arith.subf %get3A_118, %get3A_121 : vector<16xf32>
        %mul3A_123 = arith.mulf %sub3A_122, %gather3A_115 : vector<16xf32>
        %swap3A_124 = arith.index_cast %scan3A_85 : i32 to index
        %swap3A_125 = arith.constant 32 : index
        %swap3A_126 = tpu.vector_load %arg15[%swap3A_124, %swap3A_125] {strides = array<i32>} : memref<80x128xf32, #tpu.memory_space<vmem>>, vector<16xf32>,
        tpu.vector_store %arg15[%swap3A_124, %swap3A_125], %mul3A_123 {strides = array<i32>} : memref<80x128xf32, #tpu.memory_space<vmem>>, vector<16xf32>,
        %get3A_127 = arith.index_cast %scan3A_85 : i32 to index
        %get3A_128 = arith.constant 48 : index
        %get3A_129 = tpu.vector_load %arg13[%get3A_127, %get3A_128] {strides = array<i32>} : memref<80x128xf32, #tpu.memory_space<vmem>>, vector<16xf32>,
        %get3A_130 = arith.index_cast %scan3A_85 : i32 to index
        %get3A_131 = arith.constant 48 : index
        %get3A_132 = tpu.vector_load %arg14[%get3A_130, %get3A_131] {strides = array<i32>} : memref<80x128xf32, #tpu.memory_space<vmem>>, vector<16xf32>,
        %sub3A_133 = arith.subf %get3A_129, %get3A_132 : vector<16xf32>
        %mul3A_134 = arith.mulf %sub3A_133, %gather3A_115 : vector<16xf32>
        %swap3A_135 = arith.index_cast %scan3A_85 : i32 to index
        %swap3A_136 = arith.constant 48 : index
        %swap3A_137 = tpu.vector_load %arg15[%swap3A_135, %swap3A_136] {strides = array<i32>} : memref<80x128xf32, #tpu.memory_space<vmem>>, vector<16xf32>,
        tpu.vector_store %arg15[%swap3A_135, %swap3A_136], %mul3A_134 {strides = array<i32>} : memref<80x128xf32, #tpu.memory_space<vmem>>, vector<16xf32>,
        %mul3A_138 = arith.constant 4 : i32
        %mul3A_139 = arith.muli %scan3A_85, %mul3A_138 : i32
        %add3A_140 = arith.constant 2 : i32
        %add3A_141 = arith.addi %mul3A_139, %add3A_140 : i32
        %broadcast_in_dim3A_142 = vector.broadcast %add3A_141 : i32 to vector<16xi32>
        %gather3A_143 = tpu.vector_load_idx %arg16[%broadcast_in_dim3A_142] : memref<320xf32, #tpu.memory_space<vmem>>[vector<16xi32>], vector<16xf32>,
        %get3A_144 = arith.index_cast %scan3A_85 : i32 to index
        %get3A_145 = arith.constant 64 : index
        %get3A_146 = tpu.vector_load %arg13[%get3A_144, %get3A_145] {strides = array<i32>} : memref<80x128xf32, #tpu.memory_space<vmem>>, vector<16xf32>,
        %get3A_147 = arith.index_cast %scan3A_85 : i32 to index
        %get3A_148 = arith.constant 64 : index
        %get3A_149 = tpu.vector_load %arg14[%get3A_147, %get3A_148] {strides = array<i32>} : memref<80x128xf32, #tpu.memory_space<vmem>>, vector<16xf32>,
        %sub3A_150 = arith.subf %get3A_146, %get3A_149 : vector<16xf32>
        %mul3A_151 = arith.mulf %sub3A_150, %gather3A_143 : vector<16xf32>
        %swap3A_152 = arith.index_cast %scan3A_85 : i32 to index
        %swap3A_153 = arith.constant 64 : index
        %swap3A_154 = tpu.vector_load %arg15[%swap3A_152, %swap3A_153] {strides = array<i32>} : memref<80x128xf32, #tpu.memory_space<vmem>>, vector<16xf32>,
        tpu.vector_store %arg15[%swap3A_152, %swap3A_153], %mul3A_151 {strides = array<i32>} : memref<80x128xf32, #tpu.memory_space<vmem>>, vector<16xf32>,
        %get3A_155 = arith.index_cast %scan3A_85 : i32 to index
        %get3A_156 = arith.constant 80 : index
        %get3A_157 = tpu.vector_load %arg13[%get3A_155, %get3A_156] {strides = array<i32>} : memref<80x128xf32, #tpu.memory_space<vmem>>, vector<16xf32>,
        %get3A_158 = arith.index_cast %scan3A_85 : i32 to index
        %get3A_159 = arith.constant 80 : index
        %get3A_160 = tpu.vector_load %arg14[%get3A_158, %get3A_159] {strides = array<i32>} : memref<80x128xf32, #tpu.memory_space<vmem>>, vector<16xf32>,
        %sub3A_161 = arith.subf %get3A_157, %get3A_160 : vector<16xf32>
        %mul3A_162 = arith.mulf %sub3A_161, %gather3A_143 : vector<16xf32>
        %swap3A_163 = arith.index_cast %scan3A_85 : i32 to index
        %swap3A_164 = arith.constant 80 : index
        %swap3A_165 = tpu.vector_load %arg15[%swap3A_163, %swap3A_164] {strides = array<i32>} : memref<80x128xf32, #tpu.memory_space<vmem>>, vector<16xf32>,
        tpu.vector_store %arg15[%swap3A_163, %swap3A_164], %mul3A_162 {strides = array<i32>} : memref<80x128xf32, #tpu.memory_space<vmem>>, vector<16xf32>,
        %mul3A_166 = arith.constant 4 : i32
        %mul3A_167 = arith.muli %scan3A_85, %mul3A_166 : i32
        %add3A_168 = arith.constant 3 : i32
        %add3A_169 = arith.addi %mul3A_167, %add3A_168 : i32
        %broadcast_in_dim3A_170 = vector.broadcast %add3A_169 : i32 to vector<16xi32>
        %gather3A_171 = tpu.vector_load_idx %arg16[%broadcast_in_dim3A_170] : memref<320xf32, #tpu.memory_space<vmem>>[vector<16xi32>], vector<16xf32>,
        %get3A_172 = arith.index_cast %scan3A_85 : i32 to index
        %get3A_173 = arith.constant 96 : index
        %get3A_174 = tpu.vector_load %arg13[%get3A_172, %get3A_173] {strides = array<i32>} : memref<80x128xf32, #tpu.memory_space<vmem>>, vector<16xf32>,
        %get3A_175 = arith.index_cast %scan3A_85 : i32 to index
        %get3A_176 = arith.constant 96 : index
        %get3A_177 = tpu.vector_load %arg14[%get3A_175, %get3A_176] {strides = array<i32>} : memref<80x128xf32, #tpu.memory_space<vmem>>, vector<16xf32>,
        %sub3A_178 = arith.subf %get3A_174, %get3A_177 : vector<16xf32>
        %mul3A_179 = arith.mulf %sub3A_178, %gather3A_171 : vector<16xf32>
        %swap3A_180 = arith.index_cast %scan3A_85 : i32 to index
        %swap3A_181 = arith.constant 96 : index
        %swap3A_182 = tpu.vector_load %arg15[%swap3A_180, %swap3A_181] {strides = array<i32>} : memref<80x128xf32, #tpu.memory_space<vmem>>, vector<16xf32>,
        tpu.vector_store %arg15[%swap3A_180, %swap3A_181], %mul3A_179 {strides = array<i32>} : memref<80x128xf32, #tpu.memory_space<vmem>>, vector<16xf32>,
        %get3A_183 = arith.index_cast %scan3A_85 : i32 to index
        %get3A_184 = arith.constant 112 : index
        %get3A_185 = tpu.vector_load %arg13[%get3A_183, %get3A_184] {strides = array<i32>} : memref<80x128xf32, #tpu.memory_space<vmem>>, vector<16xf32>,
        %get3A_186 = arith.index_cast %scan3A_85 : i32 to index
        %get3A_187 = arith.constant 112 : index
        %get3A_188 = tpu.vector_load %arg14[%get3A_186, %get3A_187] {strides = array<i32>} : memref<80x128xf32, #tpu.memory_space<vmem>>, vector<16xf32>,
        %sub3A_189 = arith.subf %get3A_185, %get3A_188 : vector<16xf32>
        %mul3A_190 = arith.mulf %sub3A_189, %gather3A_171 : vector<16xf32>
        %swap3A_191 = arith.index_cast %scan3A_85 : i32 to index
        %swap3A_192 = arith.constant 112 : index
        %swap3A_193 = tpu.vector_load %arg15[%swap3A_191, %swap3A_192] {strides = array<i32>} : memref<80x128xf32, #tpu.memory_space<vmem>>, vector<16xf32>,
        tpu.vector_store %arg15[%swap3A_191, %swap3A_192], %mul3A_190 {strides = array<i32>} : memref<80x128xf32, #tpu.memory_space<vmem>>, vector<16xf32>,
      }
      %scan3A_84 = arith.constant 80 : i32
      "tpu.region"() ({
        %run_scoped3A = tpu.sem_alloc : memref<!tpu.dma_semaphore, #tpu.memory_space<semaphore_mem>>
        %dma_start3A_85 = arith.constant 0 : i32
        %dma_start3A_86 = arith.constant 0 : i32
        %dma_start3A_87 = tpu.memref_slice %arg17[%dma_start3A_85, %dma_start3A_86] : memref<10240x128xf32, #tpu.memory_space<vmem_shared>> -> memref<10240x128xf32, #tpu.memory_space<vmem_shared>>
        tpu.enqueue_indirect_dma source(%arg15 : memref<80x128xf32, #tpu.memory_space<vmem>>) target(%dma_start3A_87 : memref<10240x128xf32, #tpu.memory_space<vmem_shared>>) offsets(%arg9 : memref<80xi32, #tpu.memory_space<vmem>>) semaphore(%run_scoped3A : memref<!tpu.dma_semaphore, #tpu.memory_space<semaphore_mem>>) {add = true}
        %dma_wait3A_88 = arith.constant 0 : i32
        %dma_wait3A_89 = arith.constant 0 : i32
        %dma_wait3A_90 = tpu.memref_slice %arg17[%dma_wait3A_88, %dma_wait3A_89] : memref<10240x128xf32, #tpu.memory_space<vmem_shared>> -> memref<10240x128xf32, #tpu.memory_space<vmem_shared>>
        tpu.wait_indirect_dma semaphore(%run_scoped3A : memref<!tpu.dma_semaphore, #tpu.memory_space<semaphore_mem>>) src(%arg15 : memref<80x128xf32, #tpu.memory_space<vmem>>) dst(%dma_wait3A_90 : memref<10240x128xf32, #tpu.memory_space<vmem_shared>>)
        tpu.yield
      }) : () -> ()
    }
    %while3A_35 = arith.constant 1 : i32
    scf.for %while3A_53 = %while3A_33 to %while3A_29 step %while3A_35  : i32 {
      %mul3A_54 = arith.constant 32 : i32
      %mul3A_55 = arith.muli %while3A_53, %mul3A_54 : i32
      %add3A_56 = arith.addi %add3A, %mul3A_55 : i32
      %mul3A_57 = arith.constant 80 : i32
      %mul3A_58 = arith.muli %add3A_56, %mul3A_57 : i32
      "tpu.region"() ({
        %run_scoped3A = tpu.sem_alloc : memref<!tpu.dma_semaphore, #tpu.memory_space<semaphore_mem>>
        %dma_start3A_85 = tpu.memref_slice %arg6[%mul3A_58] : memref<160000xi32, #tpu.memory_space<hbm>> -> memref<80xi32, #tpu.memory_space<hbm>>
        %dma_start3A_86 = tpu.memref_slice %arg6[%mul3A_58] : memref<160000xi32, #tpu.memory_space<hbm>> -> memref<80xi32, #tpu.memory_space<hbm>>
        tpu.enqueue_dma source(%dma_start3A_86 : memref<80xi32, #tpu.memory_space<hbm>>) target(%arg9 : memref<80xi32, #tpu.memory_space<vmem>>) target_semaphore(%run_scoped3A : memref<!tpu.dma_semaphore, #tpu.memory_space<semaphore_mem>>)
        %dma_wait3A_87 = tpu.memref_slice %arg6[%mul3A_58] : memref<160000xi32, #tpu.memory_space<hbm>> -> memref<80xi32, #tpu.memory_space<hbm>>
        %dma_wait3A_88 = tpu.memref_slice %arg6[%mul3A_58] : memref<160000xi32, #tpu.memory_space<hbm>> -> memref<80xi32, #tpu.memory_space<hbm>>
        tpu.wait_dma2 semaphore(%run_scoped3A : memref<!tpu.dma_semaphore, #tpu.memory_space<semaphore_mem>>) src(%dma_wait3A_88 : memref<80xi32, #tpu.memory_space<hbm>>) dst(%arg9 : memref<80xi32, #tpu.memory_space<vmem>>)
        tpu.yield
      }) : () -> ()
      "tpu.region"() ({
        %run_scoped3A = tpu.sem_alloc : memref<!tpu.dma_semaphore, #tpu.memory_space<semaphore_mem>>
        %dma_start3A_85 = tpu.memref_slice %arg5[%mul3A_58] : memref<160000xi32, #tpu.memory_space<hbm>> -> memref<80xi32, #tpu.memory_space<hbm>>
        %dma_start3A_86 = tpu.memref_slice %arg5[%mul3A_58] : memref<160000xi32, #tpu.memory_space<hbm>> -> memref<80xi32, #tpu.memory_space<hbm>>
        tpu.enqueue_dma source(%dma_start3A_86 : memref<80xi32, #tpu.memory_space<hbm>>) target(%arg10 : memref<80xi32, #tpu.memory_space<vmem>>) target_semaphore(%run_scoped3A : memref<!tpu.dma_semaphore, #tpu.memory_space<semaphore_mem>>)
        %dma_wait3A_87 = tpu.memref_slice %arg5[%mul3A_58] : memref<160000xi32, #tpu.memory_space<hbm>> -> memref<80xi32, #tpu.memory_space<hbm>>
        %dma_wait3A_88 = tpu.memref_slice %arg5[%mul3A_58] : memref<160000xi32, #tpu.memory_space<hbm>> -> memref<80xi32, #tpu.memory_space<hbm>>
        tpu.wait_dma2 semaphore(%run_scoped3A : memref<!tpu.dma_semaphore, #tpu.memory_space<semaphore_mem>>) src(%dma_wait3A_88 : memref<80xi32, #tpu.memory_space<hbm>>) dst(%arg10 : memref<80xi32, #tpu.memory_space<vmem>>)
        tpu.yield
      }) : () -> ()
      "tpu.region"() ({
        %run_scoped3A = tpu.sem_alloc : memref<!tpu.dma_semaphore, #tpu.memory_space<semaphore_mem>>
        %dma_start3A_85 = tpu.memref_slice %arg7[%mul3A_58] : memref<160000xi32, #tpu.memory_space<hbm>> -> memref<80xi32, #tpu.memory_space<hbm>>
        %dma_start3A_86 = tpu.memref_slice %arg7[%mul3A_58] : memref<160000xi32, #tpu.memory_space<hbm>> -> memref<80xi32, #tpu.memory_space<hbm>>
        tpu.enqueue_dma source(%dma_start3A_86 : memref<80xi32, #tpu.memory_space<hbm>>) target(%arg11 : memref<80xi32, #tpu.memory_space<vmem>>) target_semaphore(%run_scoped3A : memref<!tpu.dma_semaphore, #tpu.memory_space<semaphore_mem>>)
        %dma_wait3A_87 = tpu.memref_slice %arg7[%mul3A_58] : memref<160000xi32, #tpu.memory_space<hbm>> -> memref<80xi32, #tpu.memory_space<hbm>>
        %dma_wait3A_88 = tpu.memref_slice %arg7[%mul3A_58] : memref<160000xi32, #tpu.memory_space<hbm>> -> memref<80xi32, #tpu.memory_space<hbm>>
        tpu.wait_dma2 semaphore(%run_scoped3A : memref<!tpu.dma_semaphore, #tpu.memory_space<semaphore_mem>>) src(%dma_wait3A_88 : memref<80xi32, #tpu.memory_space<hbm>>) dst(%arg11 : memref<80xi32, #tpu.memory_space<vmem>>)
        tpu.yield
      }) : () -> ()
      %mul3A_59 = arith.constant 4 : i32
      %mul3A_60 = arith.muli %mul3A_58, %mul3A_59 : i32
      "tpu.region"() ({
        %run_scoped3A = tpu.sem_alloc : memref<!tpu.dma_semaphore, #tpu.memory_space<semaphore_mem>>
        %dma_start3A_85 = tpu.memref_slice %arg4[%mul3A_60] : memref<640000xf32, #tpu.memory_space<hbm>> -> memref<320xf32, #tpu.memory_space<hbm>>
        %dma_start3A_86 = tpu.memref_slice %arg4[%mul3A_60] : memref<640000xf32, #tpu.memory_space<hbm>> -> memref<320xf32, #tpu.memory_space<hbm>>
        tpu.enqueue_dma source(%dma_start3A_86 : memref<320xf32, #tpu.memory_space<hbm>>) target(%arg16 : memref<320xf32, #tpu.memory_space<vmem>>) target_semaphore(%run_scoped3A : memref<!tpu.dma_semaphore, #tpu.memory_space<semaphore_mem>>)
        %dma_wait3A_87 = tpu.memref_slice %arg4[%mul3A_60] : memref<640000xf32, #tpu.memory_space<hbm>> -> memref<320xf32, #tpu.memory_space<hbm>>
        %dma_wait3A_88 = tpu.memref_slice %arg4[%mul3A_60] : memref<640000xf32, #tpu.memory_space<hbm>> -> memref<320xf32, #tpu.memory_space<hbm>>
        tpu.wait_dma2 semaphore(%run_scoped3A : memref<!tpu.dma_semaphore, #tpu.memory_space<semaphore_mem>>) src(%dma_wait3A_88 : memref<320xf32, #tpu.memory_space<hbm>>) dst(%arg16 : memref<320xf32, #tpu.memory_space<vmem>>)
        tpu.yield
      }) : () -> ()
      %scan3A_61 = arith.constant 0 : i32
      %scan3A_62 = arith.constant 0 : i32
      %scan3A_63 = arith.constant 5 : i32
      %scan3A_64 = arith.addi %scan3A_62, %scan3A_63 : i32
      %scan3A_65 = arith.constant 1 : i32
      scf.for %scan3A_85 = %scan3A_62 to %scan3A_64 step %scan3A_65  : i32 {
        %mul3A_86 = arith.constant 16 : i32
        %mul3A_87 = arith.muli %scan3A_85, %mul3A_86 : i32
        %get3A = arith.index_cast %mul3A_87 : i32 to index
        %get3A_88 = tpu.vector_load %arg11[%get3A] {strides = array<i32>} : memref<80xi32, #tpu.memory_space<vmem>>, vector<16xi32>,
        %mul3A_89 = arith.constant 10000 : i32
        %mul3A_90 = vector.broadcast %mul3A_89 : i32 to vector<16xi32>
        %mul3A_91 = arith.muli %get3A_88, %mul3A_90 : vector<16xi32>
        %get3A_92 = arith.index_cast %mul3A_87 : i32 to index
        %get3A_93 = tpu.vector_load %arg10[%get3A_92] {strides = array<i32>} : memref<80xi32, #tpu.memory_space<vmem>>, vector<16xi32>,
        %add3A_94 = arith.addi %mul3A_91, %get3A_93 : vector<16xi32>
        %swap3A = arith.index_cast %mul3A_87 : i32 to index
        %swap3A_95 = tpu.vector_load %arg12[%swap3A] {strides = array<i32>} : memref<80xi32, #tpu.memory_space<vmem>>, vector<16xi32>,
        tpu.vector_store %arg12[%swap3A], %add3A_94 {strides = array<i32>} : memref<80xi32, #tpu.memory_space<vmem>>, vector<16xi32>,
      }
      %scan3A_66 = arith.constant 5 : i32
      %dma_start3A = arith.constant 0 : i32
      %dma_start3A_67 = arith.constant 0 : i32
      %dma_start3A_68 = tpu.memref_slice %arg2[%dma_start3A, %dma_start3A_67] : memref<160000x128xf32, #tpu.memory_space<hbm>> -> memref<160000x128xf32, #tpu.memory_space<hbm>>
      tpu.enqueue_indirect_dma source(%dma_start3A_68 : memref<160000x128xf32, #tpu.memory_space<hbm>>) target(%arg13 : memref<80x128xf32, #tpu.memory_space<vmem>>) offsets(%arg12 : memref<80xi32, #tpu.memory_space<vmem>>) semaphore(%arg18 : memref<!tpu.dma_semaphore, #tpu.memory_space<semaphore_mem>>)
      %dma_start3A_69 = arith.constant 0 : i32
      %dma_start3A_70 = tpu.memref_slice %arg3[%mul3A_58, %dma_start3A_69] : memref<160000x128xf32, #tpu.memory_space<hbm>> -> memref<80x128xf32, #tpu.memory_space<hbm>>
      %dma_start3A_71 = arith.constant 0 : i32
      %dma_start3A_72 = tpu.memref_slice %arg3[%mul3A_58, %dma_start3A_71] : memref<160000x128xf32, #tpu.memory_space<hbm>> -> memref<80x128xf32, #tpu.memory_space<hbm>>
      tpu.enqueue_dma source(%dma_start3A_72 : memref<80x128xf32, #tpu.memory_space<hbm>>) target(%arg14 : memref<80x128xf32, #tpu.memory_space<vmem>>) target_semaphore(%arg19 : memref<!tpu.dma_semaphore, #tpu.memory_space<semaphore_mem>>)
      %dma_wait3A = arith.constant 0 : i32
      %dma_wait3A_73 = arith.constant 0 : i32
      %dma_wait3A_74 = tpu.memref_slice %arg2[%dma_wait3A, %dma_wait3A_73] : memref<160000x128xf32, #tpu.memory_space<hbm>> -> memref<160000x128xf32, #tpu.memory_space<hbm>>
      tpu.wait_indirect_dma semaphore(%arg18 : memref<!tpu.dma_semaphore, #tpu.memory_space<semaphore_mem>>) src(%dma_wait3A_74 : memref<160000x128xf32, #tpu.memory_space<hbm>>) dst(%arg13 : memref<80x128xf32, #tpu.memory_space<vmem>>)
      %dma_wait3A_75 = arith.constant 0 : i32
      %dma_wait3A_76 = tpu.memref_slice %arg3[%mul3A_58, %dma_wait3A_75] : memref<160000x128xf32, #tpu.memory_space<hbm>> -> memref<80x128xf32, #tpu.memory_space<hbm>>
      %dma_wait3A_77 = arith.constant 0 : i32
      %dma_wait3A_78 = tpu.memref_slice %arg3[%mul3A_58, %dma_wait3A_77] : memref<160000x128xf32, #tpu.memory_space<hbm>> -> memref<80x128xf32, #tpu.memory_space<hbm>>
      tpu.wait_dma2 semaphore(%arg19 : memref<!tpu.dma_semaphore, #tpu.memory_space<semaphore_mem>>) src(%dma_wait3A_78 : memref<80x128xf32, #tpu.memory_space<hbm>>) dst(%arg14 : memref<80x128xf32, #tpu.memory_space<vmem>>)
      %scan3A_79 = arith.constant 0 : i32
      %scan3A_80 = arith.constant 0 : i32
      %scan3A_81 = arith.constant 80 : i32
      %scan3A_82 = arith.addi %scan3A_80, %scan3A_81 : i32
      %scan3A_83 = arith.constant 1 : i32
      scf.for %scan3A_85 = %scan3A_80 to %scan3A_82 step %scan3A_83  : i32 {
        %mul3A_86 = arith.constant 4 : i32
        %mul3A_87 = arith.muli %scan3A_85, %mul3A_86 : i32
        %add3A_88 = arith.constant 0 : i32
        %add3A_89 = arith.addi %mul3A_87, %add3A_88 : i32
        %broadcast_in_dim3A_90 = vector.broadcast %add3A_89 : i32 to vector<16xi32>
        %gather3A = tpu.vector_load_idx %arg16[%broadcast_in_dim3A_90] : memref<320xf32, #tpu.memory_space<vmem>>[vector<16xi32>], vector<16xf32>,
        %get3A = arith.index_cast %scan3A_85 : i32 to index
        %get3A_91 = arith.constant 0 : index
        %get3A_92 = tpu.vector_load %arg13[%get3A, %get3A_91] {strides = array<i32>} : memref<80x128xf32, #tpu.memory_space<vmem>>, vector<16xf32>,
        %get3A_93 = arith.index_cast %scan3A_85 : i32 to index
        %get3A_94 = arith.constant 0 : index
        %get3A_95 = tpu.vector_load %arg14[%get3A_93, %get3A_94] {strides = array<i32>} : memref<80x128xf32, #tpu.memory_space<vmem>>, vector<16xf32>,
        %sub3A = arith.subf %get3A_92, %get3A_95 : vector<16xf32>
        %mul3A_96 = arith.mulf %sub3A, %gather3A : vector<16xf32>
        %swap3A = arith.index_cast %scan3A_85 : i32 to index
        %swap3A_97 = arith.constant 0 : index
        %swap3A_98 = tpu.vector_load %arg15[%swap3A, %swap3A_97] {strides = array<i32>} : memref<80x128xf32, #tpu.memory_space<vmem>>, vector<16xf32>,
        tpu.vector_store %arg15[%swap3A, %swap3A_97], %mul3A_96 {strides = array<i32>} : memref<80x128xf32, #tpu.memory_space<vmem>>, vector<16xf32>,
        %get3A_99 = arith.index_cast %scan3A_85 : i32 to index
        %get3A_100 = arith.constant 16 : index
        %get3A_101 = tpu.vector_load %arg13[%get3A_99, %get3A_100] {strides = array<i32>} : memref<80x128xf32, #tpu.memory_space<vmem>>, vector<16xf32>,
        %get3A_102 = arith.index_cast %scan3A_85 : i32 to index
        %get3A_103 = arith.constant 16 : index
        %get3A_104 = tpu.vector_load %arg14[%get3A_102, %get3A_103] {strides = array<i32>} : memref<80x128xf32, #tpu.memory_space<vmem>>, vector<16xf32>,
        %sub3A_105 = arith.subf %get3A_101, %get3A_104 : vector<16xf32>
        %mul3A_106 = arith.mulf %sub3A_105, %gather3A : vector<16xf32>
        %swap3A_107 = arith.index_cast %scan3A_85 : i32 to index
        %swap3A_108 = arith.constant 16 : index
        %swap3A_109 = tpu.vector_load %arg15[%swap3A_107, %swap3A_108] {strides = array<i32>} : memref<80x128xf32, #tpu.memory_space<vmem>>, vector<16xf32>,
        tpu.vector_store %arg15[%swap3A_107, %swap3A_108], %mul3A_106 {strides = array<i32>} : memref<80x128xf32, #tpu.memory_space<vmem>>, vector<16xf32>,
        %mul3A_110 = arith.constant 4 : i32
        %mul3A_111 = arith.muli %scan3A_85, %mul3A_110 : i32
        %add3A_112 = arith.constant 1 : i32
        %add3A_113 = arith.addi %mul3A_111, %add3A_112 : i32
        %broadcast_in_dim3A_114 = vector.broadcast %add3A_113 : i32 to vector<16xi32>
        %gather3A_115 = tpu.vector_load_idx %arg16[%broadcast_in_dim3A_114] : memref<320xf32, #tpu.memory_space<vmem>>[vector<16xi32>], vector<16xf32>,
        %get3A_116 = arith.index_cast %scan3A_85 : i32 to index
        %get3A_117 = arith.constant 32 : index
        %get3A_118 = tpu.vector_load %arg13[%get3A_116, %get3A_117] {strides = array<i32>} : memref<80x128xf32, #tpu.memory_space<vmem>>, vector<16xf32>,
        %get3A_119 = arith.index_cast %scan3A_85 : i32 to index
        %get3A_120 = arith.constant 32 : index
        %get3A_121 = tpu.vector_load %arg14[%get3A_119, %get3A_120] {strides = array<i32>} : memref<80x128xf32, #tpu.memory_space<vmem>>, vector<16xf32>,
        %sub3A_122 = arith.subf %get3A_118, %get3A_121 : vector<16xf32>
        %mul3A_123 = arith.mulf %sub3A_122, %gather3A_115 : vector<16xf32>
        %swap3A_124 = arith.index_cast %scan3A_85 : i32 to index
        %swap3A_125 = arith.constant 32 : index
        %swap3A_126 = tpu.vector_load %arg15[%swap3A_124, %swap3A_125] {strides = array<i32>} : memref<80x128xf32, #tpu.memory_space<vmem>>, vector<16xf32>,
        tpu.vector_store %arg15[%swap3A_124, %swap3A_125], %mul3A_123 {strides = array<i32>} : memref<80x128xf32, #tpu.memory_space<vmem>>, vector<16xf32>,
        %get3A_127 = arith.index_cast %scan3A_85 : i32 to index
        %get3A_128 = arith.constant 48 : index
        %get3A_129 = tpu.vector_load %arg13[%get3A_127, %get3A_128] {strides = array<i32>} : memref<80x128xf32, #tpu.memory_space<vmem>>, vector<16xf32>,
        %get3A_130 = arith.index_cast %scan3A_85 : i32 to index
        %get3A_131 = arith.constant 48 : index
        %get3A_132 = tpu.vector_load %arg14[%get3A_130, %get3A_131] {strides = array<i32>} : memref<80x128xf32, #tpu.memory_space<vmem>>, vector<16xf32>,
        %sub3A_133 = arith.subf %get3A_129, %get3A_132 : vector<16xf32>
        %mul3A_134 = arith.mulf %sub3A_133, %gather3A_115 : vector<16xf32>
        %swap3A_135 = arith.index_cast %scan3A_85 : i32 to index
        %swap3A_136 = arith.constant 48 : index
        %swap3A_137 = tpu.vector_load %arg15[%swap3A_135, %swap3A_136] {strides = array<i32>} : memref<80x128xf32, #tpu.memory_space<vmem>>, vector<16xf32>,
        tpu.vector_store %arg15[%swap3A_135, %swap3A_136], %mul3A_134 {strides = array<i32>} : memref<80x128xf32, #tpu.memory_space<vmem>>, vector<16xf32>,
        %mul3A_138 = arith.constant 4 : i32
        %mul3A_139 = arith.muli %scan3A_85, %mul3A_138 : i32
        %add3A_140 = arith.constant 2 : i32
        %add3A_141 = arith.addi %mul3A_139, %add3A_140 : i32
        %broadcast_in_dim3A_142 = vector.broadcast %add3A_141 : i32 to vector<16xi32>
        %gather3A_143 = tpu.vector_load_idx %arg16[%broadcast_in_dim3A_142] : memref<320xf32, #tpu.memory_space<vmem>>[vector<16xi32>], vector<16xf32>,
        %get3A_144 = arith.index_cast %scan3A_85 : i32 to index
        %get3A_145 = arith.constant 64 : index
        %get3A_146 = tpu.vector_load %arg13[%get3A_144, %get3A_145] {strides = array<i32>} : memref<80x128xf32, #tpu.memory_space<vmem>>, vector<16xf32>,
        %get3A_147 = arith.index_cast %scan3A_85 : i32 to index
        %get3A_148 = arith.constant 64 : index
        %get3A_149 = tpu.vector_load %arg14[%get3A_147, %get3A_148] {strides = array<i32>} : memref<80x128xf32, #tpu.memory_space<vmem>>, vector<16xf32>,
        %sub3A_150 = arith.subf %get3A_146, %get3A_149 : vector<16xf32>
        %mul3A_151 = arith.mulf %sub3A_150, %gather3A_143 : vector<16xf32>
        %swap3A_152 = arith.index_cast %scan3A_85 : i32 to index
        %swap3A_153 = arith.constant 64 : index
        %swap3A_154 = tpu.vector_load %arg15[%swap3A_152, %swap3A_153] {strides = array<i32>} : memref<80x128xf32, #tpu.memory_space<vmem>>, vector<16xf32>,
        tpu.vector_store %arg15[%swap3A_152, %swap3A_153], %mul3A_151 {strides = array<i32>} : memref<80x128xf32, #tpu.memory_space<vmem>>, vector<16xf32>,
        %get3A_155 = arith.index_cast %scan3A_85 : i32 to index
        %get3A_156 = arith.constant 80 : index
        %get3A_157 = tpu.vector_load %arg13[%get3A_155, %get3A_156] {strides = array<i32>} : memref<80x128xf32, #tpu.memory_space<vmem>>, vector<16xf32>,
        %get3A_158 = arith.index_cast %scan3A_85 : i32 to index
        %get3A_159 = arith.constant 80 : index
        %get3A_160 = tpu.vector_load %arg14[%get3A_158, %get3A_159] {strides = array<i32>} : memref<80x128xf32, #tpu.memory_space<vmem>>, vector<16xf32>,
        %sub3A_161 = arith.subf %get3A_157, %get3A_160 : vector<16xf32>
        %mul3A_162 = arith.mulf %sub3A_161, %gather3A_143 : vector<16xf32>
        %swap3A_163 = arith.index_cast %scan3A_85 : i32 to index
        %swap3A_164 = arith.constant 80 : index
        %swap3A_165 = tpu.vector_load %arg15[%swap3A_163, %swap3A_164] {strides = array<i32>} : memref<80x128xf32, #tpu.memory_space<vmem>>, vector<16xf32>,
        tpu.vector_store %arg15[%swap3A_163, %swap3A_164], %mul3A_162 {strides = array<i32>} : memref<80x128xf32, #tpu.memory_space<vmem>>, vector<16xf32>,
        %mul3A_166 = arith.constant 4 : i32
        %mul3A_167 = arith.muli %scan3A_85, %mul3A_166 : i32
        %add3A_168 = arith.constant 3 : i32
        %add3A_169 = arith.addi %mul3A_167, %add3A_168 : i32
        %broadcast_in_dim3A_170 = vector.broadcast %add3A_169 : i32 to vector<16xi32>
        %gather3A_171 = tpu.vector_load_idx %arg16[%broadcast_in_dim3A_170] : memref<320xf32, #tpu.memory_space<vmem>>[vector<16xi32>], vector<16xf32>,
        %get3A_172 = arith.index_cast %scan3A_85 : i32 to index
        %get3A_173 = arith.constant 96 : index
        %get3A_174 = tpu.vector_load %arg13[%get3A_172, %get3A_173] {strides = array<i32>} : memref<80x128xf32, #tpu.memory_space<vmem>>, vector<16xf32>,
        %get3A_175 = arith.index_cast %scan3A_85 : i32 to index
        %get3A_176 = arith.constant 96 : index
        %get3A_177 = tpu.vector_load %arg14[%get3A_175, %get3A_176] {strides = array<i32>} : memref<80x128xf32, #tpu.memory_space<vmem>>, vector<16xf32>,
        %sub3A_178 = arith.subf %get3A_174, %get3A_177 : vector<16xf32>
        %mul3A_179 = arith.mulf %sub3A_178, %gather3A_171 : vector<16xf32>
        %swap3A_180 = arith.index_cast %scan3A_85 : i32 to index
        %swap3A_181 = arith.constant 96 : index
        %swap3A_182 = tpu.vector_load %arg15[%swap3A_180, %swap3A_181] {strides = array<i32>} : memref<80x128xf32, #tpu.memory_space<vmem>>, vector<16xf32>,
        tpu.vector_store %arg15[%swap3A_180, %swap3A_181], %mul3A_179 {strides = array<i32>} : memref<80x128xf32, #tpu.memory_space<vmem>>, vector<16xf32>,
        %get3A_183 = arith.index_cast %scan3A_85 : i32 to index
        %get3A_184 = arith.constant 112 : index
        %get3A_185 = tpu.vector_load %arg13[%get3A_183, %get3A_184] {strides = array<i32>} : memref<80x128xf32, #tpu.memory_space<vmem>>, vector<16xf32>,
        %get3A_186 = arith.index_cast %scan3A_85 : i32 to index
        %get3A_187 = arith.constant 112 : index
        %get3A_188 = tpu.vector_load %arg14[%get3A_186, %get3A_187] {strides = array<i32>} : memref<80x128xf32, #tpu.memory_space<vmem>>, vector<16xf32>,
        %sub3A_189 = arith.subf %get3A_185, %get3A_188 : vector<16xf32>
        %mul3A_190 = arith.mulf %sub3A_189, %gather3A_171 : vector<16xf32>
        %swap3A_191 = arith.index_cast %scan3A_85 : i32 to index
        %swap3A_192 = arith.constant 112 : index
        %swap3A_193 = tpu.vector_load %arg15[%swap3A_191, %swap3A_192] {strides = array<i32>} : memref<80x128xf32, #tpu.memory_space<vmem>>, vector<16xf32>,
        tpu.vector_store %arg15[%swap3A_191, %swap3A_192], %mul3A_190 {strides = array<i32>} : memref<80x128xf32, #tpu.memory_space<vmem>>, vector<16xf32>,
      }
      %scan3A_84 = arith.constant 80 : i32
      "tpu.region"() ({
        %run_scoped3A = tpu.sem_alloc : memref<!tpu.dma_semaphore, #tpu.memory_space<semaphore_mem>>
        %dma_start3A_85 = arith.constant 0 : i32
        %dma_start3A_86 = arith.constant 0 : i32
        %dma_start3A_87 = tpu.memref_slice %arg17[%dma_start3A_85, %dma_start3A_86] : memref<10240x128xf32, #tpu.memory_space<vmem_shared>> -> memref<10240x128xf32, #tpu.memory_space<vmem_shared>>
        tpu.enqueue_indirect_dma source(%arg15 : memref<80x128xf32, #tpu.memory_space<vmem>>) target(%dma_start3A_87 : memref<10240x128xf32, #tpu.memory_space<vmem_shared>>) offsets(%arg9 : memref<80xi32, #tpu.memory_space<vmem>>) semaphore(%run_scoped3A : memref<!tpu.dma_semaphore, #tpu.memory_space<semaphore_mem>>) {add = true}
        %dma_wait3A_88 = arith.constant 0 : i32
        %dma_wait3A_89 = arith.constant 0 : i32
        %dma_wait3A_90 = tpu.memref_slice %arg17[%dma_wait3A_88, %dma_wait3A_89] : memref<10240x128xf32, #tpu.memory_space<vmem_shared>> -> memref<10240x128xf32, #tpu.memory_space<vmem_shared>>
        tpu.wait_indirect_dma semaphore(%run_scoped3A : memref<!tpu.dma_semaphore, #tpu.memory_space<semaphore_mem>>) src(%arg15 : memref<80x128xf32, #tpu.memory_space<vmem>>) dst(%dma_wait3A_90 : memref<10240x128xf32, #tpu.memory_space<vmem_shared>>)
        tpu.yield
      }) : () -> ()
    }
    %barrier3A_36 = arith.constant 0 : index
    tpu.barrier barrier_id(%barrier3A_36)
    %add3A_37 = arith.constant 0 : i32
    %add3A_38 = arith.addi %mul3A_8, %add3A_37 : i32
    "tpu.region"() ({
      %run_scoped3A = tpu.sem_alloc : memref<!tpu.dma_semaphore, #tpu.memory_space<semaphore_mem>>
      %dma_start3A = arith.constant 0 : i32
      %dma_start3A_53 = tpu.memref_slice %arg17[%add3A_38, %dma_start3A] : memref<10240x128xf32, #tpu.memory_space<vmem_shared>> -> memref<80x128xf32, #tpu.memory_space<vmem_shared>>
      %dma_start3A_54 = arith.constant 0 : i32
      %dma_start3A_55 = tpu.memref_slice %arg17[%add3A_38, %dma_start3A_54] : memref<10240x128xf32, #tpu.memory_space<vmem_shared>> -> memref<80x128xf32, #tpu.memory_space<vmem_shared>>
      tpu.enqueue_dma source(%dma_start3A_55 : memref<80x128xf32, #tpu.memory_space<vmem_shared>>) target(%arg15 : memref<80x128xf32, #tpu.memory_space<vmem>>) target_semaphore(%run_scoped3A : memref<!tpu.dma_semaphore, #tpu.memory_space<semaphore_mem>>)
      %dma_wait3A = arith.constant 0 : i32
      %dma_wait3A_56 = tpu.memref_slice %arg17[%add3A_38, %dma_wait3A] : memref<10240x128xf32, #tpu.memory_space<vmem_shared>> -> memref<80x128xf32, #tpu.memory_space<vmem_shared>>
      %dma_wait3A_57 = arith.constant 0 : i32
      %dma_wait3A_58 = tpu.memref_slice %arg17[%add3A_38, %dma_wait3A_57] : memref<10240x128xf32, #tpu.memory_space<vmem_shared>> -> memref<80x128xf32, #tpu.memory_space<vmem_shared>>
      tpu.wait_dma2 semaphore(%run_scoped3A : memref<!tpu.dma_semaphore, #tpu.memory_space<semaphore_mem>>) src(%dma_wait3A_58 : memref<80x128xf32, #tpu.memory_space<vmem_shared>>) dst(%arg15 : memref<80x128xf32, #tpu.memory_space<vmem>>)
      tpu.yield
    }) : () -> ()
    "tpu.region"() ({
      %run_scoped3A = tpu.sem_alloc : memref<!tpu.dma_semaphore, #tpu.memory_space<semaphore_mem>>
      %dma_start3A = arith.constant 0 : i32
      %dma_start3A_53 = tpu.memref_slice %arg8[%arg0, %add3A_38, %dma_start3A] : memref<2x10240x128xf32, #tpu.memory_space<hbm>> -> memref<1x80x128xf32, #tpu.memory_space<hbm>>
      %dma_start3A_54 = tpu.memref_squeeze %dma_start3A_53 : memref<1x80x128xf32, #tpu.memory_space<hbm>> -> memref<80x128xf32, #tpu.memory_space<hbm>>
      %dma_start3A_55 = arith.constant 0 : i32
      %dma_start3A_56 = tpu.memref_slice %arg8[%arg0, %add3A_38, %dma_start3A_55] : memref<2x10240x128xf32, #tpu.memory_space<hbm>> -> memref<1x80x128xf32, #tpu.memory_space<hbm>>
      %dma_start3A_57 = tpu.memref_squeeze %dma_start3A_56 : memref<1x80x128xf32, #tpu.memory_space<hbm>> -> memref<80x128xf32, #tpu.memory_space<hbm>>
      tpu.enqueue_dma source(%arg15 : memref<80x128xf32, #tpu.memory_space<vmem>>) target(%dma_start3A_57 : memref<80x128xf32, #tpu.memory_space<hbm>>) target_semaphore(%run_scoped3A : memref<!tpu.dma_semaphore, #tpu.memory_space<semaphore_mem>>)
      %dma_wait3A = arith.constant 0 : i32
      %dma_wait3A_58 = tpu.memref_slice %arg8[%arg0, %add3A_38, %dma_wait3A] : memref<2x10240x128xf32, #tpu.memory_space<hbm>> -> memref<1x80x128xf32, #tpu.memory_space<hbm>>
      %dma_wait3A_59 = tpu.memref_squeeze %dma_wait3A_58 : memref<1x80x128xf32, #tpu.memory_space<hbm>> -> memref<80x128xf32, #tpu.memory_space<hbm>>
      %dma_wait3A_60 = arith.constant 0 : i32
      %dma_wait3A_61 = tpu.memref_slice %arg8[%arg0, %add3A_38, %dma_wait3A_60] : memref<2x10240x128xf32, #tpu.memory_space<hbm>> -> memref<1x80x128xf32, #tpu.memory_space<hbm>>
      %dma_wait3A_62 = tpu.memref_squeeze %dma_wait3A_61 : memref<1x80x128xf32, #tpu.memory_space<hbm>> -> memref<80x128xf32, #tpu.memory_space<hbm>>
      tpu.wait_dma2 semaphore(%run_scoped3A : memref<!tpu.dma_semaphore, #tpu.memory_space<semaphore_mem>>) src(%arg15 : memref<80x128xf32, #tpu.memory_space<vmem>>) dst(%dma_wait3A_62 : memref<80x128xf32, #tpu.memory_space<hbm>>)
      tpu.yield
    }) : () -> ()
    %add3A_39 = arith.constant 80 : i32
    %add3A_40 = arith.addi %mul3A_8, %add3A_39 : i32
    "tpu.region"() ({
      %run_scoped3A = tpu.sem_alloc : memref<!tpu.dma_semaphore, #tpu.memory_space<semaphore_mem>>
      %dma_start3A = arith.constant 0 : i32
      %dma_start3A_53 = tpu.memref_slice %arg17[%add3A_40, %dma_start3A] : memref<10240x128xf32, #tpu.memory_space<vmem_shared>> -> memref<80x128xf32, #tpu.memory_space<vmem_shared>>
      %dma_start3A_54 = arith.constant 0 : i32
      %dma_start3A_55 = tpu.memref_slice %arg17[%add3A_40, %dma_start3A_54] : memref<10240x128xf32, #tpu.memory_space<vmem_shared>> -> memref<80x128xf32, #tpu.memory_space<vmem_shared>>
      tpu.enqueue_dma source(%dma_start3A_55 : memref<80x128xf32, #tpu.memory_space<vmem_shared>>) target(%arg15 : memref<80x128xf32, #tpu.memory_space<vmem>>) target_semaphore(%run_scoped3A : memref<!tpu.dma_semaphore, #tpu.memory_space<semaphore_mem>>)
      %dma_wait3A = arith.constant 0 : i32
      %dma_wait3A_56 = tpu.memref_slice %arg17[%add3A_40, %dma_wait3A] : memref<10240x128xf32, #tpu.memory_space<vmem_shared>> -> memref<80x128xf32, #tpu.memory_space<vmem_shared>>
      %dma_wait3A_57 = arith.constant 0 : i32
      %dma_wait3A_58 = tpu.memref_slice %arg17[%add3A_40, %dma_wait3A_57] : memref<10240x128xf32, #tpu.memory_space<vmem_shared>> -> memref<80x128xf32, #tpu.memory_space<vmem_shared>>
      tpu.wait_dma2 semaphore(%run_scoped3A : memref<!tpu.dma_semaphore, #tpu.memory_space<semaphore_mem>>) src(%dma_wait3A_58 : memref<80x128xf32, #tpu.memory_space<vmem_shared>>) dst(%arg15 : memref<80x128xf32, #tpu.memory_space<vmem>>)
      tpu.yield
    }) : () -> ()
    "tpu.region"() ({
      %run_scoped3A = tpu.sem_alloc : memref<!tpu.dma_semaphore, #tpu.memory_space<semaphore_mem>>
      %dma_start3A = arith.constant 0 : i32
      %dma_start3A_53 = tpu.memref_slice %arg8[%arg0, %add3A_40, %dma_start3A] : memref<2x10240x128xf32, #tpu.memory_space<hbm>> -> memref<1x80x128xf32, #tpu.memory_space<hbm>>
      %dma_start3A_54 = tpu.memref_squeeze %dma_start3A_53 : memref<1x80x128xf32, #tpu.memory_space<hbm>> -> memref<80x128xf32, #tpu.memory_space<hbm>>
      %dma_start3A_55 = arith.constant 0 : i32
      %dma_start3A_56 = tpu.memref_slice %arg8[%arg0, %add3A_40, %dma_start3A_55] : memref<2x10240x128xf32, #tpu.memory_space<hbm>> -> memref<1x80x128xf32, #tpu.memory_space<hbm>>
      %dma_start3A_57 = tpu.memref_squeeze %dma_start3A_56 : memref<1x80x128xf32, #tpu.memory_space<hbm>> -> memref<80x128xf32, #tpu.memory_space<hbm>>
      tpu.enqueue_dma source(%arg15 : memref<80x128xf32, #tpu.memory_space<vmem>>) target(%dma_start3A_57 : memref<80x128xf32, #tpu.memory_space<hbm>>) target_semaphore(%run_scoped3A : memref<!tpu.dma_semaphore, #tpu.memory_space<semaphore_mem>>)
      %dma_wait3A = arith.constant 0 : i32
      %dma_wait3A_58 = tpu.memref_slice %arg8[%arg0, %add3A_40, %dma_wait3A] : memref<2x10240x128xf32, #tpu.memory_space<hbm>> -> memref<1x80x128xf32, #tpu.memory_space<hbm>>
      %dma_wait3A_59 = tpu.memref_squeeze %dma_wait3A_58 : memref<1x80x128xf32, #tpu.memory_space<hbm>> -> memref<80x128xf32, #tpu.memory_space<hbm>>
      %dma_wait3A_60 = arith.constant 0 : i32
      %dma_wait3A_61 = tpu.memref_slice %arg8[%arg0, %add3A_40, %dma_wait3A_60] : memref<2x10240x128xf32, #tpu.memory_space<hbm>> -> memref<1x80x128xf32, #tpu.memory_space<hbm>>
      %dma_wait3A_62 = tpu.memref_squeeze %dma_wait3A_61 : memref<1x80x128xf32, #tpu.memory_space<hbm>> -> memref<80x128xf32, #tpu.memory_space<hbm>>
      tpu.wait_dma2 semaphore(%run_scoped3A : memref<!tpu.dma_semaphore, #tpu.memory_space<semaphore_mem>>) src(%arg15 : memref<80x128xf32, #tpu.memory_space<vmem>>) dst(%dma_wait3A_62 : memref<80x128xf32, #tpu.memory_space<hbm>>)
      tpu.yield
    }) : () -> ()
    %add3A_41 = arith.constant 160 : i32
    %add3A_42 = arith.addi %mul3A_8, %add3A_41 : i32
    "tpu.region"() ({
      %run_scoped3A = tpu.sem_alloc : memref<!tpu.dma_semaphore, #tpu.memory_space<semaphore_mem>>
      %dma_start3A = arith.constant 0 : i32
      %dma_start3A_53 = tpu.memref_slice %arg17[%add3A_42, %dma_start3A] : memref<10240x128xf32, #tpu.memory_space<vmem_shared>> -> memref<80x128xf32, #tpu.memory_space<vmem_shared>>
      %dma_start3A_54 = arith.constant 0 : i32
      %dma_start3A_55 = tpu.memref_slice %arg17[%add3A_42, %dma_start3A_54] : memref<10240x128xf32, #tpu.memory_space<vmem_shared>> -> memref<80x128xf32, #tpu.memory_space<vmem_shared>>
      tpu.enqueue_dma source(%dma_start3A_55 : memref<80x128xf32, #tpu.memory_space<vmem_shared>>) target(%arg15 : memref<80x128xf32, #tpu.memory_space<vmem>>) target_semaphore(%run_scoped3A : memref<!tpu.dma_semaphore, #tpu.memory_space<semaphore_mem>>)
      %dma_wait3A = arith.constant 0 : i32
      %dma_wait3A_56 = tpu.memref_slice %arg17[%add3A_42, %dma_wait3A] : memref<10240x128xf32, #tpu.memory_space<vmem_shared>> -> memref<80x128xf32, #tpu.memory_space<vmem_shared>>
      %dma_wait3A_57 = arith.constant 0 : i32
      %dma_wait3A_58 = tpu.memref_slice %arg17[%add3A_42, %dma_wait3A_57] : memref<10240x128xf32, #tpu.memory_space<vmem_shared>> -> memref<80x128xf32, #tpu.memory_space<vmem_shared>>
      tpu.wait_dma2 semaphore(%run_scoped3A : memref<!tpu.dma_semaphore, #tpu.memory_space<semaphore_mem>>) src(%dma_wait3A_58 : memref<80x128xf32, #tpu.memory_space<vmem_shared>>) dst(%arg15 : memref<80x128xf32, #tpu.memory_space<vmem>>)
      tpu.yield
    }) : () -> ()
    "tpu.region"() ({
      %run_scoped3A = tpu.sem_alloc : memref<!tpu.dma_semaphore, #tpu.memory_space<semaphore_mem>>
      %dma_start3A = arith.constant 0 : i32
      %dma_start3A_53 = tpu.memref_slice %arg8[%arg0, %add3A_42, %dma_start3A] : memref<2x10240x128xf32, #tpu.memory_space<hbm>> -> memref<1x80x128xf32, #tpu.memory_space<hbm>>
      %dma_start3A_54 = tpu.memref_squeeze %dma_start3A_53 : memref<1x80x128xf32, #tpu.memory_space<hbm>> -> memref<80x128xf32, #tpu.memory_space<hbm>>
      %dma_start3A_55 = arith.constant 0 : i32
      %dma_start3A_56 = tpu.memref_slice %arg8[%arg0, %add3A_42, %dma_start3A_55] : memref<2x10240x128xf32, #tpu.memory_space<hbm>> -> memref<1x80x128xf32, #tpu.memory_space<hbm>>
      %dma_start3A_57 = tpu.memref_squeeze %dma_start3A_56 : memref<1x80x128xf32, #tpu.memory_space<hbm>> -> memref<80x128xf32, #tpu.memory_space<hbm>>
      tpu.enqueue_dma source(%arg15 : memref<80x128xf32, #tpu.memory_space<vmem>>) target(%dma_start3A_57 : memref<80x128xf32, #tpu.memory_space<hbm>>) target_semaphore(%run_scoped3A : memref<!tpu.dma_semaphore, #tpu.memory_space<semaphore_mem>>)
      %dma_wait3A = arith.constant 0 : i32
      %dma_wait3A_58 = tpu.memref_slice %arg8[%arg0, %add3A_42, %dma_wait3A] : memref<2x10240x128xf32, #tpu.memory_space<hbm>> -> memref<1x80x128xf32, #tpu.memory_space<hbm>>
      %dma_wait3A_59 = tpu.memref_squeeze %dma_wait3A_58 : memref<1x80x128xf32, #tpu.memory_space<hbm>> -> memref<80x128xf32, #tpu.memory_space<hbm>>
      %dma_wait3A_60 = arith.constant 0 : i32
      %dma_wait3A_61 = tpu.memref_slice %arg8[%arg0, %add3A_42, %dma_wait3A_60] : memref<2x10240x128xf32, #tpu.memory_space<hbm>> -> memref<1x80x128xf32, #tpu.memory_space<hbm>>
      %dma_wait3A_62 = tpu.memref_squeeze %dma_wait3A_61 : memref<1x80x128xf32, #tpu.memory_space<hbm>> -> memref<80x128xf32, #tpu.memory_space<hbm>>
      tpu.wait_dma2 semaphore(%run_scoped3A : memref<!tpu.dma_semaphore, #tpu.memory_space<semaphore_mem>>) src(%arg15 : memref<80x128xf32, #tpu.memory_space<vmem>>) dst(%dma_wait3A_62 : memref<80x128xf32, #tpu.memory_space<hbm>>)
      tpu.yield
    }) : () -> ()
    %add3A_43 = arith.constant 240 : i32
    %add3A_44 = arith.addi %mul3A_8, %add3A_43 : i32
    "tpu.region"() ({
      %run_scoped3A = tpu.sem_alloc : memref<!tpu.dma_semaphore, #tpu.memory_space<semaphore_mem>>
      %dma_start3A = arith.constant 0 : i32
      %dma_start3A_53 = tpu.memref_slice %arg17[%add3A_44, %dma_start3A] : memref<10240x128xf32, #tpu.memory_space<vmem_shared>> -> memref<80x128xf32, #tpu.memory_space<vmem_shared>>
      %dma_start3A_54 = arith.constant 0 : i32
      %dma_start3A_55 = tpu.memref_slice %arg17[%add3A_44, %dma_start3A_54] : memref<10240x128xf32, #tpu.memory_space<vmem_shared>> -> memref<80x128xf32, #tpu.memory_space<vmem_shared>>
      tpu.enqueue_dma source(%dma_start3A_55 : memref<80x128xf32, #tpu.memory_space<vmem_shared>>) target(%arg15 : memref<80x128xf32, #tpu.memory_space<vmem>>) target_semaphore(%run_scoped3A : memref<!tpu.dma_semaphore, #tpu.memory_space<semaphore_mem>>)
      %dma_wait3A = arith.constant 0 : i32
      %dma_wait3A_56 = tpu.memref_slice %arg17[%add3A_44, %dma_wait3A] : memref<10240x128xf32, #tpu.memory_space<vmem_shared>> -> memref<80x128xf32, #tpu.memory_space<vmem_shared>>
      %dma_wait3A_57 = arith.constant 0 : i32
      %dma_wait3A_58 = tpu.memref_slice %arg17[%add3A_44, %dma_wait3A_57] : memref<10240x128xf32, #tpu.memory_space<vmem_shared>> -> memref<80x128xf32, #tpu.memory_space<vmem_shared>>
      tpu.wait_dma2 semaphore(%run_scoped3A : memref<!tpu.dma_semaphore, #tpu.memory_space<semaphore_mem>>) src(%dma_wait3A_58 : memref<80x128xf32, #tpu.memory_space<vmem_shared>>) dst(%arg15 : memref<80x128xf32, #tpu.memory_space<vmem>>)
      tpu.yield
    }) : () -> ()
    "tpu.region"() ({
      %run_scoped3A = tpu.sem_alloc : memref<!tpu.dma_semaphore, #tpu.memory_space<semaphore_mem>>
      %dma_start3A = arith.constant 0 : i32
      %dma_start3A_53 = tpu.memref_slice %arg8[%arg0, %add3A_44, %dma_start3A] : memref<2x10240x128xf32, #tpu.memory_space<hbm>> -> memref<1x80x128xf32, #tpu.memory_space<hbm>>
      %dma_start3A_54 = tpu.memref_squeeze %dma_start3A_53 : memref<1x80x128xf32, #tpu.memory_space<hbm>> -> memref<80x128xf32, #tpu.memory_space<hbm>>
      %dma_start3A_55 = arith.constant 0 : i32
      %dma_start3A_56 = tpu.memref_slice %arg8[%arg0, %add3A_44, %dma_start3A_55] : memref<2x10240x128xf32, #tpu.memory_space<hbm>> -> memref<1x80x128xf32, #tpu.memory_space<hbm>>
      %dma_start3A_57 = tpu.memref_squeeze %dma_start3A_56 : memref<1x80x128xf32, #tpu.memory_space<hbm>> -> memref<80x128xf32, #tpu.memory_space<hbm>>
      tpu.enqueue_dma source(%arg15 : memref<80x128xf32, #tpu.memory_space<vmem>>) target(%dma_start3A_57 : memref<80x128xf32, #tpu.memory_space<hbm>>) target_semaphore(%run_scoped3A : memref<!tpu.dma_semaphore, #tpu.memory_space<semaphore_mem>>)
      %dma_wait3A = arith.constant 0 : i32
      %dma_wait3A_58 = tpu.memref_slice %arg8[%arg0, %add3A_44, %dma_wait3A] : memref<2x10240x128xf32, #tpu.memory_space<hbm>> -> memref<1x80x128xf32, #tpu.memory_space<hbm>>
      %dma_wait3A_59 = tpu.memref_squeeze %dma_wait3A_58 : memref<1x80x128xf32, #tpu.memory_space<hbm>> -> memref<80x128xf32, #tpu.memory_space<hbm>>
      %dma_wait3A_60 = arith.constant 0 : i32
      %dma_wait3A_61 = tpu.memref_slice %arg8[%arg0, %add3A_44, %dma_wait3A_60] : memref<2x10240x128xf32, #tpu.memory_space<hbm>> -> memref<1x80x128xf32, #tpu.memory_space<hbm>>
      %dma_wait3A_62 = tpu.memref_squeeze %dma_wait3A_61 : memref<1x80x128xf32, #tpu.memory_space<hbm>> -> memref<80x128xf32, #tpu.memory_space<hbm>>
      tpu.wait_dma2 semaphore(%run_scoped3A : memref<!tpu.dma_semaphore, #tpu.memory_space<semaphore_mem>>) src(%arg15 : memref<80x128xf32, #tpu.memory_space<vmem>>) dst(%dma_wait3A_62 : memref<80x128xf32, #tpu.memory_space<hbm>>)
      tpu.yield
    }) : () -> ()
    %add3A_45 = arith.constant 320 : i32
    %add3A_46 = arith.addi %mul3A_8, %add3A_45 : i32
    "tpu.region"() ({
      %run_scoped3A = tpu.sem_alloc : memref<!tpu.dma_semaphore, #tpu.memory_space<semaphore_mem>>
      %dma_start3A = arith.constant 0 : i32
      %dma_start3A_53 = tpu.memref_slice %arg17[%add3A_46, %dma_start3A] : memref<10240x128xf32, #tpu.memory_space<vmem_shared>> -> memref<80x128xf32, #tpu.memory_space<vmem_shared>>
      %dma_start3A_54 = arith.constant 0 : i32
      %dma_start3A_55 = tpu.memref_slice %arg17[%add3A_46, %dma_start3A_54] : memref<10240x128xf32, #tpu.memory_space<vmem_shared>> -> memref<80x128xf32, #tpu.memory_space<vmem_shared>>
      tpu.enqueue_dma source(%dma_start3A_55 : memref<80x128xf32, #tpu.memory_space<vmem_shared>>) target(%arg15 : memref<80x128xf32, #tpu.memory_space<vmem>>) target_semaphore(%run_scoped3A : memref<!tpu.dma_semaphore, #tpu.memory_space<semaphore_mem>>)
      %dma_wait3A = arith.constant 0 : i32
      %dma_wait3A_56 = tpu.memref_slice %arg17[%add3A_46, %dma_wait3A] : memref<10240x128xf32, #tpu.memory_space<vmem_shared>> -> memref<80x128xf32, #tpu.memory_space<vmem_shared>>
      %dma_wait3A_57 = arith.constant 0 : i32
      %dma_wait3A_58 = tpu.memref_slice %arg17[%add3A_46, %dma_wait3A_57] : memref<10240x128xf32, #tpu.memory_space<vmem_shared>> -> memref<80x128xf32, #tpu.memory_space<vmem_shared>>
      tpu.wait_dma2 semaphore(%run_scoped3A : memref<!tpu.dma_semaphore, #tpu.memory_space<semaphore_mem>>) src(%dma_wait3A_58 : memref<80x128xf32, #tpu.memory_space<vmem_shared>>) dst(%arg15 : memref<80x128xf32, #tpu.memory_space<vmem>>)
      tpu.yield
    }) : () -> ()
    "tpu.region"() ({
      %run_scoped3A = tpu.sem_alloc : memref<!tpu.dma_semaphore, #tpu.memory_space<semaphore_mem>>
      %dma_start3A = arith.constant 0 : i32
      %dma_start3A_53 = tpu.memref_slice %arg8[%arg0, %add3A_46, %dma_start3A] : memref<2x10240x128xf32, #tpu.memory_space<hbm>> -> memref<1x80x128xf32, #tpu.memory_space<hbm>>
      %dma_start3A_54 = tpu.memref_squeeze %dma_start3A_53 : memref<1x80x128xf32, #tpu.memory_space<hbm>> -> memref<80x128xf32, #tpu.memory_space<hbm>>
      %dma_start3A_55 = arith.constant 0 : i32
      %dma_start3A_56 = tpu.memref_slice %arg8[%arg0, %add3A_46, %dma_start3A_55] : memref<2x10240x128xf32, #tpu.memory_space<hbm>> -> memref<1x80x128xf32, #tpu.memory_space<hbm>>
      %dma_start3A_57 = tpu.memref_squeeze %dma_start3A_56 : memref<1x80x128xf32, #tpu.memory_space<hbm>> -> memref<80x128xf32, #tpu.memory_space<hbm>>
      tpu.enqueue_dma source(%arg15 : memref<80x128xf32, #tpu.memory_space<vmem>>) target(%dma_start3A_57 : memref<80x128xf32, #tpu.memory_space<hbm>>) target_semaphore(%run_scoped3A : memref<!tpu.dma_semaphore, #tpu.memory_space<semaphore_mem>>)
      %dma_wait3A = arith.constant 0 : i32
      %dma_wait3A_58 = tpu.memref_slice %arg8[%arg0, %add3A_46, %dma_wait3A] : memref<2x10240x128xf32, #tpu.memory_space<hbm>> -> memref<1x80x128xf32, #tpu.memory_space<hbm>>
      %dma_wait3A_59 = tpu.memref_squeeze %dma_wait3A_58 : memref<1x80x128xf32, #tpu.memory_space<hbm>> -> memref<80x128xf32, #tpu.memory_space<hbm>>
      %dma_wait3A_60 = arith.constant 0 : i32
      %dma_wait3A_61 = tpu.memref_slice %arg8[%arg0, %add3A_46, %dma_wait3A_60] : memref<2x10240x128xf32, #tpu.memory_space<hbm>> -> memref<1x80x128xf32, #tpu.memory_space<hbm>>
      %dma_wait3A_62 = tpu.memref_squeeze %dma_wait3A_61 : memref<1x80x128xf32, #tpu.memory_space<hbm>> -> memref<80x128xf32, #tpu.memory_space<hbm>>
      tpu.wait_dma2 semaphore(%run_scoped3A : memref<!tpu.dma_semaphore, #tpu.memory_space<semaphore_mem>>) src(%arg15 : memref<80x128xf32, #tpu.memory_space<vmem>>) dst(%dma_wait3A_62 : memref<80x128xf32, #tpu.memory_space<hbm>>)
      tpu.yield
    }) : () -> ()
    %add3A_47 = arith.constant 400 : i32
    %add3A_48 = arith.addi %mul3A_8, %add3A_47 : i32
    "tpu.region"() ({
      %run_scoped3A = tpu.sem_alloc : memref<!tpu.dma_semaphore, #tpu.memory_space<semaphore_mem>>
      %dma_start3A = arith.constant 0 : i32
      %dma_start3A_53 = tpu.memref_slice %arg17[%add3A_48, %dma_start3A] : memref<10240x128xf32, #tpu.memory_space<vmem_shared>> -> memref<80x128xf32, #tpu.memory_space<vmem_shared>>
      %dma_start3A_54 = arith.constant 0 : i32
      %dma_start3A_55 = tpu.memref_slice %arg17[%add3A_48, %dma_start3A_54] : memref<10240x128xf32, #tpu.memory_space<vmem_shared>> -> memref<80x128xf32, #tpu.memory_space<vmem_shared>>
      tpu.enqueue_dma source(%dma_start3A_55 : memref<80x128xf32, #tpu.memory_space<vmem_shared>>) target(%arg15 : memref<80x128xf32, #tpu.memory_space<vmem>>) target_semaphore(%run_scoped3A : memref<!tpu.dma_semaphore, #tpu.memory_space<semaphore_mem>>)
      %dma_wait3A = arith.constant 0 : i32
      %dma_wait3A_56 = tpu.memref_slice %arg17[%add3A_48, %dma_wait3A] : memref<10240x128xf32, #tpu.memory_space<vmem_shared>> -> memref<80x128xf32, #tpu.memory_space<vmem_shared>>
      %dma_wait3A_57 = arith.constant 0 : i32
      %dma_wait3A_58 = tpu.memref_slice %arg17[%add3A_48, %dma_wait3A_57] : memref<10240x128xf32, #tpu.memory_space<vmem_shared>> -> memref<80x128xf32, #tpu.memory_space<vmem_shared>>
      tpu.wait_dma2 semaphore(%run_scoped3A : memref<!tpu.dma_semaphore, #tpu.memory_space<semaphore_mem>>) src(%dma_wait3A_58 : memref<80x128xf32, #tpu.memory_space<vmem_shared>>) dst(%arg15 : memref<80x128xf32, #tpu.memory_space<vmem>>)
      tpu.yield
    }) : () -> ()
    "tpu.region"() ({
      %run_scoped3A = tpu.sem_alloc : memref<!tpu.dma_semaphore, #tpu.memory_space<semaphore_mem>>
      %dma_start3A = arith.constant 0 : i32
      %dma_start3A_53 = tpu.memref_slice %arg8[%arg0, %add3A_48, %dma_start3A] : memref<2x10240x128xf32, #tpu.memory_space<hbm>> -> memref<1x80x128xf32, #tpu.memory_space<hbm>>
      %dma_start3A_54 = tpu.memref_squeeze %dma_start3A_53 : memref<1x80x128xf32, #tpu.memory_space<hbm>> -> memref<80x128xf32, #tpu.memory_space<hbm>>
      %dma_start3A_55 = arith.constant 0 : i32
      %dma_start3A_56 = tpu.memref_slice %arg8[%arg0, %add3A_48, %dma_start3A_55] : memref<2x10240x128xf32, #tpu.memory_space<hbm>> -> memref<1x80x128xf32, #tpu.memory_space<hbm>>
      %dma_start3A_57 = tpu.memref_squeeze %dma_start3A_56 : memref<1x80x128xf32, #tpu.memory_space<hbm>> -> memref<80x128xf32, #tpu.memory_space<hbm>>
      tpu.enqueue_dma source(%arg15 : memref<80x128xf32, #tpu.memory_space<vmem>>) target(%dma_start3A_57 : memref<80x128xf32, #tpu.memory_space<hbm>>) target_semaphore(%run_scoped3A : memref<!tpu.dma_semaphore, #tpu.memory_space<semaphore_mem>>)
      %dma_wait3A = arith.constant 0 : i32
      %dma_wait3A_58 = tpu.memref_slice %arg8[%arg0, %add3A_48, %dma_wait3A] : memref<2x10240x128xf32, #tpu.memory_space<hbm>> -> memref<1x80x128xf32, #tpu.memory_space<hbm>>
      %dma_wait3A_59 = tpu.memref_squeeze %dma_wait3A_58 : memref<1x80x128xf32, #tpu.memory_space<hbm>> -> memref<80x128xf32, #tpu.memory_space<hbm>>
      %dma_wait3A_60 = arith.constant 0 : i32
      %dma_wait3A_61 = tpu.memref_slice %arg8[%arg0, %add3A_48, %dma_wait3A_60] : memref<2x10240x128xf32, #tpu.memory_space<hbm>> -> memref<1x80x128xf32, #tpu.memory_space<hbm>>
      %dma_wait3A_62 = tpu.memref_squeeze %dma_wait3A_61 : memref<1x80x128xf32, #tpu.memory_space<hbm>> -> memref<80x128xf32, #tpu.memory_space<hbm>>
      tpu.wait_dma2 semaphore(%run_scoped3A : memref<!tpu.dma_semaphore, #tpu.memory_space<semaphore_mem>>) src(%arg15 : memref<80x128xf32, #tpu.memory_space<vmem>>) dst(%dma_wait3A_62 : memref<80x128xf32, #tpu.memory_space<hbm>>)
      tpu.yield
    }) : () -> ()
    %add3A_49 = arith.constant 480 : i32
    %add3A_50 = arith.addi %mul3A_8, %add3A_49 : i32
    "tpu.region"() ({
      %run_scoped3A = tpu.sem_alloc : memref<!tpu.dma_semaphore, #tpu.memory_space<semaphore_mem>>
      %dma_start3A = arith.constant 0 : i32
      %dma_start3A_53 = tpu.memref_slice %arg17[%add3A_50, %dma_start3A] : memref<10240x128xf32, #tpu.memory_space<vmem_shared>> -> memref<80x128xf32, #tpu.memory_space<vmem_shared>>
      %dma_start3A_54 = arith.constant 0 : i32
      %dma_start3A_55 = tpu.memref_slice %arg17[%add3A_50, %dma_start3A_54] : memref<10240x128xf32, #tpu.memory_space<vmem_shared>> -> memref<80x128xf32, #tpu.memory_space<vmem_shared>>
      tpu.enqueue_dma source(%dma_start3A_55 : memref<80x128xf32, #tpu.memory_space<vmem_shared>>) target(%arg15 : memref<80x128xf32, #tpu.memory_space<vmem>>) target_semaphore(%run_scoped3A : memref<!tpu.dma_semaphore, #tpu.memory_space<semaphore_mem>>)
      %dma_wait3A = arith.constant 0 : i32
      %dma_wait3A_56 = tpu.memref_slice %arg17[%add3A_50, %dma_wait3A] : memref<10240x128xf32, #tpu.memory_space<vmem_shared>> -> memref<80x128xf32, #tpu.memory_space<vmem_shared>>
      %dma_wait3A_57 = arith.constant 0 : i32
      %dma_wait3A_58 = tpu.memref_slice %arg17[%add3A_50, %dma_wait3A_57] : memref<10240x128xf32, #tpu.memory_space<vmem_shared>> -> memref<80x128xf32, #tpu.memory_space<vmem_shared>>
      tpu.wait_dma2 semaphore(%run_scoped3A : memref<!tpu.dma_semaphore, #tpu.memory_space<semaphore_mem>>) src(%dma_wait3A_58 : memref<80x128xf32, #tpu.memory_space<vmem_shared>>) dst(%arg15 : memref<80x128xf32, #tpu.memory_space<vmem>>)
      tpu.yield
    }) : () -> ()
    "tpu.region"() ({
      %run_scoped3A = tpu.sem_alloc : memref<!tpu.dma_semaphore, #tpu.memory_space<semaphore_mem>>
      %dma_start3A = arith.constant 0 : i32
      %dma_start3A_53 = tpu.memref_slice %arg8[%arg0, %add3A_50, %dma_start3A] : memref<2x10240x128xf32, #tpu.memory_space<hbm>> -> memref<1x80x128xf32, #tpu.memory_space<hbm>>
      %dma_start3A_54 = tpu.memref_squeeze %dma_start3A_53 : memref<1x80x128xf32, #tpu.memory_space<hbm>> -> memref<80x128xf32, #tpu.memory_space<hbm>>
      %dma_start3A_55 = arith.constant 0 : i32
      %dma_start3A_56 = tpu.memref_slice %arg8[%arg0, %add3A_50, %dma_start3A_55] : memref<2x10240x128xf32, #tpu.memory_space<hbm>> -> memref<1x80x128xf32, #tpu.memory_space<hbm>>
      %dma_start3A_57 = tpu.memref_squeeze %dma_start3A_56 : memref<1x80x128xf32, #tpu.memory_space<hbm>> -> memref<80x128xf32, #tpu.memory_space<hbm>>
      tpu.enqueue_dma source(%arg15 : memref<80x128xf32, #tpu.memory_space<vmem>>) target(%dma_start3A_57 : memref<80x128xf32, #tpu.memory_space<hbm>>) target_semaphore(%run_scoped3A : memref<!tpu.dma_semaphore, #tpu.memory_space<semaphore_mem>>)
      %dma_wait3A = arith.constant 0 : i32
      %dma_wait3A_58 = tpu.memref_slice %arg8[%arg0, %add3A_50, %dma_wait3A] : memref<2x10240x128xf32, #tpu.memory_space<hbm>> -> memref<1x80x128xf32, #tpu.memory_space<hbm>>
      %dma_wait3A_59 = tpu.memref_squeeze %dma_wait3A_58 : memref<1x80x128xf32, #tpu.memory_space<hbm>> -> memref<80x128xf32, #tpu.memory_space<hbm>>
      %dma_wait3A_60 = arith.constant 0 : i32
      %dma_wait3A_61 = tpu.memref_slice %arg8[%arg0, %add3A_50, %dma_wait3A_60] : memref<2x10240x128xf32, #tpu.memory_space<hbm>> -> memref<1x80x128xf32, #tpu.memory_space<hbm>>
      %dma_wait3A_62 = tpu.memref_squeeze %dma_wait3A_61 : memref<1x80x128xf32, #tpu.memory_space<hbm>> -> memref<80x128xf32, #tpu.memory_space<hbm>>
      tpu.wait_dma2 semaphore(%run_scoped3A : memref<!tpu.dma_semaphore, #tpu.memory_space<semaphore_mem>>) src(%arg15 : memref<80x128xf32, #tpu.memory_space<vmem>>) dst(%dma_wait3A_62 : memref<80x128xf32, #tpu.memory_space<hbm>>)
      tpu.yield
    }) : () -> ()
    %add3A_51 = arith.constant 560 : i32
    %add3A_52 = arith.addi %mul3A_8, %add3A_51 : i32
    "tpu.region"() ({
      %run_scoped3A = tpu.sem_alloc : memref<!tpu.dma_semaphore, #tpu.memory_space<semaphore_mem>>
      %dma_start3A = arith.constant 0 : i32
      %dma_start3A_53 = tpu.memref_slice %arg17[%add3A_52, %dma_start3A] : memref<10240x128xf32, #tpu.memory_space<vmem_shared>> -> memref<80x128xf32, #tpu.memory_space<vmem_shared>>
      %dma_start3A_54 = arith.constant 0 : i32
      %dma_start3A_55 = tpu.memref_slice %arg17[%add3A_52, %dma_start3A_54] : memref<10240x128xf32, #tpu.memory_space<vmem_shared>> -> memref<80x128xf32, #tpu.memory_space<vmem_shared>>
      tpu.enqueue_dma source(%dma_start3A_55 : memref<80x128xf32, #tpu.memory_space<vmem_shared>>) target(%arg15 : memref<80x128xf32, #tpu.memory_space<vmem>>) target_semaphore(%run_scoped3A : memref<!tpu.dma_semaphore, #tpu.memory_space<semaphore_mem>>)
      %dma_wait3A = arith.constant 0 : i32
      %dma_wait3A_56 = tpu.memref_slice %arg17[%add3A_52, %dma_wait3A] : memref<10240x128xf32, #tpu.memory_space<vmem_shared>> -> memref<80x128xf32, #tpu.memory_space<vmem_shared>>
      %dma_wait3A_57 = arith.constant 0 : i32
      %dma_wait3A_58 = tpu.memref_slice %arg17[%add3A_52, %dma_wait3A_57] : memref<10240x128xf32, #tpu.memory_space<vmem_shared>> -> memref<80x128xf32, #tpu.memory_space<vmem_shared>>
      tpu.wait_dma2 semaphore(%run_scoped3A : memref<!tpu.dma_semaphore, #tpu.memory_space<semaphore_mem>>) src(%dma_wait3A_58 : memref<80x128xf32, #tpu.memory_space<vmem_shared>>) dst(%arg15 : memref<80x128xf32, #tpu.memory_space<vmem>>)
      tpu.yield
    }) : () -> ()
    "tpu.region"() ({
      %run_scoped3A = tpu.sem_alloc : memref<!tpu.dma_semaphore, #tpu.memory_space<semaphore_mem>>
      %dma_start3A = arith.constant 0 : i32
      %dma_start3A_53 = tpu.memref_slice %arg8[%arg0, %add3A_52, %dma_start3A] : memref<2x10240x128xf32, #tpu.memory_space<hbm>> -> memref<1x80x128xf32, #tpu.memory_space<hbm>>
      %dma_start3A_54 = tpu.memref_squeeze %dma_start3A_53 : memref<1x80x128xf32, #tpu.memory_space<hbm>> -> memref<80x128xf32, #tpu.memory_space<hbm>>
      %dma_start3A_55 = arith.constant 0 : i32
      %dma_start3A_56 = tpu.memref_slice %arg8[%arg0, %add3A_52, %dma_start3A_55] : memref<2x10240x128xf32, #tpu.memory_space<hbm>> -> memref<1x80x128xf32, #tpu.memory_space<hbm>>
      %dma_start3A_57 = tpu.memref_squeeze %dma_start3A_56 : memref<1x80x128xf32, #tpu.memory_space<hbm>> -> memref<80x128xf32, #tpu.memory_space<hbm>>
      tpu.enqueue_dma source(%arg15 : memref<80x128xf32, #tpu.memory_space<vmem>>) target(%dma_start3A_57 : memref<80x128xf32, #tpu.memory_space<hbm>>) target_semaphore(%run_scoped3A : memref<!tpu.dma_semaphore, #tpu.memory_space<semaphore_mem>>)
      %dma_wait3A = arith.constant 0 : i32
      %dma_wait3A_58 = tpu.memref_slice %arg8[%arg0, %add3A_52, %dma_wait3A] : memref<2x10240x128xf32, #tpu.memory_space<hbm>> -> memref<1x80x128xf32, #tpu.memory_space<hbm>>
      %dma_wait3A_59 = tpu.memref_squeeze %dma_wait3A_58 : memref<1x80x128xf32, #tpu.memory_space<hbm>> -> memref<80x128xf32, #tpu.memory_space<hbm>>
      %dma_wait3A_60 = arith.constant 0 : i32
      %dma_wait3A_61 = tpu.memref_slice %arg8[%arg0, %add3A_52, %dma_wait3A_60] : memref<2x10240x128xf32, #tpu.memory_space<hbm>> -> memref<1x80x128xf32, #tpu.memory_space<hbm>>
      %dma_wait3A_62 = tpu.memref_squeeze %dma_wait3A_61 : memref<1x80x128xf32, #tpu.memory_space<hbm>> -> memref<80x128xf32, #tpu.memory_space<hbm>>
      tpu.wait_dma2 semaphore(%run_scoped3A : memref<!tpu.dma_semaphore, #tpu.memory_space<semaphore_mem>>) src(%arg15 : memref<80x128xf32, #tpu.memory_space<vmem>>) dst(%dma_wait3A_62 : memref<80x128xf32, #tpu.memory_space<hbm>>)
      tpu.yield
    }) : () -> ()
    return
  }
}

module attributes {stable_mosaic.version = 14 : i64} {
  func.func @_qkv_body(%arg0: i32, %arg1: memref<1000x128xf32, #tpu.memory_space<vmem>>, %arg2: memref<128x128xf32, #tpu.memory_space<vmem>>, %arg3: memref<1x128xf32, #tpu.memory_space<vmem>>, %arg4: memref<128x128xf32, #tpu.memory_space<vmem>>, %arg5: memref<1x128xf32, #tpu.memory_space<vmem>>, %arg6: memref<128x128xf32, #tpu.memory_space<vmem>>, %arg7: memref<1x128xf32, #tpu.memory_space<vmem>>, %arg8: memref<1000x128xf32, #tpu.memory_space<vmem>>, %arg9: memref<1000x128xf32, #tpu.memory_space<vmem>>, %arg10: memref<1000x128xf32, #tpu.memory_space<vmem>>) attributes {dimension_semantics = [#tpu.dimension_semantics<arbitrary>], iteration_bounds = array<i64: 10>, scalar_prefetch = 0 : i64, scratch_operands = 0 : i64, tpu.core_type = #tpu.core_type<tc>, window_params = [{transform_indices = @transform_0, window_bounds = array<i64: 1000, 128>}, {pipeline_mode = #tpu.pipeline_mode<synchronous>, transform_indices = @transform_1, window_bounds = array<i64: 128, 128>}, {pipeline_mode = #tpu.pipeline_mode<synchronous>, transform_indices = @transform_2, window_bounds = array<i64: 1, 128>}, {pipeline_mode = #tpu.pipeline_mode<synchronous>, transform_indices = @transform_3, window_bounds = array<i64: 128, 128>}, {pipeline_mode = #tpu.pipeline_mode<synchronous>, transform_indices = @transform_4, window_bounds = array<i64: 1, 128>}, {pipeline_mode = #tpu.pipeline_mode<synchronous>, transform_indices = @transform_5, window_bounds = array<i64: 128, 128>}, {pipeline_mode = #tpu.pipeline_mode<synchronous>, transform_indices = @transform_6, window_bounds = array<i64: 1, 128>}, {transform_indices = @transform_7, window_bounds = array<i64: 1000, 128>}, {transform_indices = @transform_8, window_bounds = array<i64: 1000, 128>}, {transform_indices = @transform_9, window_bounds = array<i64: 1000, 128>}]} {
    %get3A = arith.constant 0 : index
    %get3A_0 = arith.constant 0 : index
    %get3A_1 = vector.load %arg1[%get3A, %get3A_0] : memref<1000x128xf32, #tpu.memory_space<vmem>>, vector<1000x128xf32>
    %get3A_2 = arith.constant 0 : index
    %get3A_3 = arith.constant 0 : index
    %get3A_4 = vector.load %arg2[%get3A_2, %get3A_3] : memref<128x128xf32, #tpu.memory_space<vmem>>, vector<128x128xf32>
    %dot_general3A = arith.constant dense<0.000000e+00> : vector<1000x128xf32>
    %dot_general3A_5 = tpu.matmul %get3A_1, %get3A_4, %dot_general3A {dimension_numbers = #tpu.dot_dimension_numbers<[1], [0], [0], [1], [0, 0, 1, 1], [], []>, transpose_lhs_hint = false} : vector<1000x128xf32>, vector<128x128xf32>, vector<1000x128xf32> -> vector<1000x128xf32>
    %get3A_6 = arith.constant 0 : index
    %get3A_7 = arith.constant 0 : index
    %get3A_8 = vector.load %arg3[%get3A_6, %get3A_7] : memref<1x128xf32, #tpu.memory_space<vmem>>, vector<1x128xf32>
    %add3A = vector.broadcast %get3A_8 : vector<1x128xf32> to vector<1000x128xf32>
    %add3A_9 = arith.addf %dot_general3A_5, %add3A : vector<1000x128xf32>
    %swap3A = arith.constant 0 : index
    %swap3A_10 = arith.constant 0 : index
    %swap3A_11 = vector.load %arg8[%swap3A, %swap3A_10] : memref<1000x128xf32, #tpu.memory_space<vmem>>, vector<1000x128xf32>
    tpu.vector_store %arg8[%swap3A, %swap3A_10], %add3A_9 {strides = array<i32>} : memref<1000x128xf32, #tpu.memory_space<vmem>>, vector<1000x128xf32>,
    %get3A_12 = arith.constant 0 : index
    %get3A_13 = arith.constant 0 : index
    %get3A_14 = vector.load %arg4[%get3A_12, %get3A_13] : memref<128x128xf32, #tpu.memory_space<vmem>>, vector<128x128xf32>
    %dot_general3A_15 = arith.constant dense<0.000000e+00> : vector<1000x128xf32>
    %dot_general3A_16 = tpu.matmul %get3A_1, %get3A_14, %dot_general3A_15 {dimension_numbers = #tpu.dot_dimension_numbers<[1], [0], [0], [1], [0, 0, 1, 1], [], []>, transpose_lhs_hint = false} : vector<1000x128xf32>, vector<128x128xf32>, vector<1000x128xf32> -> vector<1000x128xf32>
    %get3A_17 = arith.constant 0 : index
    %get3A_18 = arith.constant 0 : index
    %get3A_19 = vector.load %arg5[%get3A_17, %get3A_18] : memref<1x128xf32, #tpu.memory_space<vmem>>, vector<1x128xf32>
    %add3A_20 = vector.broadcast %get3A_19 : vector<1x128xf32> to vector<1000x128xf32>
    %add3A_21 = arith.addf %dot_general3A_16, %add3A_20 : vector<1000x128xf32>
    %swap3A_22 = arith.constant 0 : index
    %swap3A_23 = arith.constant 0 : index
    %swap3A_24 = vector.load %arg9[%swap3A_22, %swap3A_23] : memref<1000x128xf32, #tpu.memory_space<vmem>>, vector<1000x128xf32>
    tpu.vector_store %arg9[%swap3A_22, %swap3A_23], %add3A_21 {strides = array<i32>} : memref<1000x128xf32, #tpu.memory_space<vmem>>, vector<1000x128xf32>,
    %get3A_25 = arith.constant 0 : index
    %get3A_26 = arith.constant 0 : index
    %get3A_27 = vector.load %arg6[%get3A_25, %get3A_26] : memref<128x128xf32, #tpu.memory_space<vmem>>, vector<128x128xf32>
    %dot_general3A_28 = arith.constant dense<0.000000e+00> : vector<1000x128xf32>
    %dot_general3A_29 = tpu.matmul %get3A_1, %get3A_27, %dot_general3A_28 {dimension_numbers = #tpu.dot_dimension_numbers<[1], [0], [0], [1], [0, 0, 1, 1], [], []>, transpose_lhs_hint = false} : vector<1000x128xf32>, vector<128x128xf32>, vector<1000x128xf32> -> vector<1000x128xf32>
    %get3A_30 = arith.constant 0 : index
    %get3A_31 = arith.constant 0 : index
    %get3A_32 = vector.load %arg7[%get3A_30, %get3A_31] : memref<1x128xf32, #tpu.memory_space<vmem>>, vector<1x128xf32>
    %add3A_33 = vector.broadcast %get3A_32 : vector<1x128xf32> to vector<1000x128xf32>
    %add3A_34 = arith.addf %dot_general3A_29, %add3A_33 : vector<1000x128xf32>
    %swap3A_35 = arith.constant 0 : index
    %swap3A_36 = arith.constant 0 : index
    %swap3A_37 = vector.load %arg10[%swap3A_35, %swap3A_36] : memref<1000x128xf32, #tpu.memory_space<vmem>>, vector<1000x128xf32>
    tpu.vector_store %arg10[%swap3A_35, %swap3A_36], %add3A_34 {strides = array<i32>} : memref<1000x128xf32, #tpu.memory_space<vmem>>, vector<1000x128xf32>,
    return
  }
  func.func @transform_0(%arg0: i32) -> (i32, i32) {
    %c0_i32 = arith.constant 0 : i32
    %c0_i32_0 = arith.constant 0 : i32
    return %arg0, %c0_i32 : i32, i32
  }
  func.func @transform_1(%arg0: i32) -> (i32, i32) {
    %c0_i32 = arith.constant 0 : i32
    %c0_i32_0 = arith.constant 0 : i32
    %c0_i32_1 = arith.constant 0 : i32
    return %c0_i32, %c0_i32_0 : i32, i32
  }
  func.func @transform_2(%arg0: i32) -> (i32, i32) {
    %c0_i32 = arith.constant 0 : i32
    %c0_i32_0 = arith.constant 0 : i32
    %c0_i32_1 = arith.constant 0 : i32
    return %c0_i32, %c0_i32_0 : i32, i32
  }
  func.func @transform_3(%arg0: i32) -> (i32, i32) {
    %c0_i32 = arith.constant 0 : i32
    %c0_i32_0 = arith.constant 0 : i32
    %c0_i32_1 = arith.constant 0 : i32
    return %c0_i32, %c0_i32_0 : i32, i32
  }
  func.func @transform_4(%arg0: i32) -> (i32, i32) {
    %c0_i32 = arith.constant 0 : i32
    %c0_i32_0 = arith.constant 0 : i32
    %c0_i32_1 = arith.constant 0 : i32
    return %c0_i32, %c0_i32_0 : i32, i32
  }
  func.func @transform_5(%arg0: i32) -> (i32, i32) {
    %c0_i32 = arith.constant 0 : i32
    %c0_i32_0 = arith.constant 0 : i32
    %c0_i32_1 = arith.constant 0 : i32
    return %c0_i32, %c0_i32_0 : i32, i32
  }
  func.func @transform_6(%arg0: i32) -> (i32, i32) {
    %c0_i32 = arith.constant 0 : i32
    %c0_i32_0 = arith.constant 0 : i32
    %c0_i32_1 = arith.constant 0 : i32
    return %c0_i32, %c0_i32_0 : i32, i32
  }
  func.func @transform_7(%arg0: i32) -> (i32, i32) {
    %c0_i32 = arith.constant 0 : i32
    %c0_i32_0 = arith.constant 0 : i32
    return %arg0, %c0_i32 : i32, i32
  }
  func.func @transform_8(%arg0: i32) -> (i32, i32) {
    %c0_i32 = arith.constant 0 : i32
    %c0_i32_0 = arith.constant 0 : i32
    return %arg0, %c0_i32 : i32, i32
  }
  func.func @transform_9(%arg0: i32) -> (i32, i32) {
    %c0_i32 = arith.constant 0 : i32
    %c0_i32_0 = arith.constant 0 : i32
    return %arg0, %c0_i32 : i32, i32
  }
}

module attributes {stable_mosaic.version = 14 : i64} {
  func.func @_vw_body(%arg0: i32, %arg1: i32, %arg2: memref<1000x128xf32, #tpu.memory_space<vmem>>, %arg3: memref<1x128x128xf32, #tpu.memory_space<vmem>>, %arg4: memref<1x1000x128xf32, #tpu.memory_space<vmem>>) attributes {dimension_semantics = [#tpu.dimension_semantics<arbitrary>, #tpu.dimension_semantics<arbitrary>], iteration_bounds = array<i64: 16, 10>, scalar_prefetch = 0 : i64, scratch_operands = 0 : i64, tpu.core_type = #tpu.core_type<tc>, window_params = [{transform_indices = @transform_0, window_bounds = array<i64: 1000, 128>}, {transform_indices = @transform_1, window_bounds = array<i64: 1, 128, 128>}, {transform_indices = @transform_2, window_bounds = array<i64: 1, 1000, 128>}]} {
    %get3A = arith.constant 0 : index
    %get3A_0 = arith.constant 0 : index
    %get3A_1 = vector.load %arg2[%get3A, %get3A_0] : memref<1000x128xf32, #tpu.memory_space<vmem>>, vector<1000x128xf32>
    %get3A_2 = arith.constant 0 : index
    %get3A_3 = arith.constant 0 : index
    %get3A_4 = arith.constant 0 : index
    %get3A_5 = vector.load %arg3[%get3A_2, %get3A_3, %get3A_4] : memref<1x128x128xf32, #tpu.memory_space<vmem>>, vector<1x128x128xf32>
    %get3A_6 = vector.shape_cast %get3A_5 : vector<1x128x128xf32> to vector<128x128xf32>
    %dot_general3A = arith.constant dense<0.000000e+00> : vector<1000x128xf32>
    %dot_general3A_7 = tpu.matmul %get3A_1, %get3A_6, %dot_general3A {dimension_numbers = #tpu.dot_dimension_numbers<[1], [0], [0], [1], [0, 0, 1, 1], [], []>, transpose_lhs_hint = false} : vector<1000x128xf32>, vector<128x128xf32>, vector<1000x128xf32> -> vector<1000x128xf32>
    %swap3A = arith.constant 0 : index
    %swap3A_8 = arith.constant 0 : index
    %swap3A_9 = arith.constant 0 : index
    %swap3A_10 = vector.load %arg4[%swap3A, %swap3A_8, %swap3A_9] : memref<1x1000x128xf32, #tpu.memory_space<vmem>>, vector<1x1000x128xf32>
    %swap3A_11 = vector.shape_cast %swap3A_10 : vector<1x1000x128xf32> to vector<1000x128xf32>
    %swap3A_12 = vector.shape_cast %dot_general3A_7 : vector<1000x128xf32> to vector<1x1000x128xf32>
    tpu.vector_store %arg4[%swap3A, %swap3A_8, %swap3A_9], %swap3A_12 {strides = array<i32>} : memref<1x1000x128xf32, #tpu.memory_space<vmem>>, vector<1x1000x128xf32>,
    return
  }
  func.func @transform_0(%arg0: i32, %arg1: i32) -> (i32, i32) {
    %c0_i32 = arith.constant 0 : i32
    %c0_i32_0 = arith.constant 0 : i32
    return %arg1, %c0_i32 : i32, i32
  }
  func.func @transform_1(%arg0: i32, %arg1: i32) -> (i32, i32, i32) {
    %c0_i32 = arith.constant 0 : i32
    %c0_i32_0 = arith.constant 0 : i32
    %c0_i32_1 = arith.constant 0 : i32
    return %arg0, %c0_i32, %c0_i32_0 : i32, i32, i32
  }
  func.func @transform_2(%arg0: i32, %arg1: i32) -> (i32, i32, i32) {
    %c0_i32 = arith.constant 0 : i32
    %c0_i32_0 = arith.constant 0 : i32
    return %arg0, %arg1, %c0_i32 : i32, i32, i32
  }
}

module attributes {stable_mosaic.version = 14 : i64} {
  func.func @_linear_body(%arg0: i32, %arg1: memref<1000x128xf32, #tpu.memory_space<vmem>>, %arg2: memref<128x128xf32, #tpu.memory_space<vmem>>, %arg3: memref<1x128xf32, #tpu.memory_space<vmem>>, %arg4: memref<1000x128xf32, #tpu.memory_space<vmem>>) attributes {dimension_semantics = [#tpu.dimension_semantics<arbitrary>], iteration_bounds = array<i64: 160>, scalar_prefetch = 0 : i64, scratch_operands = 0 : i64, tpu.core_type = #tpu.core_type<tc>, window_params = [{transform_indices = @transform_0, window_bounds = array<i64: 1000, 128>}, {pipeline_mode = #tpu.pipeline_mode<synchronous>, transform_indices = @transform_1, window_bounds = array<i64: 128, 128>}, {pipeline_mode = #tpu.pipeline_mode<synchronous>, transform_indices = @transform_2, window_bounds = array<i64: 1, 128>}, {transform_indices = @transform_3, window_bounds = array<i64: 1000, 128>}]} {
    %get3A = arith.constant 0 : index
    %get3A_0 = arith.constant 0 : index
    %get3A_1 = vector.load %arg1[%get3A, %get3A_0] : memref<1000x128xf32, #tpu.memory_space<vmem>>, vector<1000x128xf32>
    %get3A_2 = arith.constant 0 : index
    %get3A_3 = arith.constant 0 : index
    %get3A_4 = vector.load %arg2[%get3A_2, %get3A_3] : memref<128x128xf32, #tpu.memory_space<vmem>>, vector<128x128xf32>
    %dot_general3A = arith.constant dense<0.000000e+00> : vector<1000x128xf32>
    %dot_general3A_5 = tpu.matmul %get3A_1, %get3A_4, %dot_general3A {dimension_numbers = #tpu.dot_dimension_numbers<[1], [0], [0], [1], [0, 0, 1, 1], [], []>, transpose_lhs_hint = false} : vector<1000x128xf32>, vector<128x128xf32>, vector<1000x128xf32> -> vector<1000x128xf32>
    %get3A_6 = arith.constant 0 : index
    %get3A_7 = arith.constant 0 : index
    %get3A_8 = vector.load %arg3[%get3A_6, %get3A_7] : memref<1x128xf32, #tpu.memory_space<vmem>>, vector<1x128xf32>
    %add3A = vector.broadcast %get3A_8 : vector<1x128xf32> to vector<1000x128xf32>
    %add3A_9 = arith.addf %dot_general3A_5, %add3A : vector<1000x128xf32>
    %swap3A = arith.constant 0 : index
    %swap3A_10 = arith.constant 0 : index
    %swap3A_11 = vector.load %arg4[%swap3A, %swap3A_10] : memref<1000x128xf32, #tpu.memory_space<vmem>>, vector<1000x128xf32>
    tpu.vector_store %arg4[%swap3A, %swap3A_10], %add3A_9 {strides = array<i32>} : memref<1000x128xf32, #tpu.memory_space<vmem>>, vector<1000x128xf32>,
    return
  }
  func.func @transform_0(%arg0: i32) -> (i32, i32) {
    %c0_i32 = arith.constant 0 : i32
    %c0_i32_0 = arith.constant 0 : i32
    return %arg0, %c0_i32 : i32, i32
  }
  func.func @transform_1(%arg0: i32) -> (i32, i32) {
    %c0_i32 = arith.constant 0 : i32
    %c0_i32_0 = arith.constant 0 : i32
    %c0_i32_1 = arith.constant 0 : i32
    return %c0_i32, %c0_i32_0 : i32, i32
  }
  func.func @transform_2(%arg0: i32) -> (i32, i32) {
    %c0_i32 = arith.constant 0 : i32
    %c0_i32_0 = arith.constant 0 : i32
    %c0_i32_1 = arith.constant 0 : i32
    return %c0_i32, %c0_i32_0 : i32, i32
  }
  func.func @transform_3(%arg0: i32) -> (i32, i32) {
    %c0_i32 = arith.constant 0 : i32
    %c0_i32_0 = arith.constant 0 : i32
    return %arg0, %c0_i32 : i32, i32
  }
}

module attributes {stable_mosaic.version = 14 : i64} {
  func.func @_dred_body(%arg0: i32, %arg1: memref<32x200x4xf32, #tpu.memory_space<vmem>>, %arg2: memref<200x4xf32, #tpu.memory_space<vmem>>) attributes {dimension_semantics = [#tpu.dimension_semantics<arbitrary>], iteration_bounds = array<i64: 50>, scalar_prefetch = 0 : i64, scratch_operands = 0 : i64, tpu.core_type = #tpu.core_type<tc>, window_params = [{transform_indices = @transform_0, window_bounds = array<i64: 32, 200, 4>}, {transform_indices = @transform_1, window_bounds = array<i64: 200, 4>}]} {
    %get3A = arith.constant 0 : index
    %get3A_0 = arith.constant 0 : index
    %get3A_1 = arith.constant 0 : index
    %get3A_2 = vector.load %arg1[%get3A, %get3A_0, %get3A_1] : memref<32x200x4xf32, #tpu.memory_space<vmem>>, vector<32x200x4xf32>
    %reduce_sum3A = arith.constant dense<0.000000e+00> : vector<200x4xf32>
    %reduce_sum3A_3 = vector.multi_reduction <add>, %get3A_2, %reduce_sum3A [0] : vector<32x200x4xf32> to vector<200x4xf32>
    %swap3A = arith.constant 0 : index
    %swap3A_4 = arith.constant 0 : index
    %swap3A_5 = vector.load %arg2[%swap3A, %swap3A_4] : memref<200x4xf32, #tpu.memory_space<vmem>>, vector<200x4xf32>
    tpu.vector_store %arg2[%swap3A, %swap3A_4], %reduce_sum3A_3 {strides = array<i32>} : memref<200x4xf32, #tpu.memory_space<vmem>>, vector<200x4xf32>,
    return
  }
  func.func @transform_0(%arg0: i32) -> (i32, i32, i32) {
    %c0_i32 = arith.constant 0 : i32
    %c0_i32_0 = arith.constant 0 : i32
    %c0_i32_1 = arith.constant 0 : i32
    return %c0_i32, %arg0, %c0_i32_0 : i32, i32, i32
  }
  func.func @transform_1(%arg0: i32) -> (i32, i32) {
    %c0_i32 = arith.constant 0 : i32
    %c0_i32_0 = arith.constant 0 : i32
    return %arg0, %c0_i32 : i32, i32
  }
}

module attributes {stable_mosaic.version = 14 : i64} {
  func.func @_final_body(%arg0: i32, %arg1: memref<2x1000x128xf32, #tpu.memory_space<vmem>>, %arg2: memref<1000x4xf32, #tpu.memory_space<vmem>>, %arg3: memref<1000x128xf32, #tpu.memory_space<vmem>>, %arg4: memref<128x128xf32, #tpu.memory_space<vmem>>, %arg5: memref<1x128xf32, #tpu.memory_space<vmem>>, %arg6: memref<1x128xf32, #tpu.memory_space<vmem>>, %arg7: memref<1x128xf32, #tpu.memory_space<vmem>>, %arg8: memref<128x512xf32, #tpu.memory_space<vmem>>, %arg9: memref<1x512xf32, #tpu.memory_space<vmem>>, %arg10: memref<512x128xf32, #tpu.memory_space<vmem>>, %arg11: memref<1x128xf32, #tpu.memory_space<vmem>>, %arg12: memref<1000x128xf32, #tpu.memory_space<vmem>>) attributes {dimension_semantics = [#tpu.dimension_semantics<arbitrary>], iteration_bounds = array<i64: 10>, scalar_prefetch = 0 : i64, scratch_operands = 0 : i64, tpu.core_type = #tpu.core_type<tc>, window_params = [{transform_indices = @transform_0, window_bounds = array<i64: 2, 1000, 128>}, {transform_indices = @transform_1, window_bounds = array<i64: 1000, 4>}, {transform_indices = @transform_2, window_bounds = array<i64: 1000, 128>}, {pipeline_mode = #tpu.pipeline_mode<synchronous>, transform_indices = @transform_3, window_bounds = array<i64: 128, 128>}, {pipeline_mode = #tpu.pipeline_mode<synchronous>, transform_indices = @transform_4, window_bounds = array<i64: 1, 128>}, {pipeline_mode = #tpu.pipeline_mode<synchronous>, transform_indices = @transform_5, window_bounds = array<i64: 1, 128>}, {pipeline_mode = #tpu.pipeline_mode<synchronous>, transform_indices = @transform_6, window_bounds = array<i64: 1, 128>}, {pipeline_mode = #tpu.pipeline_mode<synchronous>, transform_indices = @transform_7, window_bounds = array<i64: 128, 512>}, {pipeline_mode = #tpu.pipeline_mode<synchronous>, transform_indices = @transform_8, window_bounds = array<i64: 1, 512>}, {pipeline_mode = #tpu.pipeline_mode<synchronous>, transform_indices = @transform_9, window_bounds = array<i64: 512, 128>}, {pipeline_mode = #tpu.pipeline_mode<synchronous>, transform_indices = @transform_10, window_bounds = array<i64: 1, 128>}, {transform_indices = @transform_11, window_bounds = array<i64: 1000, 128>}]} {
    %get3A = arith.constant 0 : index
    %get3A_0 = arith.constant 0 : index
    %get3A_1 = arith.constant 0 : index
    %get3A_2 = vector.load %arg1[%get3A, %get3A_0, %get3A_1] : memref<2x1000x128xf32, #tpu.memory_space<vmem>>, vector<1x1000x128xf32>
    %get3A_3 = vector.shape_cast %get3A_2 : vector<1x1000x128xf32> to vector<1000x128xf32>
    %get3A_4 = arith.constant 1 : index
    %get3A_5 = arith.constant 0 : index
    %get3A_6 = arith.constant 0 : index
    %get3A_7 = vector.load %arg1[%get3A_4, %get3A_5, %get3A_6] : memref<2x1000x128xf32, #tpu.memory_space<vmem>>, vector<1x1000x128xf32>
    %get3A_8 = vector.shape_cast %get3A_7 : vector<1x1000x128xf32> to vector<1000x128xf32>
    %add3A = arith.addf %get3A_3, %get3A_8 : vector<1000x128xf32>
    %get3A_9 = arith.constant 0 : index
    %get3A_10 = arith.constant 0 : index
    %get3A_11 = vector.load %arg2[%get3A_9, %get3A_10] : memref<1000x4xf32, #tpu.memory_space<vmem>>, vector<1000x4xf32>
    %div3A = arith.constant 1.000000e+00 : f32
    %div3A_12 = vector.broadcast %div3A : f32 to vector<1000x4xf32>
    %div3A_13 = arith.divf %div3A_12, %get3A_11 : vector<1000x4xf32>
    %slice3A = vector.extract_strided_slice %add3A {offsets = [0, 0], sizes = [1000, 32], strides = [1, 1]} : vector<1000x128xf32> to vector<1000x32xf32>
    %slice3A_14 = vector.extract_strided_slice %div3A_13 {offsets = [0, 0], sizes = [1000, 1], strides = [1, 1]} : vector<1000x4xf32> to vector<1000x1xf32>
    %mul3A = vector.broadcast %slice3A_14 : vector<1000x1xf32> to vector<1000x32xf32>
    %mul3A_15 = arith.mulf %slice3A, %mul3A : vector<1000x32xf32>
    %slice3A_16 = vector.extract_strided_slice %add3A {offsets = [0, 32], sizes = [1000, 32], strides = [1, 1]} : vector<1000x128xf32> to vector<1000x32xf32>
    %slice3A_17 = vector.extract_strided_slice %div3A_13 {offsets = [0, 1], sizes = [1000, 1], strides = [1, 1]} : vector<1000x4xf32> to vector<1000x1xf32>
    %mul3A_18 = vector.broadcast %slice3A_17 : vector<1000x1xf32> to vector<1000x32xf32>
    %mul3A_19 = arith.mulf %slice3A_16, %mul3A_18 : vector<1000x32xf32>
    %slice3A_20 = vector.extract_strided_slice %add3A {offsets = [0, 64], sizes = [1000, 32], strides = [1, 1]} : vector<1000x128xf32> to vector<1000x32xf32>
    %slice3A_21 = vector.extract_strided_slice %div3A_13 {offsets = [0, 2], sizes = [1000, 1], strides = [1, 1]} : vector<1000x4xf32> to vector<1000x1xf32>
    %mul3A_22 = vector.broadcast %slice3A_21 : vector<1000x1xf32> to vector<1000x32xf32>
    %mul3A_23 = arith.mulf %slice3A_20, %mul3A_22 : vector<1000x32xf32>
    %slice3A_24 = vector.extract_strided_slice %add3A {offsets = [0, 96], sizes = [1000, 32], strides = [1, 1]} : vector<1000x128xf32> to vector<1000x32xf32>
    %slice3A_25 = vector.extract_strided_slice %div3A_13 {offsets = [0, 3], sizes = [1000, 1], strides = [1, 1]} : vector<1000x4xf32> to vector<1000x1xf32>
    %mul3A_26 = vector.broadcast %slice3A_25 : vector<1000x1xf32> to vector<1000x32xf32>
    %mul3A_27 = arith.mulf %slice3A_24, %mul3A_26 : vector<1000x32xf32>
    %concatenate3A = tpu.concatenate %mul3A_15, %mul3A_19, %mul3A_23, %mul3A_27 in 1 : vector<1000x32xf32>, vector<1000x32xf32>, vector<1000x32xf32>, vector<1000x32xf32> -> vector<1000x128xf32>
    %get3A_28 = arith.constant 0 : index
    %get3A_29 = arith.constant 0 : index
    %get3A_30 = vector.load %arg4[%get3A_28, %get3A_29] : memref<128x128xf32, #tpu.memory_space<vmem>>, vector<128x128xf32>
    %dot_general3A = arith.constant dense<0.000000e+00> : vector<1000x128xf32>
    %dot_general3A_31 = tpu.matmul %concatenate3A, %get3A_30, %dot_general3A {dimension_numbers = #tpu.dot_dimension_numbers<[1], [0], [0], [1], [0, 0, 1, 1], [], []>, transpose_lhs_hint = false} : vector<1000x128xf32>, vector<128x128xf32>, vector<1000x128xf32> -> vector<1000x128xf32>
    %get3A_32 = arith.constant 0 : index
    %get3A_33 = arith.constant 0 : index
    %get3A_34 = vector.load %arg5[%get3A_32, %get3A_33] : memref<1x128xf32, #tpu.memory_space<vmem>>, vector<1x128xf32>
    %add3A_35 = vector.broadcast %get3A_34 : vector<1x128xf32> to vector<1000x128xf32>
    %add3A_36 = arith.addf %dot_general3A_31, %add3A_35 : vector<1000x128xf32>
    %get3A_37 = arith.constant 0 : index
    %get3A_38 = arith.constant 0 : index
    %get3A_39 = vector.load %arg3[%get3A_37, %get3A_38] : memref<1000x128xf32, #tpu.memory_space<vmem>>, vector<1000x128xf32>
    %add3A_40 = arith.addf %get3A_39, %add3A_36 : vector<1000x128xf32>
    %reduce_sum3A = arith.constant dense<0.000000e+00> : vector<1000xf32>
    %reduce_sum3A_41 = vector.multi_reduction <add>, %add3A_40, %reduce_sum3A [1] : vector<1000x128xf32> to vector<1000xf32>
    %broadcast_in_dim3A = vector.shape_cast %reduce_sum3A_41 : vector<1000xf32> to vector<1000x1xf32>
    %div3A_42 = arith.constant 1.280000e+02 : f32
    %div3A_43 = vector.broadcast %div3A_42 : f32 to vector<1000x1xf32>
    %div3A_44 = arith.divf %broadcast_in_dim3A, %div3A_43 : vector<1000x1xf32>
    %sub3A = vector.broadcast %div3A_44 : vector<1000x1xf32> to vector<1000x128xf32>
    %sub3A_45 = arith.subf %add3A_40, %sub3A : vector<1000x128xf32>
    %mul3A_46 = arith.mulf %sub3A_45, %sub3A_45 : vector<1000x128xf32>
    %reduce_sum3A_47 = arith.constant dense<0.000000e+00> : vector<1000xf32>
    %reduce_sum3A_48 = vector.multi_reduction <add>, %mul3A_46, %reduce_sum3A_47 [1] : vector<1000x128xf32> to vector<1000xf32>
    %broadcast_in_dim3A_49 = vector.shape_cast %reduce_sum3A_48 : vector<1000xf32> to vector<1000x1xf32>
    %div3A_50 = arith.constant 1.280000e+02 : f32
    %div3A_51 = vector.broadcast %div3A_50 : f32 to vector<1000x1xf32>
    %div3A_52 = arith.divf %broadcast_in_dim3A_49, %div3A_51 : vector<1000x1xf32>
    %add3A_53 = arith.constant 9.99999974E-6 : f32
    %add3A_54 = vector.broadcast %add3A_53 : f32 to vector<1000x1xf32>
    %add3A_55 = arith.addf %div3A_52, %add3A_54 : vector<1000x1xf32>
    %rsqrt3A = math.rsqrt %add3A_55 : vector<1000x1xf32>
    %mul3A_56 = vector.broadcast %rsqrt3A : vector<1000x1xf32> to vector<1000x128xf32>
    %mul3A_57 = arith.mulf %sub3A_45, %mul3A_56 : vector<1000x128xf32>
    %get3A_58 = arith.constant 0 : index
    %get3A_59 = arith.constant 0 : index
    %get3A_60 = vector.load %arg6[%get3A_58, %get3A_59] : memref<1x128xf32, #tpu.memory_space<vmem>>, vector<1x128xf32>
    %mul3A_61 = vector.broadcast %get3A_60 : vector<1x128xf32> to vector<1000x128xf32>
    %mul3A_62 = arith.mulf %mul3A_57, %mul3A_61 : vector<1000x128xf32>
    %get3A_63 = arith.constant 0 : index
    %get3A_64 = arith.constant 0 : index
    %get3A_65 = vector.load %arg7[%get3A_63, %get3A_64] : memref<1x128xf32, #tpu.memory_space<vmem>>, vector<1x128xf32>
    %add3A_66 = vector.broadcast %get3A_65 : vector<1x128xf32> to vector<1000x128xf32>
    %add3A_67 = arith.addf %mul3A_62, %add3A_66 : vector<1000x128xf32>
    %get3A_68 = arith.constant 0 : index
    %get3A_69 = arith.constant 0 : index
    %get3A_70 = vector.load %arg8[%get3A_68, %get3A_69] : memref<128x512xf32, #tpu.memory_space<vmem>>, vector<128x512xf32>
    %dot_general3A_71 = arith.constant dense<0.000000e+00> : vector<1000x512xf32>
    %dot_general3A_72 = tpu.matmul %add3A_67, %get3A_70, %dot_general3A_71 {dimension_numbers = #tpu.dot_dimension_numbers<[1], [0], [0], [1], [0, 0, 1, 1], [], []>, transpose_lhs_hint = false} : vector<1000x128xf32>, vector<128x512xf32>, vector<1000x512xf32> -> vector<1000x512xf32>
    %get3A_73 = arith.constant 0 : index
    %get3A_74 = arith.constant 0 : index
    %get3A_75 = vector.load %arg9[%get3A_73, %get3A_74] : memref<1x512xf32, #tpu.memory_space<vmem>>, vector<1x512xf32>
    %add3A_76 = vector.broadcast %get3A_75 : vector<1x512xf32> to vector<1000x512xf32>
    %add3A_77 = arith.addf %dot_general3A_72, %add3A_76 : vector<1000x512xf32>
    %mul3A_78 = arith.constant 5.000000e-01 : f32
    %mul3A_79 = vector.broadcast %mul3A_78 : f32 to vector<1000x512xf32>
    %mul3A_80 = arith.mulf %mul3A_79, %add3A_77 : vector<1000x512xf32>
    %mul3A_81 = arith.constant 0.707106769 : f32
    %mul3A_82 = vector.broadcast %mul3A_81 : f32 to vector<1000x512xf32>
    %mul3A_83 = arith.mulf %add3A_77, %mul3A_82 : vector<1000x512xf32>
    %erf3A = math.erf %mul3A_83 : vector<1000x512xf32>
    %add3A_84 = arith.constant 1.000000e+00 : f32
    %add3A_85 = vector.broadcast %add3A_84 : f32 to vector<1000x512xf32>
    %add3A_86 = arith.addf %add3A_85, %erf3A : vector<1000x512xf32>
    %mul3A_87 = arith.mulf %mul3A_80, %add3A_86 : vector<1000x512xf32>
    %get3A_88 = arith.constant 0 : index
    %get3A_89 = arith.constant 0 : index
    %get3A_90 = vector.load %arg10[%get3A_88, %get3A_89] : memref<512x128xf32, #tpu.memory_space<vmem>>, vector<512x128xf32>
    %dot_general3A_91 = arith.constant dense<0.000000e+00> : vector<1000x128xf32>
    %dot_general3A_92 = tpu.matmul %mul3A_87, %get3A_90, %dot_general3A_91 {dimension_numbers = #tpu.dot_dimension_numbers<[1], [0], [0], [1], [0, 0, 1, 1], [], []>, transpose_lhs_hint = false} : vector<1000x512xf32>, vector<512x128xf32>, vector<1000x128xf32> -> vector<1000x128xf32>
    %add3A_93 = arith.addf %add3A_40, %dot_general3A_92 : vector<1000x128xf32>
    %get3A_94 = arith.constant 0 : index
    %get3A_95 = arith.constant 0 : index
    %get3A_96 = vector.load %arg11[%get3A_94, %get3A_95] : memref<1x128xf32, #tpu.memory_space<vmem>>, vector<1x128xf32>
    %add3A_97 = vector.broadcast %get3A_96 : vector<1x128xf32> to vector<1000x128xf32>
    %add3A_98 = arith.addf %add3A_93, %add3A_97 : vector<1000x128xf32>
    %swap3A = arith.constant 0 : index
    %swap3A_99 = arith.constant 0 : index
    %swap3A_100 = vector.load %arg12[%swap3A, %swap3A_99] : memref<1000x128xf32, #tpu.memory_space<vmem>>, vector<1000x128xf32>
    tpu.vector_store %arg12[%swap3A, %swap3A_99], %add3A_98 {strides = array<i32>} : memref<1000x128xf32, #tpu.memory_space<vmem>>, vector<1000x128xf32>,
    return
  }
  func.func @transform_0(%arg0: i32) -> (i32, i32, i32) {
    %c0_i32 = arith.constant 0 : i32
    %c0_i32_0 = arith.constant 0 : i32
    %c0_i32_1 = arith.constant 0 : i32
    return %c0_i32, %arg0, %c0_i32_0 : i32, i32, i32
  }
  func.func @transform_1(%arg0: i32) -> (i32, i32) {
    %c0_i32 = arith.constant 0 : i32
    %c0_i32_0 = arith.constant 0 : i32
    return %arg0, %c0_i32 : i32, i32
  }
  func.func @transform_2(%arg0: i32) -> (i32, i32) {
    %c0_i32 = arith.constant 0 : i32
    %c0_i32_0 = arith.constant 0 : i32
    return %arg0, %c0_i32 : i32, i32
  }
  func.func @transform_3(%arg0: i32) -> (i32, i32) {
    %c0_i32 = arith.constant 0 : i32
    %c0_i32_0 = arith.constant 0 : i32
    %c0_i32_1 = arith.constant 0 : i32
    return %c0_i32, %c0_i32_0 : i32, i32
  }
  func.func @transform_4(%arg0: i32) -> (i32, i32) {
    %c0_i32 = arith.constant 0 : i32
    %c0_i32_0 = arith.constant 0 : i32
    %c0_i32_1 = arith.constant 0 : i32
    return %c0_i32, %c0_i32_0 : i32, i32
  }
  func.func @transform_5(%arg0: i32) -> (i32, i32) {
    %c0_i32 = arith.constant 0 : i32
    %c0_i32_0 = arith.constant 0 : i32
    %c0_i32_1 = arith.constant 0 : i32
    return %c0_i32, %c0_i32_0 : i32, i32
  }
  func.func @transform_6(%arg0: i32) -> (i32, i32) {
    %c0_i32 = arith.constant 0 : i32
    %c0_i32_0 = arith.constant 0 : i32
    %c0_i32_1 = arith.constant 0 : i32
    return %c0_i32, %c0_i32_0 : i32, i32
  }
  func.func @transform_7(%arg0: i32) -> (i32, i32) {
    %c0_i32 = arith.constant 0 : i32
    %c0_i32_0 = arith.constant 0 : i32
    %c0_i32_1 = arith.constant 0 : i32
    return %c0_i32, %c0_i32_0 : i32, i32
  }
  func.func @transform_8(%arg0: i32) -> (i32, i32) {
    %c0_i32 = arith.constant 0 : i32
    %c0_i32_0 = arith.constant 0 : i32
    %c0_i32_1 = arith.constant 0 : i32
    return %c0_i32, %c0_i32_0 : i32, i32
  }
  func.func @transform_9(%arg0: i32) -> (i32, i32) {
    %c0_i32 = arith.constant 0 : i32
    %c0_i32_0 = arith.constant 0 : i32
    %c0_i32_1 = arith.constant 0 : i32
    return %c0_i32, %c0_i32_0 : i32, i32
  }
  func.func @transform_10(%arg0: i32) -> (i32, i32) {
    %c0_i32 = arith.constant 0 : i32
    %c0_i32_0 = arith.constant 0 : i32
    %c0_i32_1 = arith.constant 0 : i32
    return %c0_i32, %c0_i32_0 : i32, i32
  }
  func.func @transform_11(%arg0: i32) -> (i32, i32) {
    %c0_i32 = arith.constant 0 : i32
    %c0_i32_0 = arith.constant 0 : i32
    return %arg0, %c0_i32 : i32, i32
  }
}

</mosaic_0001>

<sc_bundles>
// kernel: kernel.12.cloned.1.call-start
scs
__scs_entry_jumppad:
0x0: {  	(pc) =	sbr.rel $0x88, $3  }
0x1: {  	(tag) =	ssettag $0x0;
	lr =	simm.s32 $0x1  }
0x2: {  	[smem:$0x3F8C] =	sst lr;
	_ =	strace $0xD0000000  }
0x3: {  	_ = 	snop  }
0x4: {  	_ = 	snop  }
0x5: {  	_ = 	snop  }
0x6: {  	_ = 	snop  }
0x7: {  	_ = 	snop  }
__scs_overlays_trampoline_lowered:
0x8: {  	[smem:$0x3F9B] =	sst s0  }
0x9: {  	[smem:$0x3F9C] =	sst s1  }
0xa: {  	[smem:$0x3F9D] =	sst s2  }
0xb: {  	[smem:$0x3F9E] =	sst s3  }
0xc: {  	[smem:$0x3F9F] =	sst s4  }
0xd: {  	[smem:$0x3FA0] =	sst s5  }
0xe: {  	[smem:$0x3FA1] =	sst s6  }
0xf: {  	[smem:$0x3FA2] =	sst s7  }
0x10: {  	[smem:$0x3FA3] =	sst s8  }
0x11: {  	[smem:$0x3FA4] =	sst s9;
	s0 =	simm.s32 @!p0 $0x0  }
0x12: {  	s1 =	sld [smem:$0x3F8A];
	s0 =	simm.s32 @p0 $0x1  }
0x13: {  	[smem:$0x3FA5] =	sst s0;
	s0 =	simm.s32 @!p1 $0x0  }
0x14: {  	s2 =	sld [smem:$0x3F89];
	s0 =	simm.s32 @p1 $0x1  }
0x15: {  	[smem:$0x3FA6] =	sst s0;
	s0 =	simm.s32 @!p2 $0x0  }
0x16: {  	s3 =	sld [smem:$0x3FDB];
	s0 =	simm.s32 @p2 $0x1  }
0x17: {  	s4 =	simm.s32 $0x1BF5;
	[smem:$0x3FA8] =	sst s0  }
0x18: {  	s0 =	sld [smem:$0x3F8B];
	_ =	swait.ge [sflag:s4], $0x0  }
0x19: {  	s7 =	sld [smem:$0x3F8C]  }
0x1a: {  	s8 =	sadd.s32 $0xFFFFE003, lr  }
0x1b: {  	s9 =	sadd.s32 $0xFFFFFEF7, lr;
	s5 =	simm.s32 $0xFFFFFFFF;
	p2 =	slt.u32 s8, $0xFFFFF086  }
0x1c: {  	p1 =	slt.u32 s9, $0xF7A;
	s5 =	simm.s32 @!p2 $0x0  }
0x1d: {  	s5 =	simm.s32 @p1 $0x1;
	p0 =	seq.s32 s7, s2  }
0x1e: {  	s7 =	smul.u32 @!p0 $0xF7A, s2;
	p2 =	seq.s32 @!p0 s5, $0x0  }
0x1f: {  	s9 =	smul.u32 $0xF7A, s1;
	s8 =	simm.s32 @!p0 $0x1BF5;
	p2 =	por !p2, p0  }
0x20: {  	[sflag:s8] =	ssyncset.s32 @!p0 $0xFFFFF086;
	s6 =	sadd.s32 @!p0 s3, s7;
	s7 =	simm.s32 @!p0 $0x108  }
0x21: {  	s3 =	sadd.s32 s3, s9;
	s6 =	sadd.s32 @!p0 $0x88, s6;
	s7 =	simm.s32 @p2 $0x1082  }
0x22: {  	[simem:s7], [sflag:s8] =	dma.local @!p0 [hbm:s6], $0xF7A  }
0x23: {  	s9 =	sor.u32 $0xD0000000, s2;
	s6 =	simm.s32 $0x108;
	_ =	swait.ge @!p0 [sflag:s8], $0x0  }
0x24: {  	s3 =	sadd.s32 $0x88, s3;
	s6 =	simm.s32 @!p1 $0x1082;
	[sflag:s4] =	ssyncset.s32 $0xFFFFF086  }
0x25: {  	[simem:s6], [sflag:s4] =	dma.local [hbm:s3], $0xF7A  }
0x26: {  	[smem:$0x3F8C] =	sst s1;
	(tag) =	ssettag s2;
	_ =	strace s9  }
0x27: {  	s1 =	sld [smem:$0x3F9C]  }
0x28: {  	s2 =	sld [smem:$0x3F9D]  }
0x29: {  	s4 =	sld [smem:$0x3F9F]  }
0x2a: {  	p0 =	seq.s32 s5, $0x0;
	s5 =	sld [smem:$0x3FA0]  }
0x2b: {  	s6 =	sld [smem:$0x3FA1]  }
0x2c: {  	s7 =	sld [smem:$0x3FA2]  }
0x2d: {  	s3 =	simm.s32 $0x108;
	s8 =	sld [smem:$0x3FA3]  }
0x2e: {  	s3 =	simm.s32 @!p0 $0x1082;
	s9 =	sld [smem:$0x3FA4]  }
0x2f: {  	lr =	sadd.s32 s0, s3;
	s0 =	sld [smem:$0x3F9B]  }
0x30: {  	s3 =	sld [smem:$0x3F9E]  }
0x31: {  	[smem:$0x3FA7] =	sst s10  }
0x32: {  	s10 =	sld [smem:$0x3FA5];
	_ =	sdelay $0x3  }
0x33: {  	p0 =	seq.s32 s10, $0x1;
	s10 =	sld [smem:$0x3FA7];
	_ =	sdelay $0x3  }
0x34: {  	[smem:$0x3FA7] =	sst s10  }
0x35: {  	s10 =	sld [smem:$0x3FA6];
	_ =	sdelay $0x3  }
0x36: {  	p1 =	seq.s32 s10, $0x1;
	s10 =	sld [smem:$0x3FA7];
	_ =	sdelay $0x3  }
0x37: {  	[smem:$0x3FA7] =	sst s10  }
0x38: {  	s10 =	sld [smem:$0x3FA8]  }
0x39: {  	_ = 	snop;
	(pc) =	sbr.ind lr, $3  }
0x3a: {  	_ = 	snop  }
0x3b: {  	_ = 	snop  }
0x3c: {  	p2 =	seq.s32 s10, $0x1;
	s10 =	sld [smem:$0x3FA7]  }
0x3d: {  	_ =	shalt  }
0x3e: {  	_ =	shalt  }
0x3f: {  	_ =	shalt  }
0x40: {  	_ =	shalt  }
0x41: {  	_ =	shalt  }
0x42: {  	_ =	shalt  }
0x43: {  	_ =	shalt  }
0x44: {  	_ =	shalt  }
0x45: {  	_ =	shalt  }
0x46: {  	_ =	shalt  }
0x47: {  	_ =	shalt  }
0x48: {  	_ =	shalt  }
0x49: {  	_ =	shalt  }
0x4a: {  	_ =	shalt  }
0x4b: {  	_ =	shalt  }
0x4c: {  	_ =	shalt  }
0x4d: {  	_ =	shalt  }
0x4e: {  	_ =	shalt  }
0x4f: {  	_ =	shalt  }
0x50: {  	_ =	shalt  }
0x51: {  	_ =	shalt  }
0x52: {  	_ =	shalt  }
0x53: {  	_ =	shalt  }
0x54: {  	_ =	shalt  }
0x55: {  	_ =	shalt  }
0x56: {  	_ =	shalt  }
0x57: {  	_ =	shalt  }
0x58: {  	_ =	shalt  }
0x59: {  	_ =	shalt  }
0x5a: {  	_ =	shalt  }
0x5b: {  	_ =	shalt  }
0x5c: {  	_ =	shalt  }
0x5d: {  	_ =	shalt  }
0x5e: {  	_ =	shalt  }
0x5f: {  	_ =	shalt  }
0x60: {  	_ =	shalt  }
0x61: {  	_ =	shalt  }
0x62: {  	_ =	shalt  }
0x63: {  	_ =	shalt  }
0x64: {  	_ =	shalt  }
0x65: {  	_ =	shalt  }
0x66: {  	_ =	shalt  }
0x67: {  	_ =	shalt  }
0x68: {  	_ =	shalt  }
0x69: {  	_ =	shalt  }
0x6a: {  	_ =	shalt  }
0x6b: {  	_ =	shalt  }
0x6c: {  	_ =	shalt  }
0x6d: {  	_ =	shalt  }
0x6e: {  	_ =	shalt  }
0x6f: {  	_ =	shalt  }
0x70: {  	_ =	shalt  }
0x71: {  	_ =	shalt  }
0x72: {  	_ =	shalt  }
0x73: {  	_ =	shalt  }
0x74: {  	_ =	shalt  }
0x75: {  	_ =	shalt  }
0x76: {  	_ =	shalt  }
0x77: {  	_ =	shalt  }
0x78: {  	_ =	shalt  }
0x79: {  	_ =	shalt  }
0x7a: {  	_ =	shalt  }
0x7b: {  	_ =	shalt  }
0x7c: {  	_ =	shalt  }
0x7d: {  	_ =	shalt  }
0x7e: {  	_ =	shalt  }
0x7f: {  	_ =	shalt  }
0x80: {  	_ =	shalt  }
0x81: {  	_ =	shalt  }
0x82: {  	_ =	shalt  }
0x83: {  	_ =	shalt  }
0x84: {  	_ =	shalt  }
0x85: {  	_ =	shalt  }
0x86: {  	_ =	shalt  }
0x87: {  	_ =	shalt  }
.Lfunc_end0:
.L_simem_size_0:
called_computation.1_lowered:
.L_overlay_start_0:
0x88: {  	s2 =	sld [smem:$0x3FD9]  }
0x89: {  	s3 =	sld [smem:$0x3FFE];
	_ =	sdelay $0x1  }
0x8a: {  	s1 =	srdreg.scid  }
0x8b: {  	s0 =	sand.u32 $0x1, s1  }
0x8c: {  	s17 =	sshll.u32 s0, $0xA;
	s2 =	sadd.s32 s3, s2  }
0x8d: {  	s2 =	sadd.s32 s2, s17  }
0x8e: {  	[smem:$0x3FB3] =	sst s2  }
0x8f: {  	_ = 	snop  }
0x90: {  	s2 =	sld [smem:$0x3FC8]  }
0x91: {  	s18 =	sld [smem:$0x3FC6];
	(tm) =	ssettm $0x1  }
0x92: {  	s4 =	sld [smem:$0x3FFB];
	_ =	sdelay $0x3  }
0x93: {  	_ =	strace s4  }
0x94: {  	s4 =	sld [smem:$0x3FFC];
	_ =	sdelay $0x3  }
0x95: {  	_ =	strace s4  }
0x96: {  	s4 =	sld [smem:$0x3FFD];
	_ =	sdelay $0x3  }
0x97: {  	_ =	strace s4  }
0x98: {  	_ =	strace $0x8FFFFFFF  }
0x99: {  	s19 =	sld [smem:$0x3FDB];
	_ =	sdelay $0x1  }
0x9a: {  	s5 =	simm.s32 $_scs_section_size  }
0x9b: {  	s6 =	simm.s32 $_size__tile_overlayer_lowered;
	s7 =	simm.s32 $_tile_overlayer_lowered  }
0x9c: {  	s22 =	simm.s32 $0x1BFF;
	s21 =	sshll.u32 s7, $0x1;
	s4 =	sadd.s32 s5, s19  }
0x9d: {  	s8 =	simm.s32 $0x0;
	s20 =	sshll.u32 s6, $0x1;
	s6 =	sadd.s32 s21, s4  }
0x9e: {  	[timem:s8], [sflag:s22] =	dma.local [hbm:s6], s20  }
0x9f: {  	_ =	swait.ge [sflag:s22], s20  }
0xa0: {  	s5 =	ssub.s32 $0x0, s20;
	[sflag:s22] =	ssyncset.done $0x0  }
0xa1: {  	[sflag:s22] =	ssyncadd.s32 s5;
	_ =	sdelay $0x1  }
0xa2: {  	s23 =	simm.s32 $0x1B8B  }
0xa3: {  	_ =	swait.ge [sflag:s23], $0x1  }
0xa4: {  	[sflag:s23] =	ssyncset.done $0x0  }
0xa5: {  	s25 =	simm.s32 $0x1B8E;
	s24 =	sld [smem:$0x3FFE];
	[sflag:s23] =	ssyncadd.s32 $0xFFFFFFFF  }
0xa6: {  	s26 =	simm.s32 $execute0_lowered;
	[smem:$0x3FD2] =	sst s25  }
0xa7: {  	s6 =	sshll.u32 s26, $0x1;
	_ =	strace $0x80000049;
	[dreg:$0x1] =	wrdreg $0xFFFFFFFF  }
0xa8: {  	s28 =	simm.s32 $_size_execute0_lowered;
	s4 =	sadd.s32 s4, s6;
	[dreg:$0x0] =	wrdreg $0x0  }
0xa9: {  	s6 =	sshll.u32 s28, $0x1;
	[dreg:$0x2] =	wrdreg s4  }
0xaa: {  	[dreg:$0x3] =	wrdreg s6  }
0xab: {  	[dreg:$0x4] =	wrdreg $0xC0  }
0xac: {  	_ =	task [dreg:s8], $0x5FFFF  }
0xad: {  	[dreg:$0x1] =	wrdreg $0xFFFFFFFF  }
0xae: {  	[dreg:$0x0] =	wrdreg $0x60  }
0xaf: {  	[dreg:$0x2] =	wrdreg s24  }
0xb0: {  	[dreg:$0x3] =	wrdreg s2  }
0xb1: {  	[dreg:$0x4] =	wrdreg s18  }
0xb2: {  	[dreg:$0x5] =	wrdreg $0x7B800  }
0xb3: {  	[dreg:$0x6] =	wrdreg $0x9  }
0xb4: {  	_ =	task.clear_ibuf [dreg:s8], $0x7FFFF;
	_ =	strace $0x90000049  }
0xb5: {  	s29 =	simm.s32 $0x9;
	_ =	strace $0x8000004B  }
0xb6: {  	_ =	swait.ge [sflag:s29], $0x1  }
0xb7: {  	[sflag:s29] =	ssyncadd.s32 $0xFFFFFFFF  }
0xb8: {  	_ =	strace $0x9000004B  }
0xb9: {  	_ =	sfence  }
0xba: {  	s30 =	sld [smem:$0x0];
	_ =	sdelay $0x2  }
0xbb: {  	s31 =	sshll.u32 s1, $0xD;
	s1 =	sshrl.u32 s1, $0x2  }
0xbc: {  	s3 =	sand.u32 $0x4000, s31;
	s1 =	sadd.s32 s1, s30  }
0xbd: {  	s0 =	sor.u32 s3, s0;
	s1 =	sshll.u32 s1, $0x11  }
0xbe: {  	s0 =	sor.u32 s1, s0  }
0xbf: {  	s0 =	sadd.s32 $0x8F2B, s0  }
0xc0: {  	[sflag:s0] =	ssyncadd.remote.s32 $0x1  }
0xc1: {  	_ =	sfence.sel $0xFFFF  }
0xc2: {  	[dreg:$0x0] =	wrdreg $0xFFFFFFFF;
	(pc) =	sbr.abs _section_cstart, $3  }
0xc3: {  	[dreg:$0x1] =	wrdreg $0xFFFFFFFF  }
0xc4: {  	_ =	task.clear_ibuf [dreg:s8], $0x2FFFF;
	_ =	strace $0x9FFFFFFF  }
0xc5: {  	(tm) =	ssettm $0x7FFFFFFF  }
tec
execute0_lowered:
.L_overlay_start_1:
0x0: {  	(tag) =	ssettag $0x1  }
0x1: {  	s0 =	rddreg [dreg:$0x0]  }
0x2: {  	s1 =	rddreg [dreg:$0x1]  }
0x3: {  	s2 =	rddreg [dreg:$0x2]  }
0x4: {  	s3 =	rddreg [dreg:$0x3];
	s5 =	simm.s32 $0x0  }
0x5: {  	s4 =	srdreg.scid;
	s21 =	stileid.u32;
	s28 =	simm.s32 $0x3F  }
0x6: {  	s31 =	simm.s32 $0x5200;
	s29 =	simm.s32 $0x0;
	[smem:$0x7FF] =	sst s5  }
0x7: {  	s6 =	sand.u32 $0x1, s4;
	s7 =	smul.u32 $0x14000, s21;
	s8 =	sadd.s32 $0x2BA400, s0  }
0x8: {  	s10 =	smul.u32 $0x50000, s21;
	p0 =	slt.u32 s21, $0x8;
	s30 =	sshll.u32 s21, $0x1  }
0x9: {  	_ =	strace $0x8000004A;
	s4 =	ssub.s32 $0x2, s6;
	s11 =	smul.u32 $0x140000, s6  }
0xa: {  	s28 =	simm.s32 @!p0 $0x3E;
	s9 =	sshrl.u32 s4, $0x1;
	s12 =	sadd.s32 $0x5000, s7  }
0xb: {  	s13 =	sadd.s32 $0x7800, s7;
	s14 =	sadd.s32 $0xA000, s7;
	s19 =	sadd.s32 $0xC800, s7  }
0xc: {  	s20 =	sadd.s32 $0xF000, s7;
	s4 =	ssub.s32 s4, s9;
	s9 =	sor.u32 $0x2800, s7  }
0xd: {  	s15 =	sadd.s32 s7, s11;
	s7 =	sadd.s32 $0x11800, s7;
	s18 =	sadd.s32 s11, s13  }
0xe: {  	s17 =	sadd.s32 s11, s14;
	s24 =	sadd.s32 s11, s19;
	s25 =	sadd.s32 s11, s20  }
0xf: {  	s16 =	sadd.s32 s11, s9;
	s15 =	sshrl.u32 s15, $0x3;
	s17 =	sshrl.u32 s17, $0x3  }
0x10: {  	s16 =	sshrl.u32 s16, $0x3;
	s15 =	sadd.s32 s8, s15;
	s23 =	sadd.s32 s8, s17  }
0x11: {  	s17 =	sadd.s32 $0x8A00, s0;
	[dreg:$0x5] =	wrdreg s15;
	s26 =	sadd.s32 s8, s16  }
0x12: {  	s16 =	sadd.s32 s11, s12;
	[dreg:$0x9] =	wrdreg s23;
	s11 =	sadd.s32 s11, s7  }
0x13: {  	s23 =	sadd.s32 s9, s3;
	s9 =	simm.s32 $0x50;
	[dreg:$0x6] =	wrdreg s26  }
0x14: {  	s15 =	sshrl.u32 s16, $0x3;
	s16 =	sshrl.u32 s18, $0x3;
	s11 =	sshrl.u32 s11, $0x3  }
0x15: {  	s18 =	sadd.s32 $0x3A00, s0;
	[dreg:$0xe] =	wrdreg s23;
	s15 =	sadd.s32 s8, s15  }
0x16: {  	s22 =	sadd.s32 s8, s16;
	s16 =	sshrl.u32 s25, $0x3;
	[dreg:$0x7] =	wrdreg s15  }
0x17: {  	s25 =	sadd.s32 s13, s3;
	s13 =	sadd.s32 s19, s3;
	[dreg:$0x8] =	wrdreg s22  }
0x18: {  	s19 =	sadd.s32 s7, s3;
	s7 =	simm.s32 $0x100;
	[dreg:$0x12] =	wrdreg s13  }
0x19: {  	s15 =	sshrl.u32 s24, $0x3;
	s26 =	sadd.s32 s8, s16;
	[dreg:$0x14] =	wrdreg s19  }
0x1a: {  	s16 =	sadd.s32 $0x35A00, s0;
	s24 =	sadd.s32 s12, s3;
	[dreg:$0x10] =	wrdreg s25  }
0x1b: {  	s12 =	simm.s32 $0x2A00;
	s13 =	simm.s32 $0x1;
	[dreg:$0xb] =	wrdreg s26  }
0x1c: {  	s15 =	sadd.s32 s8, s15;
	s8 =	sadd.s32 s8, s11;
	[dreg:$0xf] =	wrdreg s24  }
0x1d: {  	s11 =	sshrl.u32 s10, $0x2;
	s26 =	sadd.s32 s14, s3;
	[dreg:$0xa] =	wrdreg s15  }
0x1e: {  	s14 =	sadd.s32 s20, s3;
	s20 =	smax.u32 s4, $0x1;
	[dreg:$0xc] =	wrdreg s8  }
0x1f: {  	s4 =	simm.s32 $0x80;
	s10 =	simm.s32 $0x180;
	[dreg:$0x13] =	wrdreg s14  }
0x20: {  	s15 =	sadd.s32 $0x49400, s0;
	s22 =	sadd.s32 s11, s3;
	[dreg:$0x15] =	wrdreg s20  }
0x21: {  	s0 =	simm.s32 $0x3;
	s8 =	simm.s32 $0x7A00;
	[dreg:$0x11] =	wrdreg s26  }
0x22: {  	v0 =	vimm.f32 $0.0e+00;
	s11 =	simm.s32 $0x200;
	s14 =	simm.s32 $0x2;
	[dreg:$0xd] =	wrdreg s22  }
.LBB2_1:
0x23: {  	s19 =	simm.s32 $0x70;
	s20 =	simm.s32 $0x3C0  }
.LBB2_2:
0x24: {  	p0 =	sne.s32 s20, $0x9FC0;
	[tilespmem:s19+$0x5200] =	vst v0  }
0x25: {  	[tilespmem:s19+$0x5190] =	vst v0  }
0x26: {  	[tilespmem:s19+$0x51A0] =	vst v0  }
.Ltmp0:
0x27: {  	[tilespmem:s19+$0x51B0] =	vst v0;
	(pc) =	sbr.rel @p0 .LBB2_2-.Ltmp0, $4  }
0x28: {  	[tilespmem:s19+$0x51C0] =	vst v0  }
0x29: {  	[tilespmem:s19+$0x51D0] =	vst v0  }
0x2a: {  	[tilespmem:s19+$0x51E0] =	vst v0  }
0x2b: {  	[tilespmem:s19+$0x51F0] =	vst v0;
	s19 =	sshra.s32 s20, $0x2;
	s20 =	sadd.s32 $0x200, s20  }
0x2c: {  	[tilespmem:s19+$0x5200] =	vst v0  }
0x2d: {  	[tilespmem:s19+$0x5190] =	vst v0  }
0x2e: {  	[tilespmem:s19+$0x51A0] =	vst v0  }
0x2f: {  	[tilespmem:s19+$0x51B0] =	vst v0  }
0x30: {  	[tilespmem:s19+$0x51C0] =	vst v0  }
0x31: {  	[tilespmem:s19+$0x51D0] =	vst v0  }
0x32: {  	[tilespmem:s19+$0x51E0] =	vst v0  }
0x33: {  	[tilespmem:s19+$0x51F0] =	vst v0  }
0x34: {  	[spmem:s22] =	stream.linear.scatter [tilespmem:s31], [sflag:$0x3], $0x2800, $0x38;
	[tilespmem:$0x1BB80] =	vst v63  }
0x35: {  	_ =	swait.ge [sflag:s0], $0x2800  }
0x36: {  	[sflag:s0] =	ssyncset.done $0x0  }
0x37: {  	[sflag:s0] =	ssyncadd.s32 $0xFFFFD800  }
0x38: {  	[spmem:s23] =	stream.linear.scatter [tilespmem:s31], [sflag:$0x3], $0x2800, $0x38;
	[tilespmem:$0x1BB80] =	vst v63  }
0x39: {  	_ =	swait.ge [sflag:s0], $0x2800  }
0x3a: {  	[sflag:s0] =	ssyncset.done $0x0  }
0x3b: {  	[sflag:s0] =	ssyncadd.s32 $0xFFFFD800  }
0x3c: {  	[spmem:s24] =	stream.linear.scatter [tilespmem:s31], [sflag:$0x3], $0x2800, $0x38;
	[tilespmem:$0x1BB80] =	vst v63  }
0x3d: {  	_ =	swait.ge [sflag:s0], $0x2800  }
0x3e: {  	[sflag:s0] =	ssyncset.done $0x0  }
0x3f: {  	[sflag:s0] =	ssyncadd.s32 $0xFFFFD800  }
0x40: {  	[spmem:s25] =	stream.linear.scatter [tilespmem:s31], [sflag:$0x3], $0x2800, $0x38;
	[tilespmem:$0x1BB80] =	vst v63  }
0x41: {  	_ =	swait.ge [sflag:s0], $0x2800  }
0x42: {  	[sflag:s0] =	ssyncset.done $0x0  }
0x43: {  	[sflag:s0] =	ssyncadd.s32 $0xFFFFD800  }
0x44: {  	[spmem:s26] =	stream.linear.scatter [tilespmem:s31], [sflag:$0x3], $0x2800, $0x38;
	[tilespmem:$0x1BB80] =	vst v63  }
0x45: {  	_ =	swait.ge [sflag:s0], $0x2800  }
0x46: {  	[sflag:s0] =	ssyncset.done $0x0  }
0x47: {  	s24 =	rddreg [dreg:$0x12];
	[sflag:s0] =	ssyncadd.s32 $0xFFFFD800  }
0x48: {  	[spmem:s24] =	stream.linear.scatter [tilespmem:s31], [sflag:$0x3], $0x2800, $0x38;
	[tilespmem:$0x1BB80] =	vst v63  }
0x49: {  	_ =	swait.ge [sflag:s0], $0x2800  }
0x4a: {  	[sflag:s0] =	ssyncset.done $0x0  }
0x4b: {  	s25 =	rddreg [dreg:$0x13];
	[sflag:s0] =	ssyncadd.s32 $0xFFFFD800  }
0x4c: {  	[spmem:s25] =	stream.linear.scatter [tilespmem:s31], [sflag:$0x3], $0x2800, $0x38;
	[tilespmem:$0x1BB80] =	vst v63  }
0x4d: {  	_ =	swait.ge [sflag:s0], $0x2800  }
0x4e: {  	[sflag:s0] =	ssyncset.done $0x0  }
0x4f: {  	s26 =	rddreg [dreg:$0x14];
	[sflag:s0] =	ssyncadd.s32 $0xFFFFD800  }
0x50: {  	[spmem:s26] =	stream.linear.scatter [tilespmem:s31], [sflag:$0x3], $0x2800, $0x38;
	[tilespmem:$0x1BB80] =	vst v63  }
0x51: {  	_ =	swait.ge [sflag:s0], $0x2800  }
0x52: {  	[sflag:s0] =	ssyncset.done $0x0  }
0x53: {  	[sflag:s0] =	ssyncadd.s32 $0xFFFFD800  }
0x54: {  	s19 =	simm.s32 $0x0;
	[bflag:$0x0] =	sbarrier.arrive $0xFFFF  }
.LBB2_4:
0x55: {  	s20 =	sshll.u32 s19, $0x5  }
0x56: {  	s20 =	sor.u32 s20, s30  }
0x57: {  	s20 =	sor.u32 s6, s20  }
0x58: {  	s21 =	smul.u32 $0x50, s20;
	_ =	sdelay $0x1  }
0x59: {  	s21 =	sshrl.u32 s21, $0x3  }
0x5a: {  	s23 =	simm.s32 $0x3;
	s22 =	sadd.s32 s18, s21  }
0x5b: {  	[tilespmem:s5], [sflag:$0x3] =	stream.linear.gather [hbm4b:s22+s5], $0x50, $0x38;
	[tilespmem:$0x1BB80] =	vst v63  }
0x5c: {  	_ =	swait.ge [sflag:s23], $0x50  }
0x5d: {  	[sflag:s23] =	ssyncset.done $0x0  }
0x5e: {  	s26 =	sadd.s32 s17, s21;
	[sflag:s23] =	ssyncadd.s32 $0xFFFFFFB0  }
0x5f: {  	[tilespmem:s4], [sflag:$0x3] =	stream.linear.gather [hbm4b:s26+s5], $0x50, $0x38;
	[tilespmem:$0x1BB80] =	vst v63  }
0x60: {  	_ =	swait.ge [sflag:s23], $0x50  }
0x61: {  	[sflag:s23] =	ssyncset.done $0x0  }
0x62: {  	s24 =	smul.u32 $0x140, s20;
	s21 =	sadd.s32 s2, s21;
	[sflag:s23] =	ssyncadd.s32 $0xFFFFFFB0  }
0x63: {  	[tilespmem:s7], [sflag:$0x3] =	stream.linear.gather [hbm4b:s21+s5], $0x50, $0x38;
	[tilespmem:$0x1BB80] =	vst v63  }
0x64: {  	_ =	swait.ge [sflag:s23], $0x50  }
0x65: {  	s21 =	sshrl.u32 s24, $0x3;
	[sflag:s23] =	ssyncset.done $0x0  }
0x66: {  	s21 =	sadd.s32 s16, s21;
	[sflag:s23] =	ssyncadd.s32 $0xFFFFFFB0  }
0x67: {  	[tilespmem:s8], [sflag:$0x3] =	stream.linear.gather [hbm4b:s21+s5], $0x140, $0x38;
	[tilespmem:$0x1BB80] =	vst v63  }
0x68: {  	_ =	swait.ge [sflag:s23], $0x140  }
0x69: {  	[sflag:s23] =	ssyncset.done $0x0  }
0x6a: {  	[sflag:s23] =	ssyncadd.s32 $0xFFFFFEC0  }
0x6b: {  	v1 =	vld [tilespmem:$0x100]  }
0x6c: {  	v2 =	vld [tilespmem:$0x80]  }
0x6d: {  	v3 =	vld [tilespmem:$0x110]  }
0x6e: {  	v4 =	vld [tilespmem:$0x90]  }
0x6f: {  	v5 =	vld [tilespmem:$0x120]  }
0x70: {  	v6 =	vld [tilespmem:$0xA0]  }
0x71: {  	v7 =	vld [tilespmem:$0x130]  }
0x72: {  	v8 =	vld [tilespmem:$0x140]  }
0x73: {  	v9 =	vld [tilespmem:$0xB0];
	v1 =	vmul.u32 $0x2710, v1  }
0x74: {  	v10 =	vld [tilespmem:$0xC0];
	v3 =	vmul.u32 $0x2710, v3  }
0x75: {  	v1 =	vadd.s32 v2, v1;
	v2 =	vmul.u32 $0x2710, v5  }
0x76: {  	[tilespmem:$0x180] =	vst v1;
	v1 =	vadd.s32 v4, v3;
	v3 =	vmul.u32 $0x2710, v7  }
0x77: {  	[tilespmem:$0x190] =	vst v1;
	v1 =	vadd.s32 v6, v2;
	v2 =	vmul.u32 $0x2710, v8  }
0x78: {  	s20 =	smul.u32 $0x2800, s20;
	[tilespmem:$0x1A0] =	vst v1;
	v1 =	vadd.s32 v9, v3  }
0x79: {  	[tilespmem:$0x1B0] =	vst v1;
	v1 =	vadd.s32 v10, v2  }
0x7a: {  	s20 =	sshrl.u32 s20, $0x3;
	[tilespmem:$0x1C0] =	vst v1  }
0x7b: {  	[tilespmem:s11], [sflag:$0x1] =	stream.indirect.gather [hbm4b:s15+s9], $0x80, s10, s9, $0xb8;
	[tilespmem:$0x1BB80] =	vst v63  }
0x7c: {  	s20 =	sadd.s32 s1, s20  }
0x7d: {  	[tilespmem:s12], [sflag:$0x2] =	stream.linear.gather [hbm4b:s20+s5], $0x2800, $0x38;
	[tilespmem:$0x1BB80] =	vst v63  }
0x7e: {  	s25 =	simm.s32 $0x0;
	_ =	swait.ge [sflag:s13], $0x2800  }
0x7f: {  	v1 =	vmov s25;
	[sflag:s13] =	ssyncset.done $0x0  }
0x80: {  	v1 =	vand.u32 $0xFFFFFFFC, v1;
	[sflag:s13] =	ssyncadd.s32 $0xFFFFD800  }
0x81: {  	v1 =	vbroadcast v1, $0x0;
	_ =	swait.ge [sflag:s14], $0x2800  }
0x82: {  	[sflag:s14] =	ssyncset.done $0x0  }
0x83: {  	s20 =	simm.s32 $0x240;
	[sflag:s14] =	ssyncadd.s32 $0xFFFFD800  }
0x84: {  	s21 =	simm.s32 $0x2A40;
	v2 =	vld [tilespmem:s20+$0xFFFFFFC0]  }
0x85: {  	v3 =	vld [tilespmem:s21+$0xFFFFFFC0];
	_ =	sdelay $0x1  }
0x86: {  	v1 =	vld.idx.msk [tilespmem:v1+s8+$0x0], $0xffff;
	_ =	sdelay $0x2  }
0x87: {  	v2 =	vsub.f32 v2, v3;
	_ =	sdelay $0x1  }
0x88: {  	v2 =	vmul.f32 v2, v1  }
0x89: {  	s22 =	simm.s32 $0x5240  }
0x8a: {  	[tilespmem:s22+$0xFFFFFFC0] =	vst v2  }
0x8b: {  	v2 =	vld [tilespmem:s20+$0xFFFFFFD0]  }
0x8c: {  	v3 =	vld [tilespmem:s21+$0xFFFFFFD0];
	_ =	sdelay $0x3  }
0x8d: {  	s24 =	simm.s32 $0x1  }
0x8e: {  	v4 =	vmov s24;
	v2 =	vsub.f32 v2, v3  }
0x8f: {  	v3 =	vand.u32 $0xFFFFFFFD, v4  }
0x90: {  	v3 =	vbroadcast v3, $0x0;
	v1 =	vmul.f32 v2, v1;
	_ =	sdelay $0x1  }
0x91: {  	[tilespmem:s22+$0xFFFFFFD0] =	vst v1  }
0x92: {  	v1 =	vld [tilespmem:s20+$0xFFFFFFE0]  }
0x93: {  	v2 =	vld [tilespmem:s21+$0xFFFFFFE0];
	_ =	sdelay $0x1  }
0x94: {  	v3 =	vld.idx.msk [tilespmem:v3+s8+$0x0], $0xffff;
	_ =	sdelay $0x2  }
0x95: {  	v1 =	vsub.f32 v1, v2;
	_ =	sdelay $0x1  }
0x96: {  	v1 =	vmul.f32 v1, v3;
	_ =	sdelay $0x1  }
0x97: {  	[tilespmem:s22+$0xFFFFFFE0] =	vst v1  }
0x98: {  	v1 =	vld [tilespmem:s20+$0xFFFFFFF0]  }
0x99: {  	v2 =	vld [tilespmem:s21+$0xFFFFFFF0];
	_ =	sdelay $0x3  }
0x9a: {  	s26 =	simm.s32 $0x2  }
0x9b: {  	v4 =	vmov s26;
	v1 =	vsub.f32 v1, v2  }
0x9c: {  	v2 =	vand.u32 $0xFFFFFFFE, v4  }
0x9d: {  	v2 =	vbroadcast v2, $0x0;
	v1 =	vmul.f32 v1, v3;
	_ =	sdelay $0x1  }
0x9e: {  	[tilespmem:s22+$0xFFFFFFF0] =	vst v1  }
0x9f: {  	v1 =	vld [tilespmem:s20+$0x0]  }
0xa0: {  	v3 =	vld [tilespmem:s21+$0x0];
	_ =	sdelay $0x1  }
0xa1: {  	v2 =	vld.idx.msk [tilespmem:v2+s8+$0x0], $0xffff;
	_ =	sdelay $0x2  }
0xa2: {  	v1 =	vsub.f32 v1, v3;
	_ =	sdelay $0x1  }
0xa3: {  	v1 =	vmul.f32 v1, v2;
	_ =	sdelay $0x1  }
0xa4: {  	[tilespmem:s22+$0x0] =	vst v1  }
0xa5: {  	v1 =	vld [tilespmem:s20+$0x10]  }
0xa6: {  	v3 =	vld [tilespmem:s21+$0x10];
	_ =	sdelay $0x4  }
0xa7: {  	v1 =	vsub.f32 v1, v3;
	_ =	sdelay $0x1  }
0xa8: {  	v1 =	vmul.f32 v1, v2  }
0xa9: {  	v2 =	vmov s23  }
0xaa: {  	[tilespmem:s22+$0x10] =	vst v1  }
0xab: {  	v3 =	vld [tilespmem:s20+$0x20]  }
0xac: {  	v4 =	vld [tilespmem:s21+$0x20];
	_ =	sdelay $0x1  }
0xad: {  	v1 =	vld.idx.msk [tilespmem:v2+s8+$0x0], $0xffff;
	_ =	sdelay $0x2  }
0xae: {  	v2 =	vsub.f32 v3, v4;
	_ =	sdelay $0x1  }
0xaf: {  	v2 =	vmul.f32 v2, v1;
	_ =	sdelay $0x1  }
0xb0: {  	[tilespmem:s22+$0x20] =	vst v2  }
0xb1: {  	v2 =	vld [tilespmem:s20+$0x30]  }
0xb2: {  	s24 =	simm.s32 $0x7;
	s23 =	simm.s32 $0x5240;
	v3 =	vld [tilespmem:s21+$0x30]  }
.LBB2_5:
0xb3: {  	s22 =	sadd.s32 $0x80, s22  }
0xb4: {  	s21 =	sadd.s32 $0x80, s21;
	s20 =	sadd.s32 $0x80, s20;
	s25 =	smov.u32 s24  }
0xb5: {  	p0 =	sne.s32 s24, $0x13F;
	s24 =	sadd.s32 $0x4, s24;
	s26 =	sadd.s32 $0xFFFFFFFD, s25  }
0xb6: {  	v4 =	vmov s26  }
0xb7: {  	v4 =	vand.u32 $0xFFFFFFFC, v4  }
0xb8: {  	v4 =	vbroadcast v4, $0x0;
	v2 =	vsub.f32 v2, v3;
	_ =	sdelay $0x1  }
0xb9: {  	v1 =	vmul.f32 v2, v1;
	_ =	sdelay $0x1  }
0xba: {  	[tilespmem:s23+$0x30] =	vst v1;
	s23 =	smov.u32 s22  }
0xbb: {  	v1 =	vld [tilespmem:s20+$0xFFFFFFC0]  }
0xbc: {  	v2 =	vld [tilespmem:s21+$0xFFFFFFC0]  }
0xbd: {  	v3 =	vld.idx.msk [tilespmem:v4+s8+$0x0], $0xffff;
	_ =	sdelay $0x3  }
0xbe: {  	v1 =	vsub.f32 v1, v2;
	_ =	sdelay $0x1  }
0xbf: {  	v1 =	vmul.f32 v1, v3;
	_ =	sdelay $0x1  }
0xc0: {  	[tilespmem:s22+$0xFFFFFFC0] =	vst v1  }
0xc1: {  	v1 =	vld [tilespmem:s20+$0xFFFFFFD0]  }
0xc2: {  	v2 =	vld [tilespmem:s21+$0xFFFFFFD0];
	_ =	sdelay $0x2  }
0xc3: {  	s26 =	sadd.s32 $0xFFFFFFFE, s25  }
0xc4: {  	v4 =	vmov s26  }
0xc5: {  	v1 =	vsub.f32 v1, v2;
	v2 =	vand.u32 $0xFFFFFFFD, v4  }
0xc6: {  	v2 =	vbroadcast v2, $0x0  }
0xc7: {  	v1 =	vmul.f32 v1, v3;
	_ =	sdelay $0x1  }
0xc8: {  	[tilespmem:s22+$0xFFFFFFD0] =	vst v1  }
0xc9: {  	v1 =	vld [tilespmem:s20+$0xFFFFFFE0]  }
0xca: {  	v3 =	vld [tilespmem:s21+$0xFFFFFFE0]  }
0xcb: {  	v2 =	vld.idx.msk [tilespmem:v2+s8+$0x0], $0xffff;
	_ =	sdelay $0x3  }
0xcc: {  	v1 =	vsub.f32 v1, v3;
	_ =	sdelay $0x1  }
0xcd: {  	v1 =	vmul.f32 v1, v2;
	_ =	sdelay $0x1  }
0xce: {  	[tilespmem:s22+$0xFFFFFFE0] =	vst v1  }
0xcf: {  	v1 =	vld [tilespmem:s20+$0xFFFFFFF0]  }
0xd0: {  	v3 =	vld [tilespmem:s21+$0xFFFFFFF0];
	_ =	sdelay $0x2  }
0xd1: {  	s26 =	sadd.s32 $0xFFFFFFFF, s25  }
0xd2: {  	v4 =	vmov s26  }
0xd3: {  	v1 =	vsub.f32 v1, v3;
	v3 =	vand.u32 $0xFFFFFFFE, v4  }
0xd4: {  	v3 =	vbroadcast v3, $0x0  }
0xd5: {  	v1 =	vmul.f32 v1, v2;
	_ =	sdelay $0x1  }
0xd6: {  	[tilespmem:s22+$0xFFFFFFF0] =	vst v1  }
0xd7: {  	v1 =	vld [tilespmem:s20+$0x0]  }
0xd8: {  	v2 =	vld [tilespmem:s21+$0x0]  }
0xd9: {  	v3 =	vld.idx.msk [tilespmem:v3+s8+$0x0], $0xffff;
	_ =	sdelay $0x3  }
0xda: {  	v1 =	vsub.f32 v1, v2;
	_ =	sdelay $0x1  }
0xdb: {  	v1 =	vmul.f32 v1, v3;
	_ =	sdelay $0x1  }
0xdc: {  	[tilespmem:s22+$0x0] =	vst v1  }
0xdd: {  	v1 =	vld [tilespmem:s20+$0x10]  }
0xde: {  	v2 =	vld [tilespmem:s21+$0x10];
	_ =	sdelay $0x4  }
0xdf: {  	v1 =	vsub.f32 v1, v2;
	_ =	sdelay $0x1  }
0xe0: {  	v2 =	vmov s25;
	v1 =	vmul.f32 v1, v3;
	_ =	sdelay $0x1  }
0xe1: {  	[tilespmem:s22+$0x10] =	vst v1  }
0xe2: {  	v3 =	vld [tilespmem:s20+$0x20]  }
0xe3: {  	v4 =	vld [tilespmem:s21+$0x20]  }
0xe4: {  	v1 =	vld.idx.msk [tilespmem:v2+s8+$0x0], $0xffff;
	_ =	sdelay $0x3  }
0xe5: {  	v2 =	vsub.f32 v3, v4;
	_ =	sdelay $0x1  }
.Ltmp1:
0xe6: {  	v2 =	vmul.f32 v2, v1;
	(pc) =	sbr.rel @p0 .LBB2_5-.Ltmp1, $4  }
0xe7: {  	_ = 	snop  }
0xe8: {  	[tilespmem:s22+$0x20] =	vst v2  }
0xe9: {  	v2 =	vld [tilespmem:s20+$0x30]  }
0xea: {  	v3 =	vld [tilespmem:s21+$0x30]  }
0xeb: {  	_ =	sdelay $0x3  }
0xec: {  	v2 =	vsub.f32 v2, v3;
	_ =	sdelay $0x1  }
0xed: {  	s19 =	sadd.s32 $0x1, s19;
	v1 =	vmul.f32 v2, v1  }
0xee: {  	p0 =	sne.s32 s19, s28  }
.Ltmp2:
0xef: {  	[tilespmem:s23+$0x30] =	vst v1;
	(pc) =	sbr.rel @p0 .LBB2_4-.Ltmp2, $4  }
0xf0: {  	[spmem:s3] =	stream.indirect.scatter.add.f32 [tilespmem:s31], [sflag:$0x3], $0x80, s5, s9, $0xb8;
	[tilespmem:$0x1BB80] =	vst v63  }
0xf1: {  	_ =	swait.ge [sflag:s0], $0x2800  }
0xf2: {  	[sflag:s0] =	ssyncset.done $0x0  }
0xf3: {  	[sflag:s0] =	ssyncadd.s32 $0xFFFFD800  }
0xf4: {  	[bflag:$0x0] =	sbarrier.arrive $0xFFFF  }
0xf5: {  	s22 =	rddreg [dreg:$0xd]  }
0xf6: {  	[tilespmem:s31], [sflag:$0x3] =	stream.linear.gather [spmem:s22], $0x2800, $0x38;
	[tilespmem:$0x1BB80] =	vst v63  }
0xf7: {  	_ =	swait.ge [sflag:s0], $0x2800  }
0xf8: {  	[sflag:s0] =	ssyncset.done $0x0  }
0xf9: {  	s19 =	rddreg [dreg:$0x5];
	[sflag:s0] =	ssyncadd.s32 $0xFFFFD800  }
0xfa: {  	[hbm4b:s19+s5] =	stream.linear.scatter [tilespmem:s31], [sflag:$0x3], $0x2800, $0x38;
	[tilespmem:$0x1BB80] =	vst v63  }
0xfb: {  	_ =	swait.ge [sflag:s0], $0x2800  }
0xfc: {  	[sflag:s0] =	ssyncset.done $0x0  }
0xfd: {  	s23 =	rddreg [dreg:$0xe];
	[sflag:s0] =	ssyncadd.s32 $0xFFFFD800  }
0xfe: {  	[tilespmem:s31], [sflag:$0x3] =	stream.linear.gather [spmem:s23], $0x2800, $0x38;
	[tilespmem:$0x1BB80] =	vst v63  }
0xff: {  	_ =	swait.ge [sflag:s0], $0x2800  }
0x100: {  	[sflag:s0] =	ssyncset.done $0x0  }
0x101: {  	s24 =	rddreg [dreg:$0x6];
	[sflag:s0] =	ssyncadd.s32 $0xFFFFD800  }
0x102: {  	[hbm4b:s24+s5] =	stream.linear.scatter [tilespmem:s31], [sflag:$0x3], $0x2800, $0x38;
	[tilespmem:$0x1BB80] =	vst v63  }
0x103: {  	_ =	swait.ge [sflag:s0], $0x2800  }
0x104: {  	[sflag:s0] =	ssyncset.done $0x0  }
0x105: {  	s24 =	rddreg [dreg:$0xf];
	[sflag:s0] =	ssyncadd.s32 $0xFFFFD800  }
0x106: {  	[tilespmem:s31], [sflag:$0x3] =	stream.linear.gather [spmem:s24], $0x2800, $0x38;
	[tilespmem:$0x1BB80] =	vst v63  }
0x107: {  	_ =	swait.ge [sflag:s0], $0x2800  }
0x108: {  	[sflag:s0] =	ssyncset.done $0x0  }
0x109: {  	s25 =	rddreg [dreg:$0x7];
	[sflag:s0] =	ssyncadd.s32 $0xFFFFD800  }
0x10a: {  	[hbm4b:s25+s5] =	stream.linear.scatter [tilespmem:s31], [sflag:$0x3], $0x2800, $0x38;
	[tilespmem:$0x1BB80] =	vst v63  }
0x10b: {  	_ =	swait.ge [sflag:s0], $0x2800  }
0x10c: {  	[sflag:s0] =	ssyncset.done $0x0  }
0x10d: {  	s25 =	rddreg [dreg:$0x10];
	[sflag:s0] =	ssyncadd.s32 $0xFFFFD800  }
0x10e: {  	[tilespmem:s31], [sflag:$0x3] =	stream.linear.gather [spmem:s25], $0x2800, $0x38;
	[tilespmem:$0x1BB80] =	vst v63  }
0x10f: {  	_ =	swait.ge [sflag:s0], $0x2800  }
0x110: {  	[sflag:s0] =	ssyncset.done $0x0  }
0x111: {  	s26 =	rddreg [dreg:$0x8];
	[sflag:s0] =	ssyncadd.s32 $0xFFFFD800  }
0x112: {  	[hbm4b:s26+s5] =	stream.linear.scatter [tilespmem:s31], [sflag:$0x3], $0x2800, $0x38;
	[tilespmem:$0x1BB80] =	vst v63  }
0x113: {  	_ =	swait.ge [sflag:s0], $0x2800  }
0x114: {  	[sflag:s0] =	ssyncset.done $0x0  }
0x115: {  	s26 =	rddreg [dreg:$0x11];
	[sflag:s0] =	ssyncadd.s32 $0xFFFFD800  }
0x116: {  	[tilespmem:s31], [sflag:$0x3] =	stream.linear.gather [spmem:s26], $0x2800, $0x38;
	[tilespmem:$0x1BB80] =	vst v63  }
0x117: {  	_ =	swait.ge [sflag:s0], $0x2800  }
0x118: {  	[sflag:s0] =	ssyncset.done $0x0  }
0x119: {  	s20 =	rddreg [dreg:$0x9];
	[sflag:s0] =	ssyncadd.s32 $0xFFFFD800  }
0x11a: {  	[hbm4b:s20+s5] =	stream.linear.scatter [tilespmem:s31], [sflag:$0x3], $0x2800, $0x38;
	[tilespmem:$0x1BB80] =	vst v63  }
0x11b: {  	_ =	swait.ge [sflag:s0], $0x2800  }
0x11c: {  	[sflag:s0] =	ssyncset.done $0x0  }
0x11d: {  	s21 =	rddreg [dreg:$0x12];
	[sflag:s0] =	ssyncadd.s32 $0xFFFFD800  }
0x11e: {  	[tilespmem:s31], [sflag:$0x3] =	stream.linear.gather [spmem:s21], $0x2800, $0x38;
	[tilespmem:$0x1BB80] =	vst v63  }
0x11f: {  	_ =	swait.ge [sflag:s0], $0x2800  }
0x120: {  	[sflag:s0] =	ssyncset.done $0x0  }
0x121: {  	s20 =	rddreg [dreg:$0xa];
	[sflag:s0] =	ssyncadd.s32 $0xFFFFD800  }
0x122: {  	[hbm4b:s20+s5] =	stream.linear.scatter [tilespmem:s31], [sflag:$0x3], $0x2800, $0x38;
	[tilespmem:$0x1BB80] =	vst v63  }
0x123: {  	_ =	swait.ge [sflag:s0], $0x2800  }
0x124: {  	[sflag:s0] =	ssyncset.done $0x0  }
0x125: {  	s21 =	rddreg [dreg:$0x13];
	[sflag:s0] =	ssyncadd.s32 $0xFFFFD800  }
0x126: {  	[tilespmem:s31], [sflag:$0x3] =	stream.linear.gather [spmem:s21], $0x2800, $0x38;
	[tilespmem:$0x1BB80] =	vst v63  }
0x127: {  	_ =	swait.ge [sflag:s0], $0x2800  }
0x128: {  	[sflag:s0] =	ssyncset.done $0x0  }
0x129: {  	s20 =	rddreg [dreg:$0xb];
	[sflag:s0] =	ssyncadd.s32 $0xFFFFD800  }
0x12a: {  	[hbm4b:s20+s5] =	stream.linear.scatter [tilespmem:s31], [sflag:$0x3], $0x2800, $0x38;
	[tilespmem:$0x1BB80] =	vst v63  }
0x12b: {  	_ =	swait.ge [sflag:s0], $0x2800  }
0x12c: {  	[sflag:s0] =	ssyncset.done $0x0  }
0x12d: {  	s21 =	rddreg [dreg:$0x14];
	[sflag:s0] =	ssyncadd.s32 $0xFFFFD800  }
0x12e: {  	[tilespmem:s31], [sflag:$0x3] =	stream.linear.gather [spmem:s21], $0x2800, $0x38;
	[tilespmem:$0x1BB80] =	vst v63  }
0x12f: {  	_ =	swait.ge [sflag:s0], $0x2800  }
0x130: {  	[sflag:s0] =	ssyncset.done $0x0  }
0x131: {  	s20 =	rddreg [dreg:$0xc];
	[sflag:s0] =	ssyncadd.s32 $0xFFFFD800  }
0x132: {  	[hbm4b:s20+s5] =	stream.linear.scatter [tilespmem:s31], [sflag:$0x3], $0x2800, $0x38;
	[tilespmem:$0x1BB80] =	vst v63  }
0x133: {  	_ =	swait.ge [sflag:s0], $0x2800  }
0x134: {  	s29 =	sadd.s32 $0x1, s29;
	s21 =	rddreg [dreg:$0x15]  }
0x135: {  	p0 =	sne.s32 s29, s21  }
.Ltmp3:
0x136: {  	_ = 	snop;
	(pc) =	sbr.rel @p0 .LBB2_1-.Ltmp3, $3  }
0x137: {  	_ =	sdelay $0x1  }
0x138: {  	[sflag:s0] =	ssyncset.done $0x0  }
0x139: {  	[sflag:s0] =	ssyncadd.s32 $0xFFFFD800  }
0x13a: {  	_ =	sfence.sel $0x180000  }
0x13b: {  	[bflag:$0x0] =	sbarrier.arrive $0xFFFF  }
0x13c: {  	_ =	strace $0x9000004A  }
0x13d: {  	s0 =	stileid.u32;
	[bflag:$0x2] =	sbarrier.arrive $0xFFFF  }
0x13e: {  	p0 =	sne.s32 s0, $0x0;
	s0 =	rddreg [dreg:$0x4]  }
0x13f: {  	s0 =	sadd.s32 @!p0 $0x100000, s0  }
0x140: {  	[sflag:s0] =	ssyncadd.tile.s32 @!p0 $0x1;
	_ =	shalt  }
.Lfunc_end2:
_tile_overlayer_lowered:
.L_overlay_start_2:
0x141: {  	(tag) =	ssettag $0x2  }
0x142: {  	s0 =	rddreg [dreg:$0x0];
	s2 =	stileid.u32  }
0x143: {  	s1 =	rddreg [dreg:$0x1];
	p0 =	sne.s32 s2, $0x0  }
0x144: {  	s3 =	rddreg [dreg:$0x2];
	[bflag:$0x3] =	sbarrier.arrive $0xFFFF;
	s2 =	simm.s32 @!p0 $0x1C03  }
0x145: {  	[timem:s3], [sflag:s2] =	dma.local @!p0 [hbm:s0], s1  }
0x146: {  	s0 =	simm.s32 @!p0 $0x3  }
0x147: {  	_ =	swait.ge @!p0 [sflag:s0], s1  }
0x148: {  	s1 =	ssub.s32 @!p0 $0x0, s1;
	[sflag:s0] =	ssyncset.done @!p0 $0x0  }
0x149: {  	[sflag:s0] =	ssyncadd.s32 @!p0 s1  }
0x14a: {  	[bflag:$0x3] =	sbarrier.arrive $0xFFFF  }
0x14b: {  	_ =	shalt  }

// kernel: kernel.9.cloned.1.call-start
scs
__scs_entry_jumppad:
0x0: {  	(pc) =	sbr.rel $0x88, $3  }
0x1: {  	(tag) =	ssettag $0x0;
	lr =	simm.s32 $0x1  }
0x2: {  	[smem:$0x3F8C] =	sst lr;
	_ =	strace $0xD0000000  }
0x3: {  	_ = 	snop  }
0x4: {  	_ = 	snop  }
0x5: {  	_ = 	snop  }
0x6: {  	_ = 	snop  }
0x7: {  	_ = 	snop  }
__scs_overlays_trampoline_lowered:
0x8: {  	[smem:$0x3F9B] =	sst s0  }
0x9: {  	[smem:$0x3F9C] =	sst s1  }
0xa: {  	[smem:$0x3F9D] =	sst s2  }
0xb: {  	[smem:$0x3F9E] =	sst s3  }
0xc: {  	[smem:$0x3F9F] =	sst s4  }
0xd: {  	[smem:$0x3FA0] =	sst s5  }
0xe: {  	[smem:$0x3FA1] =	sst s6  }
0xf: {  	[smem:$0x3FA2] =	sst s7  }
0x10: {  	[smem:$0x3FA3] =	sst s8  }
0x11: {  	[smem:$0x3FA4] =	sst s9;
	s0 =	simm.s32 @!p0 $0x0  }
0x12: {  	s1 =	sld [smem:$0x3F8A];
	s0 =	simm.s32 @p0 $0x1  }
0x13: {  	[smem:$0x3FA5] =	sst s0;
	s0 =	simm.s32 @!p1 $0x0  }
0x14: {  	s2 =	sld [smem:$0x3F89];
	s0 =	simm.s32 @p1 $0x1  }
0x15: {  	[smem:$0x3FA6] =	sst s0;
	s0 =	simm.s32 @!p2 $0x0  }
0x16: {  	s3 =	sld [smem:$0x3FDB];
	s0 =	simm.s32 @p2 $0x1  }
0x17: {  	s4 =	simm.s32 $0x1BF5;
	[smem:$0x3FA8] =	sst s0  }
0x18: {  	s0 =	sld [smem:$0x3F8B];
	_ =	swait.ge [sflag:s4], $0x0  }
0x19: {  	s7 =	sld [smem:$0x3F8C]  }
0x1a: {  	s8 =	sadd.s32 $0xFFFFE003, lr  }
0x1b: {  	s9 =	sadd.s32 $0xFFFFFEF7, lr;
	s5 =	simm.s32 $0xFFFFFFFF;
	p2 =	slt.u32 s8, $0xFFFFF086  }
0x1c: {  	p1 =	slt.u32 s9, $0xF7A;
	s5 =	simm.s32 @!p2 $0x0  }
0x1d: {  	s5 =	simm.s32 @p1 $0x1;
	p0 =	seq.s32 s7, s2  }
0x1e: {  	s7 =	smul.u32 @!p0 $0xF7A, s2;
	p2 =	seq.s32 @!p0 s5, $0x0  }
0x1f: {  	s9 =	smul.u32 $0xF7A, s1;
	s8 =	simm.s32 @!p0 $0x1BF5;
	p2 =	por !p2, p0  }
0x20: {  	[sflag:s8] =	ssyncset.s32 @!p0 $0xFFFFF086;
	s6 =	sadd.s32 @!p0 s3, s7;
	s7 =	simm.s32 @!p0 $0x108  }
0x21: {  	s3 =	sadd.s32 s3, s9;
	s6 =	sadd.s32 @!p0 $0x88, s6;
	s7 =	simm.s32 @p2 $0x1082  }
0x22: {  	[simem:s7], [sflag:s8] =	dma.local @!p0 [hbm:s6], $0xF7A  }
0x23: {  	s9 =	sor.u32 $0xD0000000, s2;
	s6 =	simm.s32 $0x108;
	_ =	swait.ge @!p0 [sflag:s8], $0x0  }
0x24: {  	s3 =	sadd.s32 $0x88, s3;
	s6 =	simm.s32 @!p1 $0x1082;
	[sflag:s4] =	ssyncset.s32 $0xFFFFF086  }
0x25: {  	[simem:s6], [sflag:s4] =	dma.local [hbm:s3], $0xF7A  }
0x26: {  	[smem:$0x3F8C] =	sst s1;
	(tag) =	ssettag s2;
	_ =	strace s9  }
0x27: {  	s1 =	sld [smem:$0x3F9C]  }
0x28: {  	s2 =	sld [smem:$0x3F9D]  }
0x29: {  	s4 =	sld [smem:$0x3F9F]  }
0x2a: {  	p0 =	seq.s32 s5, $0x0;
	s5 =	sld [smem:$0x3FA0]  }
0x2b: {  	s6 =	sld [smem:$0x3FA1]  }
0x2c: {  	s7 =	sld [smem:$0x3FA2]  }
0x2d: {  	s3 =	simm.s32 $0x108;
	s8 =	sld [smem:$0x3FA3]  }
0x2e: {  	s3 =	simm.s32 @!p0 $0x1082;
	s9 =	sld [smem:$0x3FA4]  }
0x2f: {  	lr =	sadd.s32 s0, s3;
	s0 =	sld [smem:$0x3F9B]  }
0x30: {  	s3 =	sld [smem:$0x3F9E]  }
0x31: {  	[smem:$0x3FA7] =	sst s10  }
0x32: {  	s10 =	sld [smem:$0x3FA5];
	_ =	sdelay $0x3  }
0x33: {  	p0 =	seq.s32 s10, $0x1;
	s10 =	sld [smem:$0x3FA7];
	_ =	sdelay $0x3  }
0x34: {  	[smem:$0x3FA7] =	sst s10  }
0x35: {  	s10 =	sld [smem:$0x3FA6];
	_ =	sdelay $0x3  }
0x36: {  	p1 =	seq.s32 s10, $0x1;
	s10 =	sld [smem:$0x3FA7];
	_ =	sdelay $0x3  }
0x37: {  	[smem:$0x3FA7] =	sst s10  }
0x38: {  	s10 =	sld [smem:$0x3FA8]  }
0x39: {  	_ = 	snop;
	(pc) =	sbr.ind lr, $3  }
0x3a: {  	_ = 	snop  }
0x3b: {  	_ = 	snop  }
0x3c: {  	p2 =	seq.s32 s10, $0x1;
	s10 =	sld [smem:$0x3FA7]  }
0x3d: {  	_ =	shalt  }
0x3e: {  	_ =	shalt  }
0x3f: {  	_ =	shalt  }
0x40: {  	_ =	shalt  }
0x41: {  	_ =	shalt  }
0x42: {  	_ =	shalt  }
0x43: {  	_ =	shalt  }
0x44: {  	_ =	shalt  }
0x45: {  	_ =	shalt  }
0x46: {  	_ =	shalt  }
0x47: {  	_ =	shalt  }
0x48: {  	_ =	shalt  }
0x49: {  	_ =	shalt  }
0x4a: {  	_ =	shalt  }
0x4b: {  	_ =	shalt  }
0x4c: {  	_ =	shalt  }
0x4d: {  	_ =	shalt  }
0x4e: {  	_ =	shalt  }
0x4f: {  	_ =	shalt  }
0x50: {  	_ =	shalt  }
0x51: {  	_ =	shalt  }
0x52: {  	_ =	shalt  }
0x53: {  	_ =	shalt  }
0x54: {  	_ =	shalt  }
0x55: {  	_ =	shalt  }
0x56: {  	_ =	shalt  }
0x57: {  	_ =	shalt  }
0x58: {  	_ =	shalt  }
0x59: {  	_ =	shalt  }
0x5a: {  	_ =	shalt  }
0x5b: {  	_ =	shalt  }
0x5c: {  	_ =	shalt  }
0x5d: {  	_ =	shalt  }
0x5e: {  	_ =	shalt  }
0x5f: {  	_ =	shalt  }
0x60: {  	_ =	shalt  }
0x61: {  	_ =	shalt  }
0x62: {  	_ =	shalt  }
0x63: {  	_ =	shalt  }
0x64: {  	_ =	shalt  }
0x65: {  	_ =	shalt  }
0x66: {  	_ =	shalt  }
0x67: {  	_ =	shalt  }
0x68: {  	_ =	shalt  }
0x69: {  	_ =	shalt  }
0x6a: {  	_ =	shalt  }
0x6b: {  	_ =	shalt  }
0x6c: {  	_ =	shalt  }
0x6d: {  	_ =	shalt  }
0x6e: {  	_ =	shalt  }
0x6f: {  	_ =	shalt  }
0x70: {  	_ =	shalt  }
0x71: {  	_ =	shalt  }
0x72: {  	_ =	shalt  }
0x73: {  	_ =	shalt  }
0x74: {  	_ =	shalt  }
0x75: {  	_ =	shalt  }
0x76: {  	_ =	shalt  }
0x77: {  	_ =	shalt  }
0x78: {  	_ =	shalt  }
0x79: {  	_ =	shalt  }
0x7a: {  	_ =	shalt  }
0x7b: {  	_ =	shalt  }
0x7c: {  	_ =	shalt  }
0x7d: {  	_ =	shalt  }
0x7e: {  	_ =	shalt  }
0x7f: {  	_ =	shalt  }
0x80: {  	_ =	shalt  }
0x81: {  	_ =	shalt  }
0x82: {  	_ =	shalt  }
0x83: {  	_ =	shalt  }
0x84: {  	_ =	shalt  }
0x85: {  	_ =	shalt  }
0x86: {  	_ =	shalt  }
0x87: {  	_ =	shalt  }
.Lfunc_end0:
.L_simem_size_0:
called_computation_lowered:
.L_overlay_start_0:
0x88: {  	s2 =	sld [smem:$0x3FD9]  }
0x89: {  	s3 =	sld [smem:$0x3FFE];
	_ =	sdelay $0x1  }
0x8a: {  	s1 =	srdreg.scid  }
0x8b: {  	s0 =	sand.u32 $0x1, s1  }
0x8c: {  	s14 =	sshll.u32 s0, $0xA;
	s2 =	sadd.s32 s3, s2  }
0x8d: {  	s2 =	sadd.s32 s2, s14  }
0x8e: {  	[smem:$0x3FB3] =	sst s2  }
0x8f: {  	_ = 	snop  }
0x90: {  	s2 =	sld [smem:$0x3FD0];
	_ =	sdelay $0x2  }
0x91: {  	s15 =	simm.s32 $0xA;
	s4 =	simm.s32 $0x10  }
0x92: {  	[smem:s4], [sflag:s15] =	dma.local [hbm:s2], $0x1  }
0x93: {  	_ =	swait.eq [sflag:s15], $0x1  }
0x94: {  	[sflag:s15] =	ssyncset.done $0x0  }
0x95: {  	s16 =	sld [smem:$0x10];
	[sflag:s15] =	ssyncadd.s32 $0xFFFFFFFF  }
0x96: {  	s17 =	sld [smem:$0x11];
	(tm) =	ssettm $0x1  }
0x97: {  	s18 =	sld [smem:$0x3FFB];
	_ =	sdelay $0x3  }
0x98: {  	_ =	strace s18  }
0x99: {  	s4 =	sld [smem:$0x3FFC];
	_ =	sdelay $0x3  }
0x9a: {  	_ =	strace s4  }
0x9b: {  	s4 =	sld [smem:$0x3FFD];
	_ =	sdelay $0x3  }
0x9c: {  	_ =	strace s4  }
0x9d: {  	_ =	strace $0x8FFFFFFF  }
0x9e: {  	s19 =	sld [smem:$0x3FDB];
	_ =	sdelay $0x1  }
0x9f: {  	s5 =	simm.s32 $_scs_section_size  }
0xa0: {  	s6 =	simm.s32 $_size__tile_overlayer_lowered;
	s7 =	simm.s32 $_tile_overlayer_lowered  }
0xa1: {  	s22 =	simm.s32 $0x1BFF;
	s21 =	sshll.u32 s7, $0x1;
	s4 =	sadd.s32 s5, s19  }
0xa2: {  	s8 =	simm.s32 $0x0;
	s20 =	sshll.u32 s6, $0x1;
	s6 =	sadd.s32 s21, s4  }
0xa3: {  	[timem:s8], [sflag:s22] =	dma.local [hbm:s6], s20  }
0xa4: {  	_ =	swait.ge [sflag:s22], s20  }
0xa5: {  	s5 =	ssub.s32 $0x0, s20;
	[sflag:s22] =	ssyncset.done $0x0  }
0xa6: {  	[sflag:s22] =	ssyncadd.s32 s5;
	_ =	sdelay $0x1  }
0xa7: {  	s23 =	simm.s32 $0x1B8B  }
0xa8: {  	_ =	swait.ge [sflag:s23], $0x1  }
0xa9: {  	[sflag:s23] =	ssyncset.done $0x0  }
0xaa: {  	s25 =	simm.s32 $0x1B8E;
	s24 =	sld [smem:$0x3FFE];
	[sflag:s23] =	ssyncadd.s32 $0xFFFFFFFF  }
0xab: {  	s26 =	simm.s32 $execute0_lowered;
	[smem:$0x3FD2] =	sst s25  }
0xac: {  	s6 =	sshll.u32 s26, $0x1;
	_ =	strace $0x80000046;
	[dreg:$0x1] =	wrdreg $0xFFFFFFFF  }
0xad: {  	s28 =	simm.s32 $_size_execute0_lowered;
	s4 =	sadd.s32 s4, s6;
	[dreg:$0x0] =	wrdreg $0x0  }
0xae: {  	s6 =	sshll.u32 s28, $0x1;
	[dreg:$0x2] =	wrdreg s4  }
0xaf: {  	[dreg:$0x3] =	wrdreg s6  }
0xb0: {  	[dreg:$0x4] =	wrdreg $0xC0  }
0xb1: {  	_ =	task [dreg:s8], $0x5FFFF  }
0xb2: {  	[dreg:$0x1] =	wrdreg $0xFFFFFFFF  }
0xb3: {  	[dreg:$0x0] =	wrdreg $0x60  }
0xb4: {  	[dreg:$0x2] =	wrdreg s16  }
0xb5: {  	[dreg:$0x3] =	wrdreg s17  }
0xb6: {  	[dreg:$0x4] =	wrdreg s24  }
0xb7: {  	[dreg:$0x5] =	wrdreg $0x9  }
0xb8: {  	_ =	task.clear_ibuf [dreg:s8], $0x6FFFF;
	_ =	strace $0x90000046  }
0xb9: {  	s29 =	simm.s32 $0x9;
	_ =	strace $0x80000048  }
0xba: {  	_ =	swait.ge [sflag:s29], $0x1  }
0xbb: {  	[sflag:s29] =	ssyncadd.s32 $0xFFFFFFFF  }
0xbc: {  	_ =	strace $0x90000048  }
0xbd: {  	_ =	sfence  }
0xbe: {  	s30 =	sld [smem:$0x0];
	_ =	sdelay $0x2  }
0xbf: {  	s31 =	sshll.u32 s1, $0xD;
	s1 =	sshrl.u32 s1, $0x2  }
0xc0: {  	s3 =	sand.u32 $0x4000, s31;
	s1 =	sadd.s32 s1, s30  }
0xc1: {  	s0 =	sor.u32 s3, s0;
	s1 =	sshll.u32 s1, $0x11  }
0xc2: {  	s0 =	sor.u32 s1, s0  }
0xc3: {  	s0 =	sadd.s32 $0x8F2B, s0  }
0xc4: {  	[sflag:s0] =	ssyncadd.remote.s32 $0x1  }
0xc5: {  	_ =	sfence.sel $0xFFFF  }
0xc6: {  	[dreg:$0x0] =	wrdreg $0xFFFFFFFF;
	(pc) =	sbr.abs _section_cstart, $3  }
0xc7: {  	[dreg:$0x1] =	wrdreg $0xFFFFFFFF  }
0xc8: {  	_ =	task.clear_ibuf [dreg:s8], $0x2FFFF;
	_ =	strace $0x9FFFFFFF  }
0xc9: {  	(tm) =	ssettm $0x7FFFFFFF  }
tec
execute0_lowered:
.L_overlay_start_1:
0x0: {  	(tag) =	ssettag $0x1  }
0x1: {  	s1 =	rddreg [dreg:$0x0]  }
0x2: {  	s3 =	rddreg [dreg:$0x1]  }
0x3: {  	s10 =	rddreg [dreg:$0x2];
	s4 =	srdreg.scid  }
0x4: {  	s2 =	stileid.u32;
	s0 =	rddreg [dreg:$0x3];
	s14 =	simm.s32 $0x100  }
0x5: {  	s15 =	simm.s32 $0x4100;
	s16 =	simm.s32 $0x1;
	s17 =	simm.s32 $0x2  }
0x6: {  	s18 =	simm.s32 $0x8100;
	s19 =	simm.s32 $0x8300;
	s20 =	simm.s32 $0x400  }
0x7: {  	s21 =	simm.s32 $0x0;
	s9 =	sand.u32 $0x1, s4;
	s5 =	sshll.u32 s2, $0x1  }
0x8: {  	s4 =	simm.s32 $0x0;
	s6 =	sshrl.u32 s2, $0x2;
	s7 =	sadd.s32 $0x3A00, s10  }
0x9: {  	p0 =	seq.s32 s2, $0x0;
	s5 =	sor.u32 s9, s5;
	[smem:$0x7FF] =	sst s4  }
0xa: {  	s8 =	smul.u32 $0x50000, s6;
	s6 =	sadd.s32 $0x8A00, s10;
	s30 =	sshll.u32 s5, $0x7  }
0xb: {  	s12 =	ssub.s32 $0x2, s9;
	s9 =	simm.s32 $0x28;
	s11 =	sand.u32 $0x380, s30  }
0xc: {  	_ =	strace $0x80000047;
	s13 =	sshrl.u32 s12, $0x1;
	s11 =	sor.u32 s8, s11  }
0xd: {  	s9 =	simm.s32 @!p0 $0x27;
	s31 =	ssub.s32 s12, s13;
	s11 =	sshrl.u32 s11, $0x3  }
0xe: {  	s12 =	simm.s32 $0x3;
	s8 =	sadd.s32 $0x35A00, s10;
	s10 =	sadd.s32 s11, s10  }
0xf: {  	v0 =	vimm.f32 $0.0e+00;
	v1 =	vlaneseq.u32;
	s13 =	simm.s32 $0x80;
	s11 =	smax.u32 s31, $0x1;
	s10 =	sadd.s32 $0xDA00, s10  }
.LBB2_1:
0x10: {  	s22 =	simm.s32 $0x40;
	s23 =	simm.s32 $0x0  }
.LBB2_2:
0x11: {  	p0 =	sne.s32 s22, $0x27FC0;
	[tilespmem:s23+$0x8300] =	vst v0;
	s23 =	smov.u32 s22;
	s22 =	sadd.s32 $0x40, s22  }
.Ltmp0:
0x12: {  	(pc) =	sbr.rel @p0 .LBB2_2-.Ltmp0, $2  }
0x13: {  	_ =	sdelay $0x2  }
0x14: {  	s23 =	sshra.s32 s23, $0x2  }
0x15: {  	[tilespmem:s23+$0x8300] =	vst v0;
	s22 =	simm.s32 $0x0;
	s23 =	simm.s32 $0x0  }
.LBB2_4:
0x16: {  	s24 =	sshll.u32 s23, $0x5  }
0x17: {  	s24 =	sor.u32 s5, s24  }
0x18: {  	s25 =	sshll.u32 s24, $0x4  }
0x19: {  	s26 =	sadd.s32 s7, s25  }
0x1a: {  	[tilespmem:s22], [sflag:$0x3] =	stream.linear.gather [hbm4b:s26+s22], $0x80, $0x38;
	[tilespmem:$0x12300] =	vst v63  }
0x1b: {  	_ =	swait.ge [sflag:s12], $0x80  }
0x1c: {  	[sflag:s12] =	ssyncset.done $0x0  }
0x1d: {  	s25 =	sadd.s32 s6, s25;
	[sflag:s12] =	ssyncadd.s32 $0xFFFFFF80  }
0x1e: {  	[tilespmem:s13], [sflag:$0x3] =	stream.linear.gather [hbm4b:s25+s22], $0x80, $0x38;
	[tilespmem:$0x12300] =	vst v63  }
0x1f: {  	_ =	swait.ge [sflag:s12], $0x80  }
0x20: {  	[sflag:s12] =	ssyncset.done $0x0  }
0x21: {  	[sflag:s12] =	ssyncadd.s32 $0xFFFFFF80  }
0x22: {  	[tilespmem:s14], [sflag:$0x1] =	stream.indirect.gather [hbm4b:s1+s13], $0x80, s22, s13, $0xb8;
	[tilespmem:$0x12300] =	vst v63  }
0x23: {  	_ = 	snop  }
0x24: {  	[tilespmem:s15], [sflag:$0x2] =	stream.indirect.gather [hbm4b:s3+s13], $0x80, s13, s13, $0xb8;
	[tilespmem:$0x12300] =	vst v63  }
0x25: {  	_ =	swait.ge [sflag:s16], $0x4000  }
0x26: {  	[sflag:s16] =	ssyncset.done $0x0  }
0x27: {  	[sflag:s16] =	ssyncadd.s32 $0xFFFFC000  }
0x28: {  	_ =	swait.ge [sflag:s17], $0x4000  }
0x29: {  	[sflag:s17] =	ssyncset.done $0x0  }
0x2a: {  	s25 =	simm.s32 $0x0;
	[sflag:s17] =	ssyncadd.s32 $0xFFFFC000  }
.LBB2_5:
0x2b: {  	s26 =	simm.s32 $0x0  }
0x2c: {  	v2 =	vmov s26  }
0x2d: {  	s29 =	sshll.u32 s25, $0x4;
	s28 =	simm.s32 $0x1;
	v2 =	vand.u32 $0x78, v2  }
0x2e: {  	v3 =	vor.u32 s29, v1;
	v4 =	vmov s28;
	v5 =	vbroadcast v2, $0x0  }
0x2f: {  	s28 =	simm.s32 $0x2;
	v4 =	vand.u32 $0x79, v4;
	v2 =	vshll.u32 v3, $0x7  }
0x30: {  	v6 =	vmov s28;
	v4 =	vbroadcast v4, $0x0;
	v5 =	vor.u32 v2, v5  }
0x31: {  	s28 =	simm.s32 $0x3;
	v6 =	vand.u32 $0x7A, v6  }
0x32: {  	v7 =	vmov s28;
	v6 =	vbroadcast v6, $0x0;
	v8 =	vor.u32 v2, v4  }
0x33: {  	s28 =	simm.s32 $0x4;
	v7 =	vand.u32 $0x7B, v7  }
0x34: {  	v9 =	vmov s28;
	v4 =	vld [tilespmem:s29+$0x0];
	v7 =	vbroadcast v7, $0x0;
	v10 =	vor.u32 v2, v6  }
0x35: {  	s30 =	simm.s32 $0x5;
	v6 =	vand.u32 $0x7C, v9;
	v12 =	vld.idx.msk [tilespmem:v5+s14+$0x0], $0xffff  }
0x36: {  	v6 =	vbroadcast v6, $0x0;
	v17 =	vor.u32 v2, v7;
	v7 =	vmov s30;
	v14 =	vld.idx.msk [tilespmem:v5+s15+$0x0], $0xffff  }
0x37: {  	s31 =	simm.s32 $0x6;
	v7 =	vand.u32 $0x7D, v7;
	v5 =	vld.idx.msk [tilespmem:v8+s14+$0x0], $0xffff  }
0x38: {  	v11 =	vmov s31;
	s26 =	simm.s32 $0x8;
	s28 =	simm.s32 $0x7;
	v9 =	vor.u32 v2, v6;
	v7 =	vbroadcast v7, $0x0;
	v8 =	vld.idx.msk [tilespmem:v8+s15+$0x0], $0xffff  }
0x39: {  	v11 =	vand.u32 $0x7E, v11;
	v16 =	vmov s26;
	v13 =	vmov s28;
	v6 =	vld.idx.msk [tilespmem:v10+s14+$0x0], $0xffff  }
0x3a: {  	v18 =	vbroadcast v11, $0x0;
	s28 =	simm.s32 $0x9;
	v19 =	vand.u32 $0x7F, v13;
	v13 =	vld.idx.msk [tilespmem:v10+s15+$0x0], $0xffff;
	v11 =	vor.u32 v2, v7  }
0x3b: {  	v15 =	vimm.f32 $0.0e+00;
	v21 =	vmov s28;
	v10 =	vand.u32 $0x78, v16;
	v7 =	vld.idx.msk [tilespmem:v17+s14+$0x0], $0xffff  }
0x3c: {  	s28 =	simm.s32 $0xA;
	v16 =	vbroadcast v19, $0x0;
	v20 =	vmul.f32 v14, v12;
	v14 =	vld.idx.msk [tilespmem:v17+s15+$0x0], $0xffff;
	v12 =	vor.u32 v2, v18  }
0x3d: {  	v19 =	vand.u32 $0x79, v21;
	v17 =	vbroadcast v10, $0x0;
	v18 =	vmov s28;
	s28 =	simm.s32 $0x10;
	v10 =	vld.idx.msk [tilespmem:v9+s14+$0x0], $0xffff  }
.LBB2_6:
0x3e: {  	p0 =	slt.u32 s28, $0x18;
	s29 =	sadd.s32 $0x3, s26;
	v15 =	vadd.f32 v20, v15;
	v5 =	vmul.f32 v8, v5;
	v8 =	vld.idx.msk [tilespmem:v9+s15+$0x0], $0xffff;
	v9 =	vor.u32 v2, v16  }
0x3f: {  	v16 =	vbroadcast v19, $0x0;
	v18 =	vand.u32 $0x7A, v18;
	v19 =	vmov s29;
	v20 =	vld.idx.msk [tilespmem:v11+s14+$0x0], $0xffff  }
0x40: {  	v17 =	vor.u32 v2, v17;
	s29 =	sadd.s32 $0x4, s26;
	v6 =	vmul.f32 v13, v6;
	v5 =	vadd.f32 v5, v15;
	v11 =	vld.idx.msk [tilespmem:v11+s15+$0x0], $0xffff  }
0x41: {  	v13 =	vbroadcast v18, $0x0;
	v15 =	vand.u32 $0x7B, v19;
	v18 =	vmov s29;
	v19 =	vld.idx.msk [tilespmem:v12+s14+$0x0], $0xffff  }
0x42: {  	v16 =	vor.u32 v2, v16;
	s29 =	sadd.s32 $0x5, s26;
	v5 =	vadd.f32 v6, v5;
	v6 =	vmul.f32 v14, v7;
	v7 =	vld.idx.msk [tilespmem:v12+s15+$0x0], $0xffff  }
0x43: {  	v12 =	vbroadcast v15, $0x0;
	v14 =	vand.u32 $0x7C, v18;
	v15 =	vmov s29;
	v18 =	vld.idx.msk [tilespmem:v9+s14+$0x0], $0xffff  }
0x44: {  	v13 =	vor.u32 v2, v13;
	s29 =	sadd.s32 $0x6, s26;
	v5 =	vadd.f32 v6, v5;
	v6 =	vmul.f32 v8, v10;
	v10 =	vld.idx.msk [tilespmem:v9+s15+$0x0], $0xffff  }
0x45: {  	v9 =	vbroadcast v14, $0x0;
	v8 =	vand.u32 $0x7D, v15;
	v14 =	vmov s29;
	v21 =	vld.idx.msk [tilespmem:v17+s14+$0x0], $0xffff  }
0x46: {  	v12 =	vor.u32 v2, v12;
	s29 =	sadd.s32 $0x7, s26;
	s26 =	smov.u32 s28;
	v11 =	vmul.f32 v11, v20;
	v15 =	vld.idx.msk [tilespmem:v17+s15+$0x0], $0xffff;
	v6 =	vadd.f32 v6, v5  }
0x47: {  	v14 =	vand.u32 $0x7E, v14;
	v20 =	vmov s29;
	v17 =	vbroadcast v8, $0x0;
	v5 =	vld.idx.msk [tilespmem:v16+s14+$0x0], $0xffff  }
0x48: {  	v9 =	vor.u32 v2, v9;
	v7 =	vmul.f32 v7, v19;
	v8 =	vld.idx.msk [tilespmem:v16+s15+$0x0], $0xffff;
	v16 =	vadd.f32 v11, v6  }
.Ltmp1:
0x49: {  	v22 =	vbroadcast v14, $0x0;
	v14 =	vand.u32 $0x7F, v20;
	v19 =	vmov s28;
	v6 =	vld.idx.msk [tilespmem:v13+s14+$0x0], $0xffff;
	(pc) =	sbr.rel @p0 .LBB2_6-.Ltmp1, $4  }
0x4a: {  	s29 =	sadd.s32 $0x1, s28;
	v11 =	vor.u32 v2, v17;
	v10 =	vmul.f32 v10, v18;
	v13 =	vld.idx.msk [tilespmem:v13+s15+$0x0], $0xffff;
	v17 =	vadd.f32 v7, v16  }
0x4b: {  	v18 =	vand.u32 $0x78, v19;
	v19 =	vmov s29;
	v16 =	vbroadcast v14, $0x0;
	v7 =	vld.idx.msk [tilespmem:v12+s14+$0x0], $0xffff  }
0x4c: {  	s29 =	sadd.s32 $0x2, s28;
	v20 =	vmul.f32 v15, v21;
	v14 =	vld.idx.msk [tilespmem:v12+s15+$0x0], $0xffff;
	v12 =	vor.u32 v2, v22;
	v15 =	vadd.f32 v10, v17  }
0x4d: {  	s28 =	sadd.s32 $0x8, s28;
	v19 =	vand.u32 $0x79, v19;
	v17 =	vbroadcast v18, $0x0;
	v18 =	vmov s29;
	v10 =	vld.idx.msk [tilespmem:v9+s14+$0x0], $0xffff  }
0x4e: {  	_ =	sdelay $0x2  }
0x4f: {  	v15 =	vadd.f32 v20, v15;
	v5 =	vmul.f32 v8, v5  }
0x50: {  	v8 =	vld.idx.msk [tilespmem:v9+s15+$0x0], $0xffff;
	v9 =	vor.u32 v2, v16  }
0x51: {  	v16 =	vld.idx.msk [tilespmem:v11+s14+$0x0], $0xffff;
	v6 =	vmul.f32 v13, v6;
	v5 =	vadd.f32 v5, v15  }
0x52: {  	v11 =	vld.idx.msk [tilespmem:v11+s15+$0x0], $0xffff;
	v13 =	vbroadcast v19, $0x0;
	v15 =	vor.u32 v2, v17  }
0x53: {  	s28 =	sadd.s32 $0x3, s26;
	v17 =	vand.u32 $0x7A, v18;
	v18 =	vld.idx.msk [tilespmem:v12+s14+$0x0], $0xffff;
	v5 =	vadd.f32 v6, v5;
	v6 =	vmul.f32 v14, v7  }
0x54: {  	v12 =	vld.idx.msk [tilespmem:v12+s15+$0x0], $0xffff;
	v13 =	vor.u32 v2, v13;
	v7 =	vmov s28;
	v14 =	vbroadcast v17, $0x0  }
0x55: {  	s31 =	sadd.s32 $0x4, s26;
	v7 =	vand.u32 $0x7B, v7;
	v17 =	vld.idx.msk [tilespmem:v9+s14+$0x0], $0xffff;
	v5 =	vadd.f32 v6, v5;
	v6 =	vmul.f32 v8, v10  }
0x56: {  	v9 =	vld.idx.msk [tilespmem:v9+s15+$0x0], $0xffff;
	v8 =	vmov s31;
	v7 =	vbroadcast v7, $0x0;
	v10 =	vor.u32 v2, v14  }
0x57: {  	s29 =	sadd.s32 $0x5, s26;
	v8 =	vand.u32 $0x7C, v8;
	v14 =	vld.idx.msk [tilespmem:v15+s14+$0x0], $0xffff;
	v5 =	vadd.f32 v6, v5;
	v6 =	vmul.f32 v11, v16  }
0x58: {  	v15 =	vld.idx.msk [tilespmem:v15+s15+$0x0], $0xffff;
	v11 =	vmov s29;
	v8 =	vbroadcast v8, $0x0;
	v7 =	vor.u32 v2, v7  }
0x59: {  	s30 =	sadd.s32 $0x6, s26;
	v16 =	vld.idx.msk [tilespmem:v13+s14+$0x0], $0xffff;
	v11 =	vand.u32 $0x7D, v11;
	v5 =	vadd.f32 v6, v5;
	v6 =	vmul.f32 v12, v18  }
0x5a: {  	v13 =	vld.idx.msk [tilespmem:v13+s15+$0x0], $0xffff;
	v12 =	vmov s30;
	v11 =	vbroadcast v11, $0x0;
	v8 =	vor.u32 v2, v8  }
0x5b: {  	s31 =	sadd.s32 $0x7, s26;
	v12 =	vand.u32 $0x7E, v12;
	v18 =	vld.idx.msk [tilespmem:v10+s14+$0x0], $0xffff;
	v5 =	vadd.f32 v6, v5;
	v6 =	vmul.f32 v9, v17  }
0x5c: {  	v10 =	vld.idx.msk [tilespmem:v10+s15+$0x0], $0xffff;
	v9 =	vmov s31;
	v12 =	vbroadcast v12, $0x0;
	v11 =	vor.u32 v2, v11  }
0x5d: {  	v14 =	vmul.f32 v15, v14;
	v9 =	vand.u32 $0x7F, v9;
	v17 =	vld.idx.msk [tilespmem:v7+s14+$0x0], $0xffff;
	v5 =	vadd.f32 v6, v5  }
0x5e: {  	v7 =	vld.idx.msk [tilespmem:v7+s15+$0x0], $0xffff;
	v6 =	vbroadcast v9, $0x0;
	v9 =	vor.u32 v2, v12  }
0x5f: {  	v13 =	vmul.f32 v13, v16;
	v12 =	vld.idx.msk [tilespmem:v8+s14+$0x0], $0xffff;
	v5 =	vadd.f32 v14, v5  }
0x60: {  	v8 =	vld.idx.msk [tilespmem:v8+s15+$0x0], $0xffff;
	v6 =	vor.u32 v2, v6  }
0x61: {  	v10 =	vmul.f32 v10, v18;
	v14 =	vld.idx.msk [tilespmem:v11+s14+$0x0], $0xffff;
	v5 =	vadd.f32 v13, v5  }
0x62: {  	v11 =	vld.idx.msk [tilespmem:v11+s15+$0x0], $0xffff  }
0x63: {  	v7 =	vmul.f32 v7, v17;
	v13 =	vld.idx.msk [tilespmem:v9+s14+$0x0], $0xffff;
	v5 =	vadd.f32 v10, v5  }
0x64: {  	v9 =	vld.idx.msk [tilespmem:v9+s15+$0x0], $0xffff  }
0x65: {  	v10 =	vld.idx.msk [tilespmem:v6+s14+$0x0], $0xffff;
	v5 =	vadd.f32 v7, v5;
	v7 =	vmul.f32 v8, v12  }
0x66: {  	v6 =	vld.idx.msk [tilespmem:v6+s15+$0x0], $0xffff  }
0x67: {  	v5 =	vadd.f32 v7, v5;
	v7 =	vmul.f32 v11, v14;
	_ =	sdelay $0x1  }
0x68: {  	v5 =	vadd.f32 v7, v5;
	v7 =	vmul.f32 v9, v13;
	_ =	sdelay $0x1  }
0x69: {  	v6 =	vmul.f32 v6, v10;
	v5 =	vadd.f32 v7, v5;
	_ =	sdelay $0x1  }
0x6a: {  	v5 =	vadd.f32 v6, v5;
	_ =	sdelay $0x1  }
0x6b: {  	v5 =	vmul.f32 $1.767766920e-01, v5;
	_ =	sdelay $0x1  }
0x6c: {  	v5 =	vmax.f32 v5, $-1.000000000e+01  }
0x6d: {  	v5 =	vmin.f32 v5, $1.000000000e+01  }
0x6e: {  	v5 =	vmul.f32 $1.442695020e+00, v5;
	_ =	sdelay $0x1  }
0x6f: {  	(erf) = vpow2.f32 v5;
	_ =	sdelay $0x1  }
0x70: {  	s28 =	simm.s32 $0x20  }
0x71: {  	v5 =	vmov s28  }
0x72: {  	s29 =	simm.s32 $0x21;
	v5 =	vand.u32 $0x78, v5  }
0x73: {  	v3 =	vshll.u32 v3, $0x2;
	s30 =	simm.s32 $0x22;
	v6 =	vmov s29;
	v5 =	vbroadcast v5, $0x0  }
0x74: {  	v4 =	vshll.u32 v4, $0x2;
	v7 =	vmov s30;
	v6 =	vand.u32 $0x79, v6  }
0x75: {  	v7 =	vand.u32 $0x7A, v7;
	v6 =	vbroadcast v6, $0x0;
	v5 =	vor.u32 v2, v5  }
0x76: {  	v7 =	vbroadcast v7, $0x0  }
0x77: {  	s31 =	simm.s32 $0x23;
	v6 =	vor.u32 v2, v6;
	v8 =	vpop (erf)  }
0x78: {  	v9 =	vmov s31;
	v7 =	vor.u32 v2, v7;
	[tilespmem:v3+s18+$0x0] =	vst.idx.msk $0xffff, v8  }
0x79: {  	v9 =	vand.u32 $0x7B, v9;
	s29 =	simm.s32 $0x25;
	[tilespmem:v4+s19+$0x0] =	vst.idx.add.f32.msk $0xffff, v8  }
0x7a: {  	v9 =	vbroadcast v9, $0x0;
	v11 =	vmov s29;
	s28 =	simm.s32 $0x24;
	v10 =	vld.idx.msk [tilespmem:v5+s14+$0x0], $0xffff  }
0x7b: {  	v11 =	vand.u32 $0x7D, v11;
	v8 =	vmov s28;
	v5 =	vld.idx.msk [tilespmem:v5+s15+$0x0], $0xffff  }
0x7c: {  	v9 =	vor.u32 v2, v9;
	v11 =	vbroadcast v11, $0x0;
	v8 =	vand.u32 $0x7C, v8;
	v12 =	vld.idx.msk [tilespmem:v6+s14+$0x0], $0xffff  }
0x7d: {  	s30 =	simm.s32 $0x26;
	v16 =	vld.idx.msk [tilespmem:v7+s14+$0x0], $0xffff;
	v8 =	vbroadcast v8, $0x0  }
0x7e: {  	s31 =	simm.s32 $0x27;
	v13 =	vmov s30;
	v11 =	vor.u32 v2, v11;
	v7 =	vld.idx.msk [tilespmem:v7+s15+$0x0], $0xffff  }
0x7f: {  	v15 =	vmov s31;
	v13 =	vand.u32 $0x7E, v13;
	v6 =	vld.idx.msk [tilespmem:v6+s15+$0x0], $0xffff;
	v8 =	vor.u32 v2, v8  }
0x80: {  	v14 =	vimm.f32 $0.0e+00;
	v15 =	vand.u32 $0x7F, v15;
	v13 =	vbroadcast v13, $0x0;
	s29 =	simm.s32 $0x29;
	s28 =	simm.s32 $0x28  }
0x81: {  	v15 =	vbroadcast v15, $0x0;
	v18 =	vmov s29;
	v17 =	vmov s28;
	v19 =	vld.idx.msk [tilespmem:v9+s14+$0x0], $0xffff  }
0x82: {  	v13 =	vor.u32 v2, v13;
	v17 =	vand.u32 $0x78, v17;
	v5 =	vmul.f32 v5, v10;
	v10 =	vld.idx.msk [tilespmem:v9+s15+$0x0], $0xffff  }
0x83: {  	v9 =	vbroadcast v17, $0x0;
	v17 =	vand.u32 $0x79, v18;
	v7 =	vmul.f32 v7, v16;
	v16 =	vld.idx.msk [tilespmem:v11+s15+$0x0], $0xffff  }
0x84: {  	s31 =	simm.s32 $0x2B;
	s30 =	simm.s32 $0x2A;
	v6 =	vmul.f32 v6, v12;
	v5 =	vadd.f32 v5, v14;
	v14 =	vor.u32 v2, v15;
	v20 =	vld.idx.msk [tilespmem:v8+s14+$0x0], $0xffff  }
0x85: {  	v18 =	vmov s30;
	v12 =	vbroadcast v17, $0x0;
	v17 =	vmov s31;
	v8 =	vld.idx.msk [tilespmem:v8+s15+$0x0], $0xffff  }
0x86: {  	v15 =	vand.u32 $0x7A, v18;
	v18 =	vld.idx.msk [tilespmem:v11+s14+$0x0], $0xffff;
	v21 =	vor.u32 v2, v9;
	v6 =	vadd.f32 v6, v5  }
0x87: {  	s28 =	simm.s32 $0x2C;
	v11 =	vbroadcast v15, $0x0;
	v15 =	vand.u32 $0x7B, v17;
	v9 =	vor.u32 v2, v12;
	v12 =	vld.idx.msk [tilespmem:v13+s15+$0x0], $0xffff  }
0x88: {  	s29 =	simm.s32 $0x2D;
	v17 =	vmov s28;
	v5 =	vld.idx.msk [tilespmem:v13+s14+$0x0], $0xffff;
	v19 =	vmul.f32 v10, v19;
	v6 =	vadd.f32 v7, v6  }
0x89: {  	v22 =	vbroadcast v15, $0x0;
	v13 =	vand.u32 $0x7C, v17;
	v17 =	vmov s29;
	v7 =	vld.idx.msk [tilespmem:v14+s14+$0x0], $0xffff  }
0x8a: {  	s30 =	simm.s32 $0x2E;
	v10 =	vor.u32 v2, v11;
	v14 =	vld.idx.msk [tilespmem:v14+s15+$0x0], $0xffff;
	v19 =	vadd.f32 v19, v6;
	v8 =	vmul.f32 v8, v20  }
0x8b: {  	v23 =	vmov s30;
	v15 =	vbroadcast v13, $0x0;
	v17 =	vand.u32 $0x7D, v17;
	v13 =	vld.idx.msk [tilespmem:v21+s15+$0x0], $0xffff  }
0x8c: {  	s31 =	simm.s32 $0x2F;
	v11 =	vor.u32 v2, v22;
	v6 =	vld.idx.msk [tilespmem:v21+s14+$0x0], $0xffff;
	v20 =	vmul.f32 v16, v18;
	v19 =	vadd.f32 v8, v19  }
0x8d: {  	s26 =	simm.s32 $0x8;
	v16 =	vbroadcast v17, $0x0;
	v18 =	vand.u32 $0x7E, v23;
	v17 =	vmov s31;
	v8 =	vld.idx.msk [tilespmem:v9+s14+$0x0], $0xffff  }
.LBB2_8:
0x8e: {  	s29 =	sadd.s32 $0x28, s26;
	v9 =	vld.idx.msk [tilespmem:v9+s15+$0x0], $0xffff;
	v15 =	vor.u32 v2, v15;
	v19 =	vadd.f32 v20, v19;
	v5 =	vmul.f32 v12, v5;
	s28 =	smov.u32 s26  }
0x8f: {  	v18 =	vbroadcast v18, $0x0;
	v17 =	vand.u32 $0x7F, v17;
	v12 =	vmov s29;
	v20 =	vld.idx.msk [tilespmem:v10+s14+$0x0], $0xffff  }
0x90: {  	s29 =	sadd.s32 $0x29, s26;
	v16 =	vor.u32 v2, v16;
	v7 =	vmul.f32 v14, v7;
	v10 =	vld.idx.msk [tilespmem:v10+s15+$0x0], $0xffff;
	v5 =	vadd.f32 v5, v19  }
0x91: {  	v17 =	vbroadcast v17, $0x0;
	v12 =	vand.u32 $0x78, v12;
	v14 =	vmov s29;
	v19 =	vld.idx.msk [tilespmem:v11+s14+$0x0], $0xffff  }
0x92: {  	s26 =	sadd.s32 $0x8, s26;
	s29 =	sadd.s32 $0x2A, s28;
	v6 =	vmul.f32 v13, v6;
	v13 =	vor.u32 v2, v18;
	v11 =	vld.idx.msk [tilespmem:v11+s15+$0x0], $0xffff;
	v5 =	vadd.f32 v7, v5  }
0x93: {  	p0 =	slt.u32 s26, $0x18;
	v7 =	vbroadcast v12, $0x0;
	v12 =	vand.u32 $0x79, v14;
	v14 =	vmov s29;
	v18 =	vld.idx.msk [tilespmem:v15+s14+$0x0], $0xffff  }
0x94: {  	s29 =	sadd.s32 $0x2B, s28;
	v5 =	vadd.f32 v6, v5;
	v6 =	vmul.f32 v9, v8;
	v8 =	vld.idx.msk [tilespmem:v15+s15+$0x0], $0xffff;
	v15 =	vor.u32 v2, v17  }
0x95: {  	v9 =	vbroadcast v12, $0x0;
	v12 =	vand.u32 $0x7A, v14;
	v14 =	vmov s29;
	v17 =	vld.idx.msk [tilespmem:v16+s14+$0x0], $0xffff  }
0x96: {  	v21 =	vor.u32 v2, v7;
	s29 =	sadd.s32 $0x2C, s28;
	v7 =	vmul.f32 v10, v20;
	v6 =	vadd.f32 v6, v5;
	v16 =	vld.idx.msk [tilespmem:v16+s15+$0x0], $0xffff  }
0x97: {  	v10 =	vbroadcast v12, $0x0;
	v14 =	vand.u32 $0x7B, v14;
	v20 =	vmov s29;
	v5 =	vld.idx.msk [tilespmem:v13+s14+$0x0], $0xffff  }
0x98: {  	s29 =	sadd.s32 $0x2D, s28;
	v9 =	vor.u32 v2, v9;
	v11 =	vmul.f32 v11, v19;
	v6 =	vadd.f32 v7, v6;
	v12 =	vld.idx.msk [tilespmem:v13+s15+$0x0], $0xffff  }
.Ltmp2:
0x99: {  	v19 =	vbroadcast v14, $0x0;
	v13 =	vand.u32 $0x7C, v20;
	v20 =	vmov s29;
	v7 =	vld.idx.msk [tilespmem:v15+s14+$0x0], $0xffff;
	(pc) =	sbr.rel @p0 .LBB2_8-.Ltmp2, $4  }
0x9a: {  	v10 =	vor.u32 v2, v10;
	s29 =	sadd.s32 $0x2E, s28;
	v8 =	vmul.f32 v8, v18;
	v22 =	vadd.f32 v11, v6;
	v14 =	vld.idx.msk [tilespmem:v15+s15+$0x0], $0xffff  }
0x9b: {  	v18 =	vand.u32 $0x7D, v20;
	v23 =	vmov s29;
	v15 =	vbroadcast v13, $0x0;
	v6 =	vld.idx.msk [tilespmem:v21+s14+$0x0], $0xffff  }
0x9c: {  	s28 =	sadd.s32 $0x2F, s28;
	v11 =	vor.u32 v2, v19;
	v20 =	vmul.f32 v16, v17;
	v13 =	vld.idx.msk [tilespmem:v21+s15+$0x0], $0xffff;
	v19 =	vadd.f32 v8, v22  }
0x9d: {  	v16 =	vbroadcast v18, $0x0;
	v18 =	vand.u32 $0x7E, v23;
	v17 =	vmov s28;
	v8 =	vld.idx.msk [tilespmem:v9+s14+$0x0], $0xffff  }
0x9e: {  	_ =	sdelay $0x2  }
0x9f: {  	v19 =	vadd.f32 v20, v19;
	v5 =	vmul.f32 v12, v5  }
0xa0: {  	v9 =	vld.idx.msk [tilespmem:v9+s15+$0x0], $0xffff;
	v12 =	vor.u32 v2, v15  }
0xa1: {  	v15 =	vld.idx.msk [tilespmem:v10+s14+$0x0], $0xffff;
	v7 =	vmul.f32 v14, v7;
	v5 =	vadd.f32 v5, v19  }
0xa2: {  	v10 =	vld.idx.msk [tilespmem:v10+s15+$0x0], $0xffff;
	v14 =	vbroadcast v18, $0x0;
	v16 =	vor.u32 v2, v16  }
0xa3: {  	v17 =	vand.u32 $0x7F, v17;
	v18 =	vld.idx.msk [tilespmem:v11+s14+$0x0], $0xffff;
	v6 =	vmul.f32 v13, v6;
	v5 =	vadd.f32 v7, v5  }
0xa4: {  	v11 =	vld.idx.msk [tilespmem:v11+s15+$0x0], $0xffff;
	v13 =	vor.u32 v2, v14;
	v7 =	vbroadcast v17, $0x0  }
0xa5: {  	v14 =	vld.idx.msk [tilespmem:v12+s14+$0x0], $0xffff;
	v5 =	vadd.f32 v6, v5;
	v6 =	vmul.f32 v9, v8  }
0xa6: {  	v8 =	vld.idx.msk [tilespmem:v12+s15+$0x0], $0xffff;
	v7 =	vor.u32 v2, v7  }
0xa7: {  	v9 =	vld.idx.msk [tilespmem:v16+s14+$0x0], $0xffff;
	v5 =	vadd.f32 v6, v5;
	v6 =	vmul.f32 v10, v15  }
0xa8: {  	v10 =	vld.idx.msk [tilespmem:v16+s15+$0x0], $0xffff  }
0xa9: {  	v12 =	vld.idx.msk [tilespmem:v13+s14+$0x0], $0xffff;
	v5 =	vadd.f32 v6, v5;
	v6 =	vmul.f32 v11, v18  }
0xaa: {  	v11 =	vld.idx.msk [tilespmem:v13+s15+$0x0], $0xffff  }
0xab: {  	v13 =	vld.idx.msk [tilespmem:v7+s14+$0x0], $0xffff;
	v5 =	vadd.f32 v6, v5;
	v6 =	vmul.f32 v8, v14  }
0xac: {  	v7 =	vld.idx.msk [tilespmem:v7+s15+$0x0], $0xffff  }
0xad: {  	v5 =	vadd.f32 v6, v5;
	v6 =	vmul.f32 v10, v9;
	_ =	sdelay $0x1  }
0xae: {  	v5 =	vadd.f32 v6, v5;
	v6 =	vmul.f32 v11, v12;
	_ =	sdelay $0x1  }
0xaf: {  	v5 =	vadd.f32 v6, v5;
	v6 =	vmul.f32 v7, v13;
	_ =	sdelay $0x1  }
0xb0: {  	v5 =	vadd.f32 v6, v5;
	_ =	sdelay $0x1  }
0xb1: {  	v5 =	vmul.f32 $1.767766920e-01, v5;
	_ =	sdelay $0x1  }
0xb2: {  	v5 =	vmax.f32 v5, $-1.000000000e+01  }
0xb3: {  	v5 =	vmin.f32 v5, $1.000000000e+01  }
0xb4: {  	v5 =	vmul.f32 $1.442695020e+00, v5;
	_ =	sdelay $0x1  }
0xb5: {  	(erf) = vpow2.f32 v5;
	_ =	sdelay $0x1  }
0xb6: {  	s26 =	simm.s32 $0x40  }
0xb7: {  	v5 =	vmov s26  }
0xb8: {  	s30 =	simm.s32 $0x41;
	v5 =	vand.u32 $0x78, v5  }
0xb9: {  	v7 =	vmov s30;
	v6 =	vor.u32 $0x1, v3;
	v5 =	vbroadcast v5, $0x0  }
0xba: {  	s31 =	simm.s32 $0x42;
	v8 =	vor.u32 $0x1, v4;
	v7 =	vand.u32 $0x79, v7  }
0xbb: {  	v9 =	vmov s31;
	v7 =	vbroadcast v7, $0x0;
	v5 =	vor.u32 v2, v5  }
0xbc: {  	s28 =	simm.s32 $0x43;
	v9 =	vand.u32 $0x7A, v9  }
0xbd: {  	v11 =	vmov s28;
	v9 =	vbroadcast v9, $0x0;
	v7 =	vor.u32 v2, v7;
	v10 =	vpop (erf)  }
0xbe: {  	s30 =	simm.s32 $0x45;
	[tilespmem:v6+s18+$0x0] =	vst.idx.msk $0xffff, v10;
	v6 =	vand.u32 $0x7B, v11  }
0xbf: {  	s29 =	simm.s32 $0x44;
	v9 =	vor.u32 v2, v9;
	v11 =	vmov s30;
	[tilespmem:v8+s19+$0x0] =	vst.idx.add.f32.msk $0xffff, v10;
	v6 =	vbroadcast v6, $0x0  }
0xc0: {  	v8 =	vmov s29;
	v11 =	vand.u32 $0x7D, v11;
	v10 =	vld.idx.msk [tilespmem:v5+s14+$0x0], $0xffff  }
0xc1: {  	s31 =	simm.s32 $0x46;
	v8 =	vand.u32 $0x7C, v8;
	v5 =	vld.idx.msk [tilespmem:v5+s15+$0x0], $0xffff;
	v11 =	vbroadcast v11, $0x0;
	v6 =	vor.u32 v2, v6  }
0xc2: {  	v14 =	vimm.f32 $0.0e+00;
	s28 =	simm.s32 $0x47;
	v13 =	vmov s31;
	v12 =	vld.idx.msk [tilespmem:v7+s14+$0x0], $0xffff;
	v8 =	vbroadcast v8, $0x0  }
0xc3: {  	v15 =	vmov s28;
	v13 =	vand.u32 $0x7E, v13;
	v7 =	vld.idx.msk [tilespmem:v7+s15+$0x0], $0xffff;
	v11 =	vor.u32 v2, v11  }
0xc4: {  	v15 =	vand.u32 $0x7F, v15;
	v13 =	vbroadcast v13, $0x0;
	s30 =	simm.s32 $0x49;
	s29 =	simm.s32 $0x48;
	v16 =	vld.idx.msk [tilespmem:v9+s14+$0x0], $0xffff;
	v8 =	vor.u32 v2, v8  }
0xc5: {  	v15 =	vbroadcast v15, $0x0;
	v18 =	vmov s30;
	v17 =	vmov s29;
	v9 =	vld.idx.msk [tilespmem:v9+s15+$0x0], $0xffff  }
0xc6: {  	s31 =	simm.s32 $0x4A;
	v17 =	vand.u32 $0x78, v17;
	v5 =	vmul.f32 v5, v10;
	v10 =	vor.u32 v2, v13;
	v19 =	vld.idx.msk [tilespmem:v6+s14+$0x0], $0xffff  }
0xc7: {  	v13 =	vbroadcast v17, $0x0;
	v17 =	vand.u32 $0x79, v18;
	v18 =	vmov s31;
	v6 =	vld.idx.msk [tilespmem:v6+s15+$0x0], $0xffff  }
0xc8: {  	v5 =	vadd.f32 v5, v14;
	v14 =	vor.u32 v2, v15;
	v15 =	vand.u32 $0x7A, v18;
	v18 =	vld.idx.msk [tilespmem:v11+s14+$0x0], $0xffff  }
0xc9: {  	v7 =	vmul.f32 v7, v12;
	v20 =	vld.idx.msk [tilespmem:v8+s14+$0x0], $0xffff  }
0xca: {  	s28 =	simm.s32 $0x4B;
	v16 =	vmul.f32 v9, v16;
	v12 =	vbroadcast v17, $0x0;
	v8 =	vld.idx.msk [tilespmem:v8+s15+$0x0], $0xffff  }
0xcb: {  	s29 =	simm.s32 $0x4C;
	v17 =	vmov s28;
	v13 =	vor.u32 v2, v13;
	v21 =	vld.idx.msk [tilespmem:v11+s15+$0x0], $0xffff;
	v7 =	vadd.f32 v7, v5  }
0xcc: {  	v11 =	vbroadcast v15, $0x0;
	v15 =	vand.u32 $0x7B, v17;
	v17 =	vmov s29;
	v5 =	vld.idx.msk [tilespmem:v10+s14+$0x0], $0xffff  }
0xcd: {  	v9 =	vor.u32 v2, v12;
	v12 =	vld.idx.msk [tilespmem:v10+s15+$0x0], $0xffff;
	v16 =	vadd.f32 v16, v7;
	v6 =	vmul.f32 v6, v19  }
0xce: {  	s30 =	simm.s32 $0x4D;
	v10 =	vor.u32 v2, v11;
	v19 =	vbroadcast v15, $0x0;
	v15 =	vand.u32 $0x7C, v17;
	v7 =	vld.idx.msk [tilespmem:v14+s14+$0x0], $0xffff  }
0xcf: {  	s31 =	simm.s32 $0x4E;
	v17 =	vmov s30;
	v14 =	vld.idx.msk [tilespmem:v14+s15+$0x0], $0xffff;
	v16 =	vadd.f32 v6, v16;
	v8 =	vmul.f32 v8, v20  }
0xd0: {  	v22 =	vmov s31;
	v15 =	vbroadcast v15, $0x0;
	v17 =	vand.u32 $0x7D, v17;
	v6 =	vld.idx.msk [tilespmem:v13+s14+$0x0], $0xffff  }
0xd1: {  	s28 =	simm.s32 $0x4F;
	v13 =	vld.idx.msk [tilespmem:v13+s15+$0x0], $0xffff;
	v11 =	vor.u32 v2, v19;
	v20 =	vmul.f32 v21, v18;
	v19 =	vadd.f32 v8, v16  }
0xd2: {  	s26 =	simm.s32 $0x8;
	v18 =	vand.u32 $0x7E, v22;
	v8 =	vld.idx.msk [tilespmem:v9+s14+$0x0], $0xffff;
	v16 =	vbroadcast v17, $0x0;
	v17 =	vmov s28  }
.LBB2_10:
0xd3: {  	s29 =	sadd.s32 $0x48, s26;
	v9 =	vld.idx.msk [tilespmem:v9+s15+$0x0], $0xffff;
	v15 =	vor.u32 v2, v15;
	v19 =	vadd.f32 v20, v19;
	v5 =	vmul.f32 v12, v5;
	s28 =	smov.u32 s26  }
0xd4: {  	v18 =	vbroadcast v18, $0x0;
	v17 =	vand.u32 $0x7F, v17;
	v12 =	vmov s29;
	v20 =	vld.idx.msk [tilespmem:v10+s14+$0x0], $0xffff  }
0xd5: {  	s29 =	sadd.s32 $0x49, s26;
	v16 =	vor.u32 v2, v16;
	v7 =	vmul.f32 v14, v7;
	v10 =	vld.idx.msk [tilespmem:v10+s15+$0x0], $0xffff;
	v5 =	vadd.f32 v5, v19  }
0xd6: {  	v17 =	vbroadcast v17, $0x0;
	v12 =	vand.u32 $0x78, v12;
	v14 =	vmov s29;
	v19 =	vld.idx.msk [tilespmem:v11+s14+$0x0], $0xffff  }
0xd7: {  	s26 =	sadd.s32 $0x8, s26;
	s29 =	sadd.s32 $0x4A, s28;
	v6 =	vmul.f32 v13, v6;
	v13 =	vor.u32 v2, v18;
	v11 =	vld.idx.msk [tilespmem:v11+s15+$0x0], $0xffff;
	v5 =	vadd.f32 v7, v5  }
0xd8: {  	p0 =	slt.u32 s26, $0x18;
	v7 =	vbroadcast v12, $0x0;
	v12 =	vand.u32 $0x79, v14;
	v14 =	vmov s29;
	v18 =	vld.idx.msk [tilespmem:v15+s14+$0x0], $0xffff  }
0xd9: {  	s29 =	sadd.s32 $0x4B, s28;
	v5 =	vadd.f32 v6, v5;
	v6 =	vmul.f32 v9, v8;
	v8 =	vld.idx.msk [tilespmem:v15+s15+$0x0], $0xffff;
	v15 =	vor.u32 v2, v17  }
0xda: {  	v9 =	vbroadcast v12, $0x0;
	v12 =	vand.u32 $0x7A, v14;
	v14 =	vmov s29;
	v17 =	vld.idx.msk [tilespmem:v16+s14+$0x0], $0xffff  }
0xdb: {  	v21 =	vor.u32 v2, v7;
	s29 =	sadd.s32 $0x4C, s28;
	v7 =	vmul.f32 v10, v20;
	v6 =	vadd.f32 v6, v5;
	v16 =	vld.idx.msk [tilespmem:v16+s15+$0x0], $0xffff  }
0xdc: {  	v10 =	vbroadcast v12, $0x0;
	v14 =	vand.u32 $0x7B, v14;
	v20 =	vmov s29;
	v5 =	vld.idx.msk [tilespmem:v13+s14+$0x0], $0xffff  }
0xdd: {  	s29 =	sadd.s32 $0x4D, s28;
	v9 =	vor.u32 v2, v9;
	v11 =	vmul.f32 v11, v19;
	v6 =	vadd.f32 v7, v6;
	v12 =	vld.idx.msk [tilespmem:v13+s15+$0x0], $0xffff  }
.Ltmp3:
0xde: {  	v19 =	vbroadcast v14, $0x0;
	v13 =	vand.u32 $0x7C, v20;
	v20 =	vmov s29;
	v7 =	vld.idx.msk [tilespmem:v15+s14+$0x0], $0xffff;
	(pc) =	sbr.rel @p0 .LBB2_10-.Ltmp3, $4  }
0xdf: {  	v10 =	vor.u32 v2, v10;
	s29 =	sadd.s32 $0x4E, s28;
	v8 =	vmul.f32 v8, v18;
	v22 =	vadd.f32 v11, v6;
	v14 =	vld.idx.msk [tilespmem:v15+s15+$0x0], $0xffff  }
0xe0: {  	v18 =	vand.u32 $0x7D, v20;
	v23 =	vmov s29;
	v15 =	vbroadcast v13, $0x0;
	v6 =	vld.idx.msk [tilespmem:v21+s14+$0x0], $0xffff  }
0xe1: {  	s28 =	sadd.s32 $0x4F, s28;
	v11 =	vor.u32 v2, v19;
	v20 =	vmul.f32 v16, v17;
	v13 =	vld.idx.msk [tilespmem:v21+s15+$0x0], $0xffff;
	v19 =	vadd.f32 v8, v22  }
0xe2: {  	v16 =	vbroadcast v18, $0x0;
	v18 =	vand.u32 $0x7E, v23;
	v17 =	vmov s28;
	v8 =	vld.idx.msk [tilespmem:v9+s14+$0x0], $0xffff  }
0xe3: {  	_ =	sdelay $0x2  }
0xe4: {  	v19 =	vadd.f32 v20, v19;
	v5 =	vmul.f32 v12, v5  }
0xe5: {  	v9 =	vld.idx.msk [tilespmem:v9+s15+$0x0], $0xffff;
	v12 =	vor.u32 v2, v15  }
0xe6: {  	v15 =	vld.idx.msk [tilespmem:v10+s14+$0x0], $0xffff;
	v7 =	vmul.f32 v14, v7;
	v5 =	vadd.f32 v5, v19  }
0xe7: {  	v10 =	vld.idx.msk [tilespmem:v10+s15+$0x0], $0xffff;
	v14 =	vbroadcast v18, $0x0;
	v16 =	vor.u32 v2, v16  }
0xe8: {  	v17 =	vand.u32 $0x7F, v17;
	v18 =	vld.idx.msk [tilespmem:v11+s14+$0x0], $0xffff;
	v6 =	vmul.f32 v13, v6;
	v5 =	vadd.f32 v7, v5  }
0xe9: {  	v11 =	vld.idx.msk [tilespmem:v11+s15+$0x0], $0xffff;
	v13 =	vor.u32 v2, v14;
	v7 =	vbroadcast v17, $0x0  }
0xea: {  	v14 =	vld.idx.msk [tilespmem:v12+s14+$0x0], $0xffff;
	v5 =	vadd.f32 v6, v5;
	v6 =	vmul.f32 v9, v8  }
0xeb: {  	v8 =	vld.idx.msk [tilespmem:v12+s15+$0x0], $0xffff;
	v7 =	vor.u32 v2, v7  }
0xec: {  	v9 =	vld.idx.msk [tilespmem:v16+s14+$0x0], $0xffff;
	v5 =	vadd.f32 v6, v5;
	v6 =	vmul.f32 v10, v15  }
0xed: {  	v10 =	vld.idx.msk [tilespmem:v16+s15+$0x0], $0xffff  }
0xee: {  	v12 =	vld.idx.msk [tilespmem:v13+s14+$0x0], $0xffff;
	v5 =	vadd.f32 v6, v5;
	v6 =	vmul.f32 v11, v18  }
0xef: {  	v11 =	vld.idx.msk [tilespmem:v13+s15+$0x0], $0xffff  }
0xf0: {  	v13 =	vld.idx.msk [tilespmem:v7+s14+$0x0], $0xffff;
	v5 =	vadd.f32 v6, v5;
	v6 =	vmul.f32 v8, v14  }
0xf1: {  	v7 =	vld.idx.msk [tilespmem:v7+s15+$0x0], $0xffff  }
0xf2: {  	v5 =	vadd.f32 v6, v5;
	v6 =	vmul.f32 v10, v9;
	_ =	sdelay $0x1  }
0xf3: {  	v5 =	vadd.f32 v6, v5;
	v6 =	vmul.f32 v11, v12;
	_ =	sdelay $0x1  }
0xf4: {  	v5 =	vadd.f32 v6, v5;
	v6 =	vmul.f32 v7, v13;
	_ =	sdelay $0x1  }
0xf5: {  	v5 =	vadd.f32 v6, v5;
	_ =	sdelay $0x1  }
0xf6: {  	v5 =	vmul.f32 $1.767766920e-01, v5;
	_ =	sdelay $0x1  }
0xf7: {  	v5 =	vmax.f32 v5, $-1.000000000e+01  }
0xf8: {  	v5 =	vmin.f32 v5, $1.000000000e+01  }
0xf9: {  	v5 =	vmul.f32 $1.442695020e+00, v5;
	_ =	sdelay $0x1  }
0xfa: {  	(erf) = vpow2.f32 v5;
	_ =	sdelay $0x1  }
0xfb: {  	s26 =	simm.s32 $0x60  }
0xfc: {  	v5 =	vmov s26  }
0xfd: {  	s30 =	simm.s32 $0x61;
	v5 =	vand.u32 $0x78, v5  }
0xfe: {  	v7 =	vmov s30;
	v6 =	vor.u32 $0x2, v3;
	v5 =	vbroadcast v5, $0x0  }
0xff: {  	s31 =	simm.s32 $0x62;
	v8 =	vor.u32 $0x2, v4;
	v7 =	vand.u32 $0x79, v7  }
0x100: {  	v9 =	vmov s31;
	v7 =	vbroadcast v7, $0x0;
	v5 =	vor.u32 v2, v5  }
0x101: {  	s28 =	simm.s32 $0x63;
	v9 =	vand.u32 $0x7A, v9  }
0x102: {  	v11 =	vmov s28;
	v9 =	vbroadcast v9, $0x0;
	v7 =	vor.u32 v2, v7;
	v10 =	vpop (erf)  }
0x103: {  	s30 =	simm.s32 $0x65;
	[tilespmem:v6+s18+$0x0] =	vst.idx.msk $0xffff, v10;
	v6 =	vand.u32 $0x7B, v11  }
0x104: {  	s29 =	simm.s32 $0x64;
	v9 =	vor.u32 v2, v9;
	v11 =	vmov s30;
	[tilespmem:v8+s19+$0x0] =	vst.idx.add.f32.msk $0xffff, v10;
	v6 =	vbroadcast v6, $0x0  }
0x105: {  	v8 =	vmov s29;
	v11 =	vand.u32 $0x7D, v11;
	v10 =	vld.idx.msk [tilespmem:v5+s14+$0x0], $0xffff  }
0x106: {  	s31 =	simm.s32 $0x66;
	v8 =	vand.u32 $0x7C, v8;
	v5 =	vld.idx.msk [tilespmem:v5+s15+$0x0], $0xffff;
	v11 =	vbroadcast v11, $0x0;
	v6 =	vor.u32 v2, v6  }
0x107: {  	v14 =	vimm.f32 $0.0e+00;
	s28 =	simm.s32 $0x67;
	v13 =	vmov s31;
	v12 =	vld.idx.msk [tilespmem:v7+s14+$0x0], $0xffff;
	v8 =	vbroadcast v8, $0x0  }
0x108: {  	v15 =	vmov s28;
	v13 =	vand.u32 $0x7E, v13;
	v7 =	vld.idx.msk [tilespmem:v7+s15+$0x0], $0xffff;
	v11 =	vor.u32 v2, v11  }
0x109: {  	v15 =	vand.u32 $0x7F, v15;
	v13 =	vbroadcast v13, $0x0;
	s30 =	simm.s32 $0x69;
	s29 =	simm.s32 $0x68;
	v16 =	vld.idx.msk [tilespmem:v9+s14+$0x0], $0xffff;
	v8 =	vor.u32 v2, v8  }
0x10a: {  	v15 =	vbroadcast v15, $0x0;
	v18 =	vmov s30;
	v17 =	vmov s29;
	v9 =	vld.idx.msk [tilespmem:v9+s15+$0x0], $0xffff  }
0x10b: {  	s31 =	simm.s32 $0x6A;
	v17 =	vand.u32 $0x78, v17;
	v5 =	vmul.f32 v5, v10;
	v10 =	vor.u32 v2, v13;
	v19 =	vld.idx.msk [tilespmem:v6+s14+$0x0], $0xffff  }
0x10c: {  	v13 =	vbroadcast v17, $0x0;
	v17 =	vand.u32 $0x79, v18;
	v18 =	vmov s31;
	v6 =	vld.idx.msk [tilespmem:v6+s15+$0x0], $0xffff  }
0x10d: {  	v5 =	vadd.f32 v5, v14;
	v14 =	vor.u32 v2, v15;
	v15 =	vand.u32 $0x7A, v18;
	v18 =	vld.idx.msk [tilespmem:v11+s14+$0x0], $0xffff  }
0x10e: {  	v7 =	vmul.f32 v7, v12;
	v20 =	vld.idx.msk [tilespmem:v8+s14+$0x0], $0xffff  }
0x10f: {  	s28 =	simm.s32 $0x6B;
	v16 =	vmul.f32 v9, v16;
	v12 =	vbroadcast v17, $0x0;
	v8 =	vld.idx.msk [tilespmem:v8+s15+$0x0], $0xffff  }
0x110: {  	s29 =	simm.s32 $0x6C;
	v17 =	vmov s28;
	v13 =	vor.u32 v2, v13;
	v21 =	vld.idx.msk [tilespmem:v11+s15+$0x0], $0xffff;
	v7 =	vadd.f32 v7, v5  }
0x111: {  	v11 =	vbroadcast v15, $0x0;
	v15 =	vand.u32 $0x7B, v17;
	v17 =	vmov s29;
	v5 =	vld.idx.msk [tilespmem:v10+s14+$0x0], $0xffff  }
0x112: {  	v9 =	vor.u32 v2, v12;
	v12 =	vld.idx.msk [tilespmem:v10+s15+$0x0], $0xffff;
	v16 =	vadd.f32 v16, v7;
	v6 =	vmul.f32 v6, v19  }
0x113: {  	s30 =	simm.s32 $0x6D;
	v10 =	vor.u32 v2, v11;
	v19 =	vbroadcast v15, $0x0;
	v15 =	vand.u32 $0x7C, v17;
	v7 =	vld.idx.msk [tilespmem:v14+s14+$0x0], $0xffff  }
0x114: {  	s31 =	simm.s32 $0x6E;
	v17 =	vmov s30;
	v14 =	vld.idx.msk [tilespmem:v14+s15+$0x0], $0xffff;
	v16 =	vadd.f32 v6, v16;
	v8 =	vmul.f32 v8, v20  }
0x115: {  	v22 =	vmov s31;
	v15 =	vbroadcast v15, $0x0;
	v17 =	vand.u32 $0x7D, v17;
	v6 =	vld.idx.msk [tilespmem:v13+s14+$0x0], $0xffff  }
0x116: {  	s28 =	simm.s32 $0x6F;
	v13 =	vld.idx.msk [tilespmem:v13+s15+$0x0], $0xffff;
	v11 =	vor.u32 v2, v19;
	v20 =	vmul.f32 v21, v18;
	v19 =	vadd.f32 v8, v16  }
0x117: {  	s26 =	simm.s32 $0x8;
	v18 =	vand.u32 $0x7E, v22;
	v8 =	vld.idx.msk [tilespmem:v9+s14+$0x0], $0xffff;
	v16 =	vbroadcast v17, $0x0;
	v17 =	vmov s28  }
.LBB2_12:
0x118: {  	s29 =	sadd.s32 $0x68, s26;
	v9 =	vld.idx.msk [tilespmem:v9+s15+$0x0], $0xffff;
	v15 =	vor.u32 v2, v15;
	v19 =	vadd.f32 v20, v19;
	v5 =	vmul.f32 v12, v5;
	s28 =	smov.u32 s26  }
0x119: {  	v18 =	vbroadcast v18, $0x0;
	v17 =	vand.u32 $0x7F, v17;
	v12 =	vmov s29;
	v20 =	vld.idx.msk [tilespmem:v10+s14+$0x0], $0xffff  }
0x11a: {  	s29 =	sadd.s32 $0x69, s26;
	v16 =	vor.u32 v2, v16;
	v7 =	vmul.f32 v14, v7;
	v10 =	vld.idx.msk [tilespmem:v10+s15+$0x0], $0xffff;
	v5 =	vadd.f32 v5, v19  }
0x11b: {  	v17 =	vbroadcast v17, $0x0;
	v12 =	vand.u32 $0x78, v12;
	v14 =	vmov s29;
	v19 =	vld.idx.msk [tilespmem:v11+s14+$0x0], $0xffff  }
0x11c: {  	s26 =	sadd.s32 $0x8, s26;
	s29 =	sadd.s32 $0x6A, s28;
	v6 =	vmul.f32 v13, v6;
	v13 =	vor.u32 v2, v18;
	v11 =	vld.idx.msk [tilespmem:v11+s15+$0x0], $0xffff;
	v5 =	vadd.f32 v7, v5  }
0x11d: {  	p0 =	slt.u32 s26, $0x18;
	v7 =	vbroadcast v12, $0x0;
	v12 =	vand.u32 $0x79, v14;
	v14 =	vmov s29;
	v18 =	vld.idx.msk [tilespmem:v15+s14+$0x0], $0xffff  }
0x11e: {  	s29 =	sadd.s32 $0x6B, s28;
	v5 =	vadd.f32 v6, v5;
	v6 =	vmul.f32 v9, v8;
	v8 =	vld.idx.msk [tilespmem:v15+s15+$0x0], $0xffff;
	v15 =	vor.u32 v2, v17  }
0x11f: {  	v9 =	vbroadcast v12, $0x0;
	v12 =	vand.u32 $0x7A, v14;
	v14 =	vmov s29;
	v17 =	vld.idx.msk [tilespmem:v16+s14+$0x0], $0xffff  }
0x120: {  	v21 =	vor.u32 v2, v7;
	s29 =	sadd.s32 $0x6C, s28;
	v7 =	vmul.f32 v10, v20;
	v6 =	vadd.f32 v6, v5;
	v16 =	vld.idx.msk [tilespmem:v16+s15+$0x0], $0xffff  }
0x121: {  	v10 =	vbroadcast v12, $0x0;
	v14 =	vand.u32 $0x7B, v14;
	v20 =	vmov s29;
	v5 =	vld.idx.msk [tilespmem:v13+s14+$0x0], $0xffff  }
0x122: {  	s29 =	sadd.s32 $0x6D, s28;
	v9 =	vor.u32 v2, v9;
	v11 =	vmul.f32 v11, v19;
	v6 =	vadd.f32 v7, v6;
	v12 =	vld.idx.msk [tilespmem:v13+s15+$0x0], $0xffff  }
.Ltmp4:
0x123: {  	v19 =	vbroadcast v14, $0x0;
	v13 =	vand.u32 $0x7C, v20;
	v20 =	vmov s29;
	v7 =	vld.idx.msk [tilespmem:v15+s14+$0x0], $0xffff;
	(pc) =	sbr.rel @p0 .LBB2_12-.Ltmp4, $4  }
0x124: {  	v10 =	vor.u32 v2, v10;
	s29 =	sadd.s32 $0x6E, s28;
	v8 =	vmul.f32 v8, v18;
	v22 =	vadd.f32 v11, v6;
	v14 =	vld.idx.msk [tilespmem:v15+s15+$0x0], $0xffff  }
0x125: {  	v18 =	vand.u32 $0x7D, v20;
	v23 =	vmov s29;
	v15 =	vbroadcast v13, $0x0;
	v6 =	vld.idx.msk [tilespmem:v21+s14+$0x0], $0xffff  }
0x126: {  	s28 =	sadd.s32 $0x6F, s28;
	v11 =	vor.u32 v2, v19;
	v20 =	vmul.f32 v16, v17;
	v13 =	vld.idx.msk [tilespmem:v21+s15+$0x0], $0xffff;
	v19 =	vadd.f32 v8, v22  }
0x127: {  	v16 =	vbroadcast v18, $0x0;
	v18 =	vand.u32 $0x7E, v23;
	v17 =	vmov s28;
	v8 =	vld.idx.msk [tilespmem:v9+s14+$0x0], $0xffff  }
0x128: {  	_ =	sdelay $0x2  }
0x129: {  	v19 =	vadd.f32 v20, v19;
	v5 =	vmul.f32 v12, v5  }
0x12a: {  	v9 =	vld.idx.msk [tilespmem:v9+s15+$0x0], $0xffff;
	v42 =	vor.u32 v2, v15  }
0x12b: {  	v43 =	vld.idx.msk [tilespmem:v10+s14+$0x0], $0xffff;
	v7 =	vmul.f32 v14, v7;
	v5 =	vadd.f32 v5, v19  }
0x12c: {  	v44 =	vbroadcast v18, $0x0;
	v45 =	vld.idx.msk [tilespmem:v10+s15+$0x0], $0xffff;
	v16 =	vor.u32 v2, v16  }
0x12d: {  	v17 =	vand.u32 $0x7F, v17;
	v46 =	vld.idx.msk [tilespmem:v11+s14+$0x0], $0xffff;
	v6 =	vmul.f32 v13, v6;
	v5 =	vadd.f32 v7, v5  }
0x12e: {  	v48 =	vld.idx.msk [tilespmem:v11+s15+$0x0], $0xffff;
	v47 =	vbroadcast v17, $0x0;
	v49 =	vor.u32 v2, v44  }
0x12f: {  	v50 =	vld.idx.msk [tilespmem:v42+s14+$0x0], $0xffff;
	v51 =	vmul.f32 v9, v8;
	v5 =	vadd.f32 v6, v5  }
0x130: {  	v2 =	vor.u32 v2, v47;
	v52 =	vld.idx.msk [tilespmem:v42+s15+$0x0], $0xffff  }
0x131: {  	v54 =	vmul.f32 v45, v43;
	v53 =	vld.idx.msk [tilespmem:v16+s14+$0x0], $0xffff;
	v5 =	vadd.f32 v51, v5  }
0x132: {  	v55 =	vld.idx.msk [tilespmem:v16+s15+$0x0], $0xffff  }
0x133: {  	v57 =	vmul.f32 v48, v46;
	v56 =	vld.idx.msk [tilespmem:v49+s14+$0x0], $0xffff;
	v5 =	vadd.f32 v54, v5  }
0x134: {  	v58 =	vld.idx.msk [tilespmem:v49+s15+$0x0], $0xffff  }
0x135: {  	v59 =	vld.idx.msk [tilespmem:v2+s14+$0x0], $0xffff;
	v60 =	vmul.f32 v52, v50;
	v5 =	vadd.f32 v57, v5  }
0x136: {  	v2 =	vld.idx.msk [tilespmem:v2+s15+$0x0], $0xffff  }
0x137: {  	v61 =	vmul.f32 v55, v53;
	v5 =	vadd.f32 v60, v5;
	_ =	sdelay $0x1  }
0x138: {  	v62 =	vmul.f32 v58, v56;
	v5 =	vadd.f32 v61, v5;
	_ =	sdelay $0x1  }
0x139: {  	v2 =	vmul.f32 v2, v59;
	v5 =	vadd.f32 v62, v5;
	_ =	sdelay $0x1  }
0x13a: {  	v2 =	vadd.f32 v2, v5;
	_ =	sdelay $0x1  }
0x13b: {  	v2 =	vmul.f32 $1.767766920e-01, v2;
	_ =	sdelay $0x1  }
0x13c: {  	v2 =	vmax.f32 v2, $-1.000000000e+01  }
0x13d: {  	v2 =	vmin.f32 v2, $1.000000000e+01  }
0x13e: {  	v2 =	vmul.f32 $1.442695020e+00, v2;
	_ =	sdelay $0x1  }
0x13f: {  	(erf) = vpow2.f32 v2;
	_ =	sdelay $0x4  }
0x140: {  	s25 =	sadd.s32 $0x1, s25;
	v2 =	vor.u32 $0x3, v3  }
0x141: {  	p0 =	sne.s32 s25, $0x8;
	v3 =	vor.u32 $0x3, v4  }
.Ltmp5:
0x142: {  	_ = 	snop;
	(pc) =	sbr.rel @p0 .LBB2_5-.Ltmp5, $4  }
0x143: {  	_ = 	snop  }
0x144: {  	v63 =	vpop (erf)  }
0x145: {  	[tilespmem:v2+s18+$0x0] =	vst.idx.msk $0xffff, v63  }
0x146: {  	[tilespmem:v3+s19+$0x0] =	vst.idx.add.f32.msk $0xffff, v63  }
0x147: {  	s23 =	sadd.s32 $0x1, s23  }
0x148: {  	s24 =	sshll.u32 s24, $0x6;
	p0 =	sne.s32 s23, s9  }
.Ltmp6:
0x149: {  	s24 =	sadd.s32 s8, s24;
	(pc) =	sbr.rel @p0 .LBB2_4-.Ltmp6, $4  }
0x14a: {  	[hbm4b:s24+s4] =	stream.linear.scatter [tilespmem:s18], [sflag:$0x3], $0x200, $0x38;
	[tilespmem:$0x12300] =	vst v63  }
0x14b: {  	_ =	swait.ge [sflag:s12], $0x200  }
0x14c: {  	[sflag:s12] =	ssyncset.done $0x0  }
0x14d: {  	[sflag:s12] =	ssyncadd.s32 $0xFFFFFE00  }
0x14e: {  	s21 =	sadd.s32 $0x1, s21  }
0x14f: {  	p0 =	sne.s32 s21, s11  }
.Ltmp7:
0x150: {  	_ = 	snop;
	(pc) =	sbr.rel @p0 .LBB2_1-.Ltmp7, $4  }
0x151: {  	[hbm4b:s10+s13] =	stream.strided.scatter [tilespmem:s19], [sflag:$0x3], $0xA000, s20, s13, $0x38;
	[tilespmem:$0x12300] =	vst v63  }
0x152: {  	_ =	swait.ge [sflag:s12], $0xA000  }
0x153: {  	[sflag:s12] =	ssyncset.done $0x0  }
0x154: {  	[sflag:s12] =	ssyncadd.s32 $0xFFFF6000  }
0x155: {  	_ =	sfence.sel $0x180000  }
0x156: {  	[bflag:$0x0] =	sbarrier.arrive $0xFFFF  }
0x157: {  	p0 =	sne.s32 s2, $0x0;
	_ =	strace $0x90000047  }
0x158: {  	s0 =	sadd.s32 @!p0 $0x100000, s0;
	[bflag:$0x2] =	sbarrier.arrive $0xFFFF  }
0x159: {  	[sflag:s0] =	ssyncadd.tile.s32 @!p0 $0x1;
	_ =	shalt  }
.Lfunc_end2:
_tile_overlayer_lowered:
.L_overlay_start_2:
0x15a: {  	(tag) =	ssettag $0x2  }
0x15b: {  	s0 =	rddreg [dreg:$0x0];
	s2 =	stileid.u32  }
0x15c: {  	s1 =	rddreg [dreg:$0x1];
	p0 =	sne.s32 s2, $0x0  }
0x15d: {  	s3 =	rddreg [dreg:$0x2];
	[bflag:$0x3] =	sbarrier.arrive $0xFFFF;
	s2 =	simm.s32 @!p0 $0x1C03  }
0x15e: {  	[timem:s3], [sflag:s2] =	dma.local @!p0 [hbm:s0], s1  }
0x15f: {  	s0 =	simm.s32 @!p0 $0x3  }
0x160: {  	_ =	swait.ge @!p0 [sflag:s0], s1  }
0x161: {  	s1 =	ssub.s32 @!p0 $0x0, s1;
	[sflag:s0] =	ssyncset.done @!p0 $0x0  }
0x162: {  	[sflag:s0] =	ssyncadd.s32 @!p0 s1  }
0x163: {  	[bflag:$0x3] =	sbarrier.arrive $0xFFFF  }
0x164: {  	_ =	shalt  }

</sc_bundles>
